<compile_context>
chip_gen: v7x
topology: tpu7x:2x2x1
jax: 0.10.2.dev20260603
libtpu: 0.0.44.dev20260713+nightly
codegen_flags: <defaults>
</compile_context>

<pallas_src>
import functools

import jax
import jax.numpy as jnp
from jax import lax
from jax.experimental import pallas as pl
from jax.experimental.pallas import tpu as pltpu
from jax.experimental.pallas import tpu_sc as plsc

N = 10000
E = 320000
B = 64
D = 128
DOUT = 64

NC, NS = 2, 16
NW = NC * NS
CH = 128
CPW = 80
EPAD = NW * CPW * CH
NROWS = EPAD // CH
NPAD = 10112
RPT = NPAD // NS

GRP = 8
NBUF = 2
CPW0 = 152
CPW1 = 8
NGRP0 = CPW0 // GRP
NGRP1 = CPW1 // GRP

_mesh = plsc.VectorSubcoreMesh(core_axis_name="c", subcore_axis_name="s")



def _sc_count_body(dst2, out, dst_v, hist, sem):
    c = lax.axis_index("c")
    s = lax.axis_index("s")
    wid = c * NS + s
    pltpu.sync_copy(dst2.at[pl.ds(wid * CPW, CPW)], dst_v)
    zeros16 = jnp.zeros((16,), jnp.float32)
    ones16 = jnp.ones((16,), jnp.float32)

    def zbody(i, carry):
        hist[pl.ds(i * 16, 16)] = zeros16
        return carry

    lax.fori_loop(0, NPAD // 16, zbody, 0)

    def body(i, carry):
        idx = dst_v[i // (CH // 16), pl.ds((i % (CH // 16)) * 16, 16)]
        plsc.addupdate_scatter(hist, [idx], ones16)
        return carry

    lax.fori_loop(0, (CPW * CH) // 16, body, 0)
    pltpu.sync_copy(hist, out.at[wid])


_sc_count = functools.partial(
    pl.kernel,
    _sc_count_body,
    out_type=jax.ShapeDtypeStruct((NW, NPAD), jnp.float32),
    mesh=_mesh,
    compiler_params=pltpu.CompilerParams(needs_layout_passes=False),
    scratch_types=[
        pltpu.VMEM((CPW, CH), jnp.int32),
        pltpu.VMEM((NPAD,), jnp.float32),
        pltpu.SemaphoreType.DMA,
    ],
)()


def _sc_agg_body(hp, src2, dst2, zeros, out, srcg, dstg, rows_v, acc,
                 gsem0, gsem1, ssem0, ssem1, isem):
    c = lax.axis_index("c")
    s = lax.axis_index("s")
    gsems = (gsem0, gsem1)
    ssems = (ssem0, ssem1)
    base = pl.multiple_of(
        jnp.where(c == 0, s * CPW0, NS * CPW0 + s * CPW1), 8)
    cpw = jnp.where(c == 0, CPW0, CPW1)
    ngrp = jnp.where(c == 0, NGRP0, NGRP1)
    pltpu.sync_copy(src2.at[pl.ds(base, GRP)], srcg.at[0])
    pltpu.sync_copy(dst2.at[pl.ds(base, GRP)], dstg.at[0])

    @pl.when(ngrp > 1)
    def _():
        gbase1 = pl.multiple_of(base + GRP, 8)
        pltpu.async_copy(src2.at[pl.ds(gbase1, GRP)], srcg.at[1], isem)
        pltpu.async_copy(dst2.at[pl.ds(gbase1, GRP)], dstg.at[1], isem)
    pltpu.sync_copy(zeros, acc.at[pl.ds(s * RPT, RPT)])
    plsc.subcore_barrier()
    pltpu.async_copy(hp.at[srcg.at[0, 0]], rows_v.at[0], gsem0)

    def body(k, carry):
        g = k // GRP
        p = g % 2
        q = (g + 1) % 2
        r = k % GRP

        for b in range(NBUF):
            @pl.when(k % NBUF == b)
            def _():
                b2 = (b + 1) % NBUF
                pltpu.make_async_copy(hp.at[srcg.at[p, r]], rows_v.at[b],
                                      gsems[b]).wait()
                pltpu.async_copy(rows_v.at[b], acc.at[dstg.at[p, r]],
                                 ssems[b], add=True)

                @pl.when(k > 0)
                def _():
                    pltpu.make_async_copy(
                        rows_v.at[b2], acc.at[dstg.at[p, r]],
                        ssems[b2]).wait()

                @pl.when(jnp.logical_and(jnp.logical_and(r == 0, k > 0),
                                         g + 1 < ngrp))
                def _():
                    gb = pl.multiple_of(base + (g + 1) * GRP, 8)
                    pltpu.async_copy(src2.at[pl.ds(gb, GRP)], srcg.at[q],
                                     isem)
                    pltpu.async_copy(dst2.at[pl.ds(gb, GRP)], dstg.at[q],
                                     isem)

                @pl.when(jnp.logical_and(r == GRP - 1, g + 1 < ngrp))
                def _():
                    pltpu.make_async_copy(src2.at[pl.ds(0, GRP)], srcg.at[q],
                                          isem).wait()
                    pltpu.make_async_copy(dst2.at[pl.ds(0, GRP)], dstg.at[q],
                                          isem).wait()

                @pl.when(k + 1 < cpw)
                def _():
                    g2 = (k + 1) // GRP
                    r2 = (k + 1) % GRP
                    pltpu.async_copy(hp.at[srcg.at[g2 % 2, r2]],
                                     rows_v.at[b2], gsems[b2])
        return carry

    lax.fori_loop(0, cpw, body, 0)
    for b in range(NBUF):
        @pl.when((cpw - 1) % NBUF == b)
        def _():
            pltpu.make_async_copy(rows_v.at[b], acc.at[dstg.at[0, 0]],
                                  ssems[b]).wait()
    plsc.subcore_barrier()
    pltpu.sync_copy(acc.at[pl.ds(s * RPT, RPT)], out.at[c, pl.ds(s * RPT, RPT)])


_sc_agg = functools.partial(
    pl.kernel,
    _sc_agg_body,
    out_type=jax.ShapeDtypeStruct((NC, NPAD, D), jnp.float32),
    mesh=_mesh,
    scratch_types=[
        pltpu.VMEM((2, GRP, CH), jnp.int32),
        pltpu.VMEM((2, GRP, CH), jnp.int32),
        pltpu.VMEM((NBUF, CH, D), jnp.float32),
        pltpu.VMEM_SHARED((NPAD, D), jnp.float32),
        pltpu.SemaphoreType.DMA,
        pltpu.SemaphoreType.DMA,
        pltpu.SemaphoreType.DMA,
        pltpu.SemaphoreType.DMA,
        pltpu.SemaphoreType.DMA,
    ],
)()



def _tc_prep_body(x_ref, w1_ref, cp_ref, z_ref, hp_ref, dinv_ref):
    cnt = jnp.sum(cp_ref[...], axis=0)[:N].reshape(N, 1)
    dinv = lax.rsqrt(cnt + 1.0)
    z = jnp.dot(x_ref[...], w1_ref[...], preferred_element_type=jnp.float32)
    dinv_ref[...] = dinv
    z_ref[...] = z
    hp_ref[...] = z * dinv


def _tc_mid_body(s1_ref, z1_ref, dinv_ref, b1_ref, w2_ref, z2_ref, h2p_ref):
    dinv = dinv_ref[...]
    s = s1_ref[0, :N, :] + s1_ref[1, :N, :]
    z1 = z1_ref[...]
    h1 = jnp.maximum(dinv * s + dinv * dinv * z1 + b1_ref[...], 0.0)
    z2 = jnp.dot(h1, w2_ref[...], preferred_element_type=jnp.float32)
    z2_ref[...] = z2
    h2p_ref[...] = z2 * dinv


def _tc_fin_body(s2_ref, z2_ref, dinv_ref, b2_ref, bat_ref, wfc_ref, bfc_ref,
                 out_ref):
    dinv = dinv_ref[...]
    s = s2_ref[0, :N, :] + s2_ref[1, :N, :]
    z2 = z2_ref[...]
    h2 = jnp.maximum(dinv * s + dinv * dinv * z2 + b2_ref[...], 0.0)
    ids = lax.broadcasted_iota(jnp.int32, (B, N), 0)
    m = (bat_ref[...] == ids).astype(jnp.float32)
    sums = jnp.dot(m, h2, preferred_element_type=jnp.float32)
    cb = jnp.sum(m, axis=1, keepdims=True)
    pooled = sums / jnp.maximum(cb, 1.0)
    logits = jnp.dot(pooled, wfc_ref[...],
                     preferred_element_type=jnp.float32) + bfc_ref[...]
    mx = jnp.max(logits, axis=1, keepdims=True)
    sh = logits - mx
    out_ref[...] = sh - jnp.log(jnp.sum(jnp.exp(sh), axis=1, keepdims=True))


_tc_prep = pl.pallas_call(
    _tc_prep_body,
    out_shape=[
        jax.ShapeDtypeStruct((N, D), jnp.float32),
        jax.ShapeDtypeStruct((N, D), jnp.float32),
        jax.ShapeDtypeStruct((N, 1), jnp.float32),
    ],
)

_tc_mid = pl.pallas_call(
    _tc_mid_body,
    out_shape=[
        jax.ShapeDtypeStruct((N, D), jnp.float32),
        jax.ShapeDtypeStruct((N, D), jnp.float32),
    ],
)

_tc_fin = pl.pallas_call(
    _tc_fin_body,
    out_shape=jax.ShapeDtypeStruct((B, DOUT), jnp.float32),
)


def kernel(x, edge_index, batch, W1, b1, W2, b2, Wfc, bfc):
    src = edge_index[0]
    dst = edge_index[1]
    pad = EPAD - E
    src2 = jnp.concatenate([src, jnp.zeros((pad,), jnp.int32)]).reshape(NROWS, CH)
    dst2 = jnp.concatenate([dst, jnp.full((pad,), N, jnp.int32)]).reshape(NROWS, CH)
    zeros_d = jnp.zeros((RPT, D), jnp.float32)

    cp = _sc_count(dst2)
    z1, h1p, dinv = _tc_prep(x, W1, cp)
    s1 = _sc_agg(h1p, src2, dst2, zeros_d)
    z2, h2p = _tc_mid(s1, z1, dinv, b1.reshape(1, D), W2)
    s2 = _sc_agg(h2p, src2, dst2, zeros_d)
    return _tc_fin(s2, z2, dinv, b2.reshape(1, D), batch.reshape(1, N),
                   Wfc, bfc.reshape(1, DOUT))

# --- scband reference (transcript-rebuilt; emitter-appended) ---
"""Pipeline reference for scband-gnnmodel-1958505087710 (READ-ONLY COPY).

The authoritative reference and input builder live on the scoring server;
editing this copy changes nothing except your own understanding.
"""

import jax, jax.numpy as jnp
import numpy as np

N = 10000
E = 320000
B = 64
D_IN = 128
D_H = 128
D_OUT = 64


def setup_inputs(seed: int = 0) -> dict:
    key = jax.random.key(seed)
    ks = jax.random.split(key, 10)
    x = jax.random.normal(ks[0], (N, D_IN), dtype=jnp.float32)
    edge_index = jax.random.randint(ks[1], (2, E), 0, N, dtype=jnp.int32)
    batch = jnp.sort(jax.random.randint(ks[2], (N,), 0, B, dtype=jnp.int32))
    s1 = 1.0 / np.sqrt(D_IN)
    s2 = 1.0 / np.sqrt(D_H)
    W1 = jax.random.uniform(ks[3], (D_IN, D_H), dtype=jnp.float32, minval=-s1, maxval=s1)
    b1 = jnp.zeros((D_H,), dtype=jnp.float32)
    W2 = jax.random.uniform(ks[4], (D_H, D_H), dtype=jnp.float32, minval=-s2, maxval=s2)
    b2 = jnp.zeros((D_H,), dtype=jnp.float32)
    Wfc = jax.random.uniform(ks[5], (D_H, D_OUT), dtype=jnp.float32, minval=-s2, maxval=s2)
    bfc = jax.random.uniform(ks[6], (D_OUT,), dtype=jnp.float32, minval=-s2, maxval=s2)
    return {"x": x, "edge_index": edge_index, "batch": batch,
            "W1": W1, "b1": b1, "W2": W2, "b2": b2, "Wfc": Wfc, "bfc": bfc}


def _gcn_conv(x, edge_index, W, b):
    # GCNConv: add self-loops, symmetric normalization D^-1/2 (A+I) D^-1/2, then linear + bias
    h = x @ W
    src = edge_index[0]
    dst = edge_index[1]
    loop = jnp.arange(h.shape[0], dtype=src.dtype)
    src = jnp.concatenate([src, loop])
    dst = jnp.concatenate([dst, loop])
    deg = jax.ops.segment_sum(jnp.ones_like(dst, dtype=h.dtype), dst, num_segments=h.shape[0])
    dinv = jnp.where(deg > 0, jax.lax.rsqrt(jnp.maximum(deg, 1e-12)), 0.0)
    norm = dinv[src] * dinv[dst]
    msg = h[src] * norm[:, None]
    out = jax.ops.segment_sum(msg, dst, num_segments=h.shape[0])
    return out + b


def reference(x, edge_index, batch, W1, b1, W2, b2, Wfc, bfc):
    h = jax.nn.relu(_gcn_conv(x, edge_index, W1, b1))
    h = jax.nn.relu(_gcn_conv(h, edge_index, W2, b2))
    sums = jax.ops.segment_sum(h, batch, num_segments=B)
    cnt = jax.ops.segment_sum(jnp.ones((h.shape[0],), dtype=h.dtype), batch, num_segments=B)
    pooled = sums / jnp.maximum(cnt, 1.0)[:, None]
    logits = pooled @ Wfc + bfc
    return jax.nn.log_softmax(logits, axis=1)

if __name__ == "__main__":
    import jax
    _d = setup_inputs()
    print(jax.jit(kernel)(*tuple(_d.values())))

</pallas_src>

<mosaic_0001>
#map = affine_map<(d0, d1) -> (0, 0)>
#map1 = affine_map<(d0, d1) -> (0, 0, 0)>
module attributes {stable_mosaic.version = 14 : i64} {
  func.func @_sc_agg_body(%arg0: i32, %arg1: i32, %arg2: memref<10000x128xf32, #tpu.memory_space<hbm>>, %arg3: memref<2560x128xi32, #tpu.memory_space<hbm>>, %arg4: memref<2560x128xi32, #tpu.memory_space<hbm>>, %arg5: memref<632x128xf32, #tpu.memory_space<hbm>>, %arg6: memref<2x10112x128xf32, #tpu.memory_space<hbm>>, %arg7: memref<2x8x128xi32, #tpu.memory_space<vmem>>, %arg8: memref<2x8x128xi32, #tpu.memory_space<vmem>>, %arg9: memref<2x128x128xf32, #tpu.memory_space<vmem>>, %arg10: memref<10112x128xf32, #tpu.memory_space<vmem_shared>>, %arg11: memref<!tpu.dma_semaphore, #tpu.memory_space<semaphore_mem>>, %arg12: memref<!tpu.dma_semaphore, #tpu.memory_space<semaphore_mem>>, %arg13: memref<!tpu.dma_semaphore, #tpu.memory_space<semaphore_mem>>, %arg14: memref<!tpu.dma_semaphore, #tpu.memory_space<semaphore_mem>>, %arg15: memref<!tpu.dma_semaphore, #tpu.memory_space<semaphore_mem>>) attributes {dimension_semantics = [#tpu.dimension_semantics<core_parallel>, #tpu.dimension_semantics<subcore_parallel>], iteration_bounds = array<i64: 2, 16>, scalar_prefetch = 0 : i64, scratch_operands = 9 : i64, tpu.core_type = #tpu.core_type<sc_vector_subcore>, window_params = [{transform_indices = #map}, {transform_indices = #map}, {transform_indices = #map}, {transform_indices = #map}, {transform_indices = #map1}]} {
    %eq3A = arith.constant 0 : i32
    %eq3A_0 = arith.cmpi eq, %arg0, %eq3A : i32
    %mul3A = arith.constant 152 : i32
    %mul3A_1 = arith.muli %arg1, %mul3A : i32
    %mul3A_2 = arith.constant 8 : i32
    %mul3A_3 = arith.muli %arg1, %mul3A_2 : i32
    %add3A = arith.constant 2432 : i32
    %add3A_4 = arith.addi %add3A, %mul3A_3 : i32
    %select_n3A = arith.select %eq3A_0, %mul3A_1, %add3A_4 : i32
    %multiple_of3A = tpu.assume_multiple %select_n3A, 8 : i32
    %eq3A_5 = arith.constant 0 : i32
    %eq3A_6 = arith.cmpi eq, %arg0, %eq3A_5 : i32
    %jit3A = arith.constant 152 : i32
    %jit3A_7 = arith.constant 8 : i32
    %select_n3A_8 = arith.select %eq3A_6, %jit3A, %jit3A_7 : i32
    %eq3A_9 = arith.constant 0 : i32
    %eq3A_10 = arith.cmpi eq, %arg0, %eq3A_9 : i32
    %jit3A_11 = arith.constant 19 : i32
    %jit3A_12 = arith.constant 1 : i32
    %select_n3A_13 = arith.select %eq3A_10, %jit3A_11, %jit3A_12 : i32
    %run_scoped3A = arith.constant 0 : i32
    "tpu.region"() ({
      %run_scoped3A_86 = tpu.sem_alloc : memref<!tpu.dma_semaphore, #tpu.memory_space<semaphore_mem>>
      %dma_start3A_87 = arith.constant 0 : i32
      %dma_start3A_88 = arith.constant 0 : i32
      %dma_start3A_89 = tpu.memref_slice %arg7[%run_scoped3A, %dma_start3A_87, %dma_start3A_88] : memref<2x8x128xi32, #tpu.memory_space<vmem>> -> memref<1x8x128xi32, #tpu.memory_space<vmem>>
      %dma_start3A_90 = tpu.memref_squeeze %dma_start3A_89 : memref<1x8x128xi32, #tpu.memory_space<vmem>> -> memref<8x128xi32, #tpu.memory_space<vmem>>
      %dma_start3A_91 = arith.constant 0 : i32
      %dma_start3A_92 = tpu.memref_slice %arg3[%multiple_of3A, %dma_start3A_91] : memref<2560x128xi32, #tpu.memory_space<hbm>> -> memref<8x128xi32, #tpu.memory_space<hbm>>
      %dma_start3A_93 = arith.constant 0 : i32
      %dma_start3A_94 = arith.constant 0 : i32
      %dma_start3A_95 = tpu.memref_slice %arg7[%run_scoped3A, %dma_start3A_93, %dma_start3A_94] : memref<2x8x128xi32, #tpu.memory_space<vmem>> -> memref<1x8x128xi32, #tpu.memory_space<vmem>>
      %dma_start3A_96 = tpu.memref_squeeze %dma_start3A_95 : memref<1x8x128xi32, #tpu.memory_space<vmem>> -> memref<8x128xi32, #tpu.memory_space<vmem>>
      %dma_start3A_97 = arith.constant 0 : i32
      %dma_start3A_98 = tpu.memref_slice %arg3[%multiple_of3A, %dma_start3A_97] : memref<2560x128xi32, #tpu.memory_space<hbm>> -> memref<8x128xi32, #tpu.memory_space<hbm>>
      tpu.enqueue_dma source(%dma_start3A_98 : memref<8x128xi32, #tpu.memory_space<hbm>>) target(%dma_start3A_96 : memref<8x128xi32, #tpu.memory_space<vmem>>) target_semaphore(%run_scoped3A_86 : memref<!tpu.dma_semaphore, #tpu.memory_space<semaphore_mem>>)
      %dma_wait3A = arith.constant 0 : i32
      %dma_wait3A_99 = arith.constant 0 : i32
      %dma_wait3A_100 = tpu.memref_slice %arg7[%run_scoped3A, %dma_wait3A, %dma_wait3A_99] : memref<2x8x128xi32, #tpu.memory_space<vmem>> -> memref<1x8x128xi32, #tpu.memory_space<vmem>>
      %dma_wait3A_101 = tpu.memref_squeeze %dma_wait3A_100 : memref<1x8x128xi32, #tpu.memory_space<vmem>> -> memref<8x128xi32, #tpu.memory_space<vmem>>
      %dma_wait3A_102 = arith.constant 0 : i32
      %dma_wait3A_103 = tpu.memref_slice %arg3[%multiple_of3A, %dma_wait3A_102] : memref<2560x128xi32, #tpu.memory_space<hbm>> -> memref<8x128xi32, #tpu.memory_space<hbm>>
      %dma_wait3A_104 = arith.constant 0 : i32
      %dma_wait3A_105 = arith.constant 0 : i32
      %dma_wait3A_106 = tpu.memref_slice %arg7[%run_scoped3A, %dma_wait3A_104, %dma_wait3A_105] : memref<2x8x128xi32, #tpu.memory_space<vmem>> -> memref<1x8x128xi32, #tpu.memory_space<vmem>>
      %dma_wait3A_107 = tpu.memref_squeeze %dma_wait3A_106 : memref<1x8x128xi32, #tpu.memory_space<vmem>> -> memref<8x128xi32, #tpu.memory_space<vmem>>
      %dma_wait3A_108 = arith.constant 0 : i32
      %dma_wait3A_109 = tpu.memref_slice %arg3[%multiple_of3A, %dma_wait3A_108] : memref<2560x128xi32, #tpu.memory_space<hbm>> -> memref<8x128xi32, #tpu.memory_space<hbm>>
      tpu.wait_dma2 semaphore(%run_scoped3A_86 : memref<!tpu.dma_semaphore, #tpu.memory_space<semaphore_mem>>) src(%dma_wait3A_109 : memref<8x128xi32, #tpu.memory_space<hbm>>) dst(%dma_wait3A_107 : memref<8x128xi32, #tpu.memory_space<vmem>>)
      tpu.yield
    }) : () -> ()
    %run_scoped3A_14 = arith.constant 0 : i32
    "tpu.region"() ({
      %run_scoped3A_86 = tpu.sem_alloc : memref<!tpu.dma_semaphore, #tpu.memory_space<semaphore_mem>>
      %dma_start3A_87 = arith.constant 0 : i32
      %dma_start3A_88 = arith.constant 0 : i32
      %dma_start3A_89 = tpu.memref_slice %arg8[%run_scoped3A_14, %dma_start3A_87, %dma_start3A_88] : memref<2x8x128xi32, #tpu.memory_space<vmem>> -> memref<1x8x128xi32, #tpu.memory_space<vmem>>
      %dma_start3A_90 = tpu.memref_squeeze %dma_start3A_89 : memref<1x8x128xi32, #tpu.memory_space<vmem>> -> memref<8x128xi32, #tpu.memory_space<vmem>>
      %dma_start3A_91 = arith.constant 0 : i32
      %dma_start3A_92 = tpu.memref_slice %arg4[%multiple_of3A, %dma_start3A_91] : memref<2560x128xi32, #tpu.memory_space<hbm>> -> memref<8x128xi32, #tpu.memory_space<hbm>>
      %dma_start3A_93 = arith.constant 0 : i32
      %dma_start3A_94 = arith.constant 0 : i32
      %dma_start3A_95 = tpu.memref_slice %arg8[%run_scoped3A_14, %dma_start3A_93, %dma_start3A_94] : memref<2x8x128xi32, #tpu.memory_space<vmem>> -> memref<1x8x128xi32, #tpu.memory_space<vmem>>
      %dma_start3A_96 = tpu.memref_squeeze %dma_start3A_95 : memref<1x8x128xi32, #tpu.memory_space<vmem>> -> memref<8x128xi32, #tpu.memory_space<vmem>>
      %dma_start3A_97 = arith.constant 0 : i32
      %dma_start3A_98 = tpu.memref_slice %arg4[%multiple_of3A, %dma_start3A_97] : memref<2560x128xi32, #tpu.memory_space<hbm>> -> memref<8x128xi32, #tpu.memory_space<hbm>>
      tpu.enqueue_dma source(%dma_start3A_98 : memref<8x128xi32, #tpu.memory_space<hbm>>) target(%dma_start3A_96 : memref<8x128xi32, #tpu.memory_space<vmem>>) target_semaphore(%run_scoped3A_86 : memref<!tpu.dma_semaphore, #tpu.memory_space<semaphore_mem>>)
      %dma_wait3A = arith.constant 0 : i32
      %dma_wait3A_99 = arith.constant 0 : i32
      %dma_wait3A_100 = tpu.memref_slice %arg8[%run_scoped3A_14, %dma_wait3A, %dma_wait3A_99] : memref<2x8x128xi32, #tpu.memory_space<vmem>> -> memref<1x8x128xi32, #tpu.memory_space<vmem>>
      %dma_wait3A_101 = tpu.memref_squeeze %dma_wait3A_100 : memref<1x8x128xi32, #tpu.memory_space<vmem>> -> memref<8x128xi32, #tpu.memory_space<vmem>>
      %dma_wait3A_102 = arith.constant 0 : i32
      %dma_wait3A_103 = tpu.memref_slice %arg4[%multiple_of3A, %dma_wait3A_102] : memref<2560x128xi32, #tpu.memory_space<hbm>> -> memref<8x128xi32, #tpu.memory_space<hbm>>
      %dma_wait3A_104 = arith.constant 0 : i32
      %dma_wait3A_105 = arith.constant 0 : i32
      %dma_wait3A_106 = tpu.memref_slice %arg8[%run_scoped3A_14, %dma_wait3A_104, %dma_wait3A_105] : memref<2x8x128xi32, #tpu.memory_space<vmem>> -> memref<1x8x128xi32, #tpu.memory_space<vmem>>
      %dma_wait3A_107 = tpu.memref_squeeze %dma_wait3A_106 : memref<1x8x128xi32, #tpu.memory_space<vmem>> -> memref<8x128xi32, #tpu.memory_space<vmem>>
      %dma_wait3A_108 = arith.constant 0 : i32
      %dma_wait3A_109 = tpu.memref_slice %arg4[%multiple_of3A, %dma_wait3A_108] : memref<2560x128xi32, #tpu.memory_space<hbm>> -> memref<8x128xi32, #tpu.memory_space<hbm>>
      tpu.wait_dma2 semaphore(%run_scoped3A_86 : memref<!tpu.dma_semaphore, #tpu.memory_space<semaphore_mem>>) src(%dma_wait3A_109 : memref<8x128xi32, #tpu.memory_space<hbm>>) dst(%dma_wait3A_107 : memref<8x128xi32, #tpu.memory_space<vmem>>)
      tpu.yield
    }) : () -> ()
    %gt3A = arith.constant 1 : i32
    %gt3A_15 = arith.cmpi sgt, %select_n3A_13, %gt3A : i32
    %convert_element_type3A = arith.extui %gt3A_15 : i1 to i32
    %cond3A = arith.constant 0 : i32
    %cond3A_16 = arith.cmpi ne, %convert_element_type3A, %cond3A : i32
    scf.if %cond3A_16 {
      %add3A_86 = arith.constant 8 : i32
      %add3A_87 = arith.addi %multiple_of3A, %add3A_86 : i32
      %multiple_of3A_88 = tpu.assume_multiple %add3A_87, 8 : i32
      %dma_start3A_89 = arith.constant 1 : i32
      %dma_start3A_90 = arith.constant 0 : i32
      %dma_start3A_91 = arith.constant 0 : i32
      %dma_start3A_92 = tpu.memref_slice %arg7[%dma_start3A_89, %dma_start3A_90, %dma_start3A_91] : memref<2x8x128xi32, #tpu.memory_space<vmem>> -> memref<1x8x128xi32, #tpu.memory_space<vmem>>
      %dma_start3A_93 = tpu.memref_squeeze %dma_start3A_92 : memref<1x8x128xi32, #tpu.memory_space<vmem>> -> memref<8x128xi32, #tpu.memory_space<vmem>>
      %dma_start3A_94 = arith.constant 0 : i32
      %dma_start3A_95 = tpu.memref_slice %arg3[%multiple_of3A_88, %dma_start3A_94] : memref<2560x128xi32, #tpu.memory_space<hbm>> -> memref<8x128xi32, #tpu.memory_space<hbm>>
      %dma_start3A_96 = arith.constant 0 : i32
      %dma_start3A_97 = arith.constant 0 : i32
      %dma_start3A_98 = tpu.memref_slice %arg7[%dma_start3A_89, %dma_start3A_96, %dma_start3A_97] : memref<2x8x128xi32, #tpu.memory_space<vmem>> -> memref<1x8x128xi32, #tpu.memory_space<vmem>>
      %dma_start3A_99 = tpu.memref_squeeze %dma_start3A_98 : memref<1x8x128xi32, #tpu.memory_space<vmem>> -> memref<8x128xi32, #tpu.memory_space<vmem>>
      %dma_start3A_100 = arith.constant 0 : i32
      %dma_start3A_101 = tpu.memref_slice %arg3[%multiple_of3A_88, %dma_start3A_100] : memref<2560x128xi32, #tpu.memory_space<hbm>> -> memref<8x128xi32, #tpu.memory_space<hbm>>
      tpu.enqueue_dma source(%dma_start3A_101 : memref<8x128xi32, #tpu.memory_space<hbm>>) target(%dma_start3A_99 : memref<8x128xi32, #tpu.memory_space<vmem>>) target_semaphore(%arg15 : memref<!tpu.dma_semaphore, #tpu.memory_space<semaphore_mem>>)
      %dma_start3A_102 = arith.constant 1 : i32
      %dma_start3A_103 = arith.constant 0 : i32
      %dma_start3A_104 = arith.constant 0 : i32
      %dma_start3A_105 = tpu.memref_slice %arg8[%dma_start3A_102, %dma_start3A_103, %dma_start3A_104] : memref<2x8x128xi32, #tpu.memory_space<vmem>> -> memref<1x8x128xi32, #tpu.memory_space<vmem>>
      %dma_start3A_106 = tpu.memref_squeeze %dma_start3A_105 : memref<1x8x128xi32, #tpu.memory_space<vmem>> -> memref<8x128xi32, #tpu.memory_space<vmem>>
      %dma_start3A_107 = arith.constant 0 : i32
      %dma_start3A_108 = tpu.memref_slice %arg4[%multiple_of3A_88, %dma_start3A_107] : memref<2560x128xi32, #tpu.memory_space<hbm>> -> memref<8x128xi32, #tpu.memory_space<hbm>>
      %dma_start3A_109 = arith.constant 0 : i32
      %dma_start3A_110 = arith.constant 0 : i32
      %dma_start3A_111 = tpu.memref_slice %arg8[%dma_start3A_102, %dma_start3A_109, %dma_start3A_110] : memref<2x8x128xi32, #tpu.memory_space<vmem>> -> memref<1x8x128xi32, #tpu.memory_space<vmem>>
      %dma_start3A_112 = tpu.memref_squeeze %dma_start3A_111 : memref<1x8x128xi32, #tpu.memory_space<vmem>> -> memref<8x128xi32, #tpu.memory_space<vmem>>
      %dma_start3A_113 = arith.constant 0 : i32
      %dma_start3A_114 = tpu.memref_slice %arg4[%multiple_of3A_88, %dma_start3A_113] : memref<2560x128xi32, #tpu.memory_space<hbm>> -> memref<8x128xi32, #tpu.memory_space<hbm>>
      tpu.enqueue_dma source(%dma_start3A_114 : memref<8x128xi32, #tpu.memory_space<hbm>>) target(%dma_start3A_112 : memref<8x128xi32, #tpu.memory_space<vmem>>) target_semaphore(%arg15 : memref<!tpu.dma_semaphore, #tpu.memory_space<semaphore_mem>>)
    } else {
    }
    %mul3A_17 = arith.constant 632 : i32
    %mul3A_18 = arith.muli %arg1, %mul3A_17 : i32
    "tpu.region"() ({
      %run_scoped3A_86 = tpu.sem_alloc : memref<!tpu.dma_semaphore, #tpu.memory_space<semaphore_mem>>
      %dma_start3A_87 = arith.constant 0 : i32
      %dma_start3A_88 = tpu.memref_slice %arg10[%mul3A_18, %dma_start3A_87] : memref<10112x128xf32, #tpu.memory_space<vmem_shared>> -> memref<632x128xf32, #tpu.memory_space<vmem_shared>>
      tpu.enqueue_dma source(%arg5 : memref<632x128xf32, #tpu.memory_space<hbm>>) target(%dma_start3A_88 : memref<632x128xf32, #tpu.memory_space<vmem_shared>>) target_semaphore(%run_scoped3A_86 : memref<!tpu.dma_semaphore, #tpu.memory_space<semaphore_mem>>)
      %dma_wait3A = arith.constant 0 : i32
      %dma_wait3A_89 = tpu.memref_slice %arg10[%mul3A_18, %dma_wait3A] : memref<10112x128xf32, #tpu.memory_space<vmem_shared>> -> memref<632x128xf32, #tpu.memory_space<vmem_shared>>
      tpu.wait_dma2 semaphore(%run_scoped3A_86 : memref<!tpu.dma_semaphore, #tpu.memory_space<semaphore_mem>>) src(%arg5 : memref<632x128xf32, #tpu.memory_space<hbm>>) dst(%dma_wait3A_89 : memref<632x128xf32, #tpu.memory_space<vmem_shared>>)
      tpu.yield
    }) : () -> ()
    %barrier3A = arith.constant 0 : index
    tpu.barrier barrier_id(%barrier3A)
    %dma_start3A = arith.constant 0 : i32
    %dma_start3A_19 = arith.constant 0 : i32
    %dma_start3A_20 = arith.constant 0 : i32
    %dma_start3A_21 = arith.constant 0 : i32
    %dma_start3A_22 = arith.constant 0 : i32
    %dma_start3A_23 = tpu.memref_slice %arg9[%dma_start3A_20, %dma_start3A_21, %dma_start3A_22] : memref<2x128x128xf32, #tpu.memory_space<vmem>> -> memref<1x128x128xf32, #tpu.memory_space<vmem>>
    %dma_start3A_24 = tpu.memref_squeeze %dma_start3A_23 : memref<1x128x128xf32, #tpu.memory_space<vmem>> -> memref<128x128xf32, #tpu.memory_space<vmem>>
    %dma_start3A_25 = arith.constant 0 : i32
    %dma_start3A_26 = tpu.memref_slice %arg7[%dma_start3A, %dma_start3A_19, %dma_start3A_25] : memref<2x8x128xi32, #tpu.memory_space<vmem>> -> memref<1x1x128xi32, #tpu.memory_space<vmem>>
    %dma_start3A_27 = tpu.memref_squeeze %dma_start3A_26 : memref<1x1x128xi32, #tpu.memory_space<vmem>> -> memref<128xi32, #tpu.memory_space<vmem>>
    %dma_start3A_28 = arith.constant 0 : i32
    %dma_start3A_29 = arith.constant 0 : i32
    %dma_start3A_30 = tpu.memref_slice %arg2[%dma_start3A_28, %dma_start3A_29] : memref<10000x128xf32, #tpu.memory_space<hbm>> -> memref<10000x128xf32, #tpu.memory_space<hbm>>
    tpu.enqueue_indirect_dma source(%dma_start3A_30 : memref<10000x128xf32, #tpu.memory_space<hbm>>) target(%dma_start3A_24 : memref<128x128xf32, #tpu.memory_space<vmem>>) offsets(%dma_start3A_27 : memref<128xi32, #tpu.memory_space<vmem>>) semaphore(%arg11 : memref<!tpu.dma_semaphore, #tpu.memory_space<semaphore_mem>>)
    %while3A = arith.constant 0 : i32
    %while3A_31 = arith.constant 0 : i32
    %while3A_32 = arith.subi %select_n3A_8, %while3A_31 : i32
    %while3A_33 = arith.addi %while3A_31, %while3A_32 : i32
    %while3A_34 = arith.constant 1 : i32
    %while3A_35 = arith.divsi %while3A_32, %while3A_34 : i32
    %while3A_36 = arith.muli %while3A_35, %while3A_34 : i32
    %while3A_37 = arith.addi %while3A_31, %while3A_36 : i32
    %while3A_38 = arith.constant 1 : i32
    scf.for %while3A_86 = %while3A_31 to %while3A_37 step %while3A_38  : i32 {
      %jit3A_87 = arith.constant 8 : i32
      %div3A = arith.divsi %while3A_86, %jit3A_87 : i32
      %sign3A = arith.constant 0 : i32
      %sign3A_88 = arith.cmpi sgt, %while3A_86, %sign3A : i32
      %sign3A_89 = arith.extui %sign3A_88 : i1 to i32
      %sign3A_90 = arith.constant 0 : i32
      %sign3A_91 = arith.cmpi slt, %while3A_86, %sign3A_90 : i32
      %sign3A_92 = arith.extui %sign3A_91 : i1 to i32
      %sign3A_93 = arith.subi %sign3A_89, %sign3A_92 : i32
      %sign3A_94 = arith.constant 0 : i32
      %sign3A_95 = arith.cmpi sgt, %jit3A_87, %sign3A_94 : i32
      %sign3A_96 = arith.extui %sign3A_95 : i1 to i32
      %sign3A_97 = arith.constant 0 : i32
      %sign3A_98 = arith.cmpi slt, %jit3A_87, %sign3A_97 : i32
      %sign3A_99 = arith.extui %sign3A_98 : i1 to i32
      %sign3A_100 = arith.subi %sign3A_96, %sign3A_99 : i32
      %ne3A_101 = arith.cmpi ne, %sign3A_93, %sign3A_100 : i32
      %rem3A_102 = arith.remsi %while3A_86, %jit3A_87 : i32
      %ne3A_103 = arith.constant 0 : i32
      %ne3A_104 = arith.cmpi ne, %rem3A_102, %ne3A_103 : i32
      %and3A_105 = arith.andi %ne3A_101, %ne3A_104 : i1
      %sub3A_106 = arith.constant 1 : i32
      %sub3A_107 = arith.subi %div3A, %sub3A_106 : i32
      %select_n3A_108 = arith.select %and3A_105, %sub3A_107, %div3A : i32
      %jit3A_109 = arith.constant 2 : i32
      %eq3A_110 = arith.constant 0 : i32
      %eq3A_111 = arith.cmpi eq, %jit3A_109, %eq3A_110 : i32
      %jit3A_112 = arith.constant 1 : i32
      %select_n3A_113 = arith.select %eq3A_111, %jit3A_112, %jit3A_109 : i32
      %rem3A_114 = arith.remsi %select_n3A_108, %select_n3A_113 : i32
      %ne3A_115 = arith.constant 0 : i32
      %ne3A_116 = arith.cmpi ne, %rem3A_114, %ne3A_115 : i32
      %lt3A_117 = arith.constant 0 : i32
      %lt3A_118 = arith.cmpi slt, %rem3A_114, %lt3A_117 : i32
      %lt3A_119 = arith.constant 0 : i32
      %lt3A_120 = arith.cmpi slt, %select_n3A_113, %lt3A_119 : i32
      %ne3A_121 = arith.xori %lt3A_118, %lt3A_120 : i1
      %and3A_122 = arith.andi %ne3A_121, %ne3A_116 : i1
      %add3A_123 = arith.addi %rem3A_114, %select_n3A_113 : i32
      %select_n3A_124 = arith.select %and3A_122, %add3A_123, %rem3A_114 : i32
      %add3A_125 = arith.constant 1 : i32
      %add3A_126 = arith.addi %select_n3A_108, %add3A_125 : i32
      %jit3A_127 = arith.constant 2 : i32
      %eq3A_128 = arith.constant 0 : i32
      %eq3A_129 = arith.cmpi eq, %jit3A_127, %eq3A_128 : i32
      %jit3A_130 = arith.constant 1 : i32
      %select_n3A_131 = arith.select %eq3A_129, %jit3A_130, %jit3A_127 : i32
      %rem3A_132 = arith.remsi %add3A_126, %select_n3A_131 : i32
      %ne3A_133 = arith.constant 0 : i32
      %ne3A_134 = arith.cmpi ne, %rem3A_132, %ne3A_133 : i32
      %lt3A_135 = arith.constant 0 : i32
      %lt3A_136 = arith.cmpi slt, %rem3A_132, %lt3A_135 : i32
      %lt3A_137 = arith.constant 0 : i32
      %lt3A_138 = arith.cmpi slt, %select_n3A_131, %lt3A_137 : i32
      %ne3A_139 = arith.xori %lt3A_136, %lt3A_138 : i1
      %and3A_140 = arith.andi %ne3A_139, %ne3A_134 : i1
      %add3A_141 = arith.addi %rem3A_132, %select_n3A_131 : i32
      %select_n3A_142 = arith.select %and3A_140, %add3A_141, %rem3A_132 : i32
      %jit3A_143 = arith.constant 8 : i32
      %eq3A_144 = arith.constant 0 : i32
      %eq3A_145 = arith.cmpi eq, %jit3A_143, %eq3A_144 : i32
      %jit3A_146 = arith.constant 1 : i32
      %select_n3A_147 = arith.select %eq3A_145, %jit3A_146, %jit3A_143 : i32
      %rem3A_148 = arith.remsi %while3A_86, %select_n3A_147 : i32
      %ne3A_149 = arith.constant 0 : i32
      %ne3A_150 = arith.cmpi ne, %rem3A_148, %ne3A_149 : i32
      %lt3A_151 = arith.constant 0 : i32
      %lt3A_152 = arith.cmpi slt, %rem3A_148, %lt3A_151 : i32
      %lt3A_153 = arith.constant 0 : i32
      %lt3A_154 = arith.cmpi slt, %select_n3A_147, %lt3A_153 : i32
      %ne3A_155 = arith.xori %lt3A_152, %lt3A_154 : i1
      %and3A_156 = arith.andi %ne3A_155, %ne3A_150 : i1
      %add3A_157 = arith.addi %rem3A_148, %select_n3A_147 : i32
      %select_n3A_158 = arith.select %and3A_156, %add3A_157, %rem3A_148 : i32
      %jit3A_159 = arith.constant 2 : i32
      %eq3A_160 = arith.constant 0 : i32
      %eq3A_161 = arith.cmpi eq, %jit3A_159, %eq3A_160 : i32
      %jit3A_162 = arith.constant 1 : i32
      %select_n3A_163 = arith.select %eq3A_161, %jit3A_162, %jit3A_159 : i32
      %rem3A_164 = arith.remsi %while3A_86, %select_n3A_163 : i32
      %ne3A_165 = arith.constant 0 : i32
      %ne3A_166 = arith.cmpi ne, %rem3A_164, %ne3A_165 : i32
      %lt3A_167 = arith.constant 0 : i32
      %lt3A_168 = arith.cmpi slt, %rem3A_164, %lt3A_167 : i32
      %lt3A_169 = arith.constant 0 : i32
      %lt3A_170 = arith.cmpi slt, %select_n3A_163, %lt3A_169 : i32
      %ne3A_171 = arith.xori %lt3A_168, %lt3A_170 : i1
      %and3A_172 = arith.andi %ne3A_171, %ne3A_166 : i1
      %add3A_173 = arith.addi %rem3A_164, %select_n3A_163 : i32
      %select_n3A_174 = arith.select %and3A_172, %add3A_173, %rem3A_164 : i32
      %eq3A_175 = arith.constant 0 : i32
      %eq3A_176 = arith.cmpi eq, %select_n3A_174, %eq3A_175 : i32
      %convert_element_type3A_177 = arith.extui %eq3A_176 : i1 to i32
      %cond3A_178 = arith.constant 0 : i32
      %cond3A_179 = arith.cmpi ne, %convert_element_type3A_177, %cond3A_178 : i32
      scf.if %cond3A_179 {
        %dma_wait3A = arith.constant 0 : i32
        %dma_wait3A_201 = arith.constant 0 : i32
        %dma_wait3A_202 = arith.constant 0 : i32
        %dma_wait3A_203 = tpu.memref_slice %arg9[%dma_wait3A, %dma_wait3A_201, %dma_wait3A_202] : memref<2x128x128xf32, #tpu.memory_space<vmem>> -> memref<1x128x128xf32, #tpu.memory_space<vmem>>
        %dma_wait3A_204 = tpu.memref_squeeze %dma_wait3A_203 : memref<1x128x128xf32, #tpu.memory_space<vmem>> -> memref<128x128xf32, #tpu.memory_space<vmem>>
        %dma_wait3A_205 = arith.constant 0 : i32
        %dma_wait3A_206 = tpu.memref_slice %arg7[%select_n3A_124, %select_n3A_158, %dma_wait3A_205] : memref<2x8x128xi32, #tpu.memory_space<vmem>> -> memref<1x1x128xi32, #tpu.memory_space<vmem>>
        %dma_wait3A_207 = tpu.memref_squeeze %dma_wait3A_206 : memref<1x1x128xi32, #tpu.memory_space<vmem>> -> memref<128xi32, #tpu.memory_space<vmem>>
        %dma_wait3A_208 = arith.constant 0 : i32
        %dma_wait3A_209 = arith.constant 0 : i32
        %dma_wait3A_210 = tpu.memref_slice %arg2[%dma_wait3A_208, %dma_wait3A_209] : memref<10000x128xf32, #tpu.memory_space<hbm>> -> memref<10000x128xf32, #tpu.memory_space<hbm>>
        tpu.wait_indirect_dma semaphore(%arg11 : memref<!tpu.dma_semaphore, #tpu.memory_space<semaphore_mem>>) src(%dma_wait3A_210 : memref<10000x128xf32, #tpu.memory_space<hbm>>) dst(%dma_wait3A_204 : memref<128x128xf32, #tpu.memory_space<vmem>>)
        %dma_start3A_211 = arith.constant 0 : i32
        %dma_start3A_212 = arith.constant 0 : i32
        %dma_start3A_213 = arith.constant 0 : i32
        %dma_start3A_214 = tpu.memref_slice %arg9[%dma_start3A_211, %dma_start3A_212, %dma_start3A_213] : memref<2x128x128xf32, #tpu.memory_space<vmem>> -> memref<1x128x128xf32, #tpu.memory_space<vmem>>
        %dma_start3A_215 = tpu.memref_squeeze %dma_start3A_214 : memref<1x128x128xf32, #tpu.memory_space<vmem>> -> memref<128x128xf32, #tpu.memory_space<vmem>>
        %dma_start3A_216 = arith.constant 0 : i32
        %dma_start3A_217 = tpu.memref_slice %arg8[%select_n3A_124, %select_n3A_158, %dma_start3A_216] : memref<2x8x128xi32, #tpu.memory_space<vmem>> -> memref<1x1x128xi32, #tpu.memory_space<vmem>>
        %dma_start3A_218 = tpu.memref_squeeze %dma_start3A_217 : memref<1x1x128xi32, #tpu.memory_space<vmem>> -> memref<128xi32, #tpu.memory_space<vmem>>
        %dma_start3A_219 = arith.constant 0 : i32
        %dma_start3A_220 = arith.constant 0 : i32
        %dma_start3A_221 = tpu.memref_slice %arg10[%dma_start3A_219, %dma_start3A_220] : memref<10112x128xf32, #tpu.memory_space<vmem_shared>> -> memref<10112x128xf32, #tpu.memory_space<vmem_shared>>
        tpu.enqueue_indirect_dma source(%dma_start3A_215 : memref<128x128xf32, #tpu.memory_space<vmem>>) target(%dma_start3A_221 : memref<10112x128xf32, #tpu.memory_space<vmem_shared>>) offsets(%dma_start3A_218 : memref<128xi32, #tpu.memory_space<vmem>>) semaphore(%arg13 : memref<!tpu.dma_semaphore, #tpu.memory_space<semaphore_mem>>) {add = true}
        %gt3A_222 = arith.constant 0 : i32
        %gt3A_223 = arith.cmpi sgt, %while3A_86, %gt3A_222 : i32
        %convert_element_type3A_224 = arith.extui %gt3A_223 : i1 to i32
        %cond3A_225 = arith.constant 0 : i32
        %cond3A_226 = arith.cmpi ne, %convert_element_type3A_224, %cond3A_225 : i32
        scf.if %cond3A_226 {
          %dma_wait3A_254 = arith.constant 1 : i32
          %dma_wait3A_255 = arith.constant 0 : i32
          %dma_wait3A_256 = arith.constant 0 : i32
          %dma_wait3A_257 = tpu.memref_slice %arg9[%dma_wait3A_254, %dma_wait3A_255, %dma_wait3A_256] : memref<2x128x128xf32, #tpu.memory_space<vmem>> -> memref<1x128x128xf32, #tpu.memory_space<vmem>>
          %dma_wait3A_258 = tpu.memref_squeeze %dma_wait3A_257 : memref<1x128x128xf32, #tpu.memory_space<vmem>> -> memref<128x128xf32, #tpu.memory_space<vmem>>
          %dma_wait3A_259 = arith.constant 0 : i32
          %dma_wait3A_260 = tpu.memref_slice %arg8[%select_n3A_124, %select_n3A_158, %dma_wait3A_259] : memref<2x8x128xi32, #tpu.memory_space<vmem>> -> memref<1x1x128xi32, #tpu.memory_space<vmem>>
          %dma_wait3A_261 = tpu.memref_squeeze %dma_wait3A_260 : memref<1x1x128xi32, #tpu.memory_space<vmem>> -> memref<128xi32, #tpu.memory_space<vmem>>
          %dma_wait3A_262 = arith.constant 0 : i32
          %dma_wait3A_263 = arith.constant 0 : i32
          %dma_wait3A_264 = tpu.memref_slice %arg10[%dma_wait3A_262, %dma_wait3A_263] : memref<10112x128xf32, #tpu.memory_space<vmem_shared>> -> memref<10112x128xf32, #tpu.memory_space<vmem_shared>>
          tpu.wait_indirect_dma semaphore(%arg14 : memref<!tpu.dma_semaphore, #tpu.memory_space<semaphore_mem>>) src(%dma_wait3A_258 : memref<128x128xf32, #tpu.memory_space<vmem>>) dst(%dma_wait3A_264 : memref<10112x128xf32, #tpu.memory_space<vmem_shared>>)
        } else {
        }
        %eq3A_227 = arith.constant 0 : i32
        %eq3A_228 = arith.cmpi eq, %select_n3A_158, %eq3A_227 : i32
        %gt3A_229 = arith.constant 0 : i32
        %gt3A_230 = arith.cmpi sgt, %while3A_86, %gt3A_229 : i32
        %and3A_231 = arith.andi %eq3A_228, %gt3A_230 : i1
        %add3A_232 = arith.constant 1 : i32
        %add3A_233 = arith.addi %select_n3A_108, %add3A_232 : i32
        %lt3A_234 = arith.cmpi slt, %add3A_233, %select_n3A_13 : i32
        %and3A_235 = arith.andi %and3A_231, %lt3A_234 : i1
        %convert_element_type3A_236 = arith.extui %and3A_235 : i1 to i32
        %cond3A_237 = arith.constant 0 : i32
        %cond3A_238 = arith.cmpi ne, %convert_element_type3A_236, %cond3A_237 : i32
        scf.if %cond3A_238 {
          %add3A_254 = arith.constant 1 : i32
          %add3A_255 = arith.addi %select_n3A_108, %add3A_254 : i32
          %mul3A_256 = arith.constant 8 : i32
          %mul3A_257 = arith.muli %add3A_255, %mul3A_256 : i32
          %add3A_258 = arith.addi %multiple_of3A, %mul3A_257 : i32
          %multiple_of3A_259 = tpu.assume_multiple %add3A_258, 8 : i32
          %dma_start3A_260 = arith.constant 0 : i32
          %dma_start3A_261 = arith.constant 0 : i32
          %dma_start3A_262 = tpu.memref_slice %arg7[%select_n3A_142, %dma_start3A_260, %dma_start3A_261] : memref<2x8x128xi32, #tpu.memory_space<vmem>> -> memref<1x8x128xi32, #tpu.memory_space<vmem>>
          %dma_start3A_263 = tpu.memref_squeeze %dma_start3A_262 : memref<1x8x128xi32, #tpu.memory_space<vmem>> -> memref<8x128xi32, #tpu.memory_space<vmem>>
          %dma_start3A_264 = arith.constant 0 : i32
          %dma_start3A_265 = tpu.memref_slice %arg3[%multiple_of3A_259, %dma_start3A_264] : memref<2560x128xi32, #tpu.memory_space<hbm>> -> memref<8x128xi32, #tpu.memory_space<hbm>>
          %dma_start3A_266 = arith.constant 0 : i32
          %dma_start3A_267 = arith.constant 0 : i32
          %dma_start3A_268 = tpu.memref_slice %arg7[%select_n3A_142, %dma_start3A_266, %dma_start3A_267] : memref<2x8x128xi32, #tpu.memory_space<vmem>> -> memref<1x8x128xi32, #tpu.memory_space<vmem>>
          %dma_start3A_269 = tpu.memref_squeeze %dma_start3A_268 : memref<1x8x128xi32, #tpu.memory_space<vmem>> -> memref<8x128xi32, #tpu.memory_space<vmem>>
          %dma_start3A_270 = arith.constant 0 : i32
          %dma_start3A_271 = tpu.memref_slice %arg3[%multiple_of3A_259, %dma_start3A_270] : memref<2560x128xi32, #tpu.memory_space<hbm>> -> memref<8x128xi32, #tpu.memory_space<hbm>>
          tpu.enqueue_dma source(%dma_start3A_271 : memref<8x128xi32, #tpu.memory_space<hbm>>) target(%dma_start3A_269 : memref<8x128xi32, #tpu.memory_space<vmem>>) target_semaphore(%arg15 : memref<!tpu.dma_semaphore, #tpu.memory_space<semaphore_mem>>)
          %dma_start3A_272 = arith.constant 0 : i32
          %dma_start3A_273 = arith.constant 0 : i32
          %dma_start3A_274 = tpu.memref_slice %arg8[%select_n3A_142, %dma_start3A_272, %dma_start3A_273] : memref<2x8x128xi32, #tpu.memory_space<vmem>> -> memref<1x8x128xi32, #tpu.memory_space<vmem>>
          %dma_start3A_275 = tpu.memref_squeeze %dma_start3A_274 : memref<1x8x128xi32, #tpu.memory_space<vmem>> -> memref<8x128xi32, #tpu.memory_space<vmem>>
          %dma_start3A_276 = arith.constant 0 : i32
          %dma_start3A_277 = tpu.memref_slice %arg4[%multiple_of3A_259, %dma_start3A_276] : memref<2560x128xi32, #tpu.memory_space<hbm>> -> memref<8x128xi32, #tpu.memory_space<hbm>>
          %dma_start3A_278 = arith.constant 0 : i32
          %dma_start3A_279 = arith.constant 0 : i32
          %dma_start3A_280 = tpu.memref_slice %arg8[%select_n3A_142, %dma_start3A_278, %dma_start3A_279] : memref<2x8x128xi32, #tpu.memory_space<vmem>> -> memref<1x8x128xi32, #tpu.memory_space<vmem>>
          %dma_start3A_281 = tpu.memref_squeeze %dma_start3A_280 : memref<1x8x128xi32, #tpu.memory_space<vmem>> -> memref<8x128xi32, #tpu.memory_space<vmem>>
          %dma_start3A_282 = arith.constant 0 : i32
          %dma_start3A_283 = tpu.memref_slice %arg4[%multiple_of3A_259, %dma_start3A_282] : memref<2560x128xi32, #tpu.memory_space<hbm>> -> memref<8x128xi32, #tpu.memory_space<hbm>>
          tpu.enqueue_dma source(%dma_start3A_283 : memref<8x128xi32, #tpu.memory_space<hbm>>) target(%dma_start3A_281 : memref<8x128xi32, #tpu.memory_space<vmem>>) target_semaphore(%arg15 : memref<!tpu.dma_semaphore, #tpu.memory_space<semaphore_mem>>)
        } else {
        }
        %eq3A_239 = arith.constant 7 : i32
        %eq3A_240 = arith.cmpi eq, %select_n3A_158, %eq3A_239 : i32
        %add3A_241 = arith.constant 1 : i32
        %add3A_242 = arith.addi %select_n3A_108, %add3A_241 : i32
        %lt3A_243 = arith.cmpi slt, %add3A_242, %select_n3A_13 : i32
        %and3A_244 = arith.andi %eq3A_240, %lt3A_243 : i1
        %convert_element_type3A_245 = arith.extui %and3A_244 : i1 to i32
        %cond3A_246 = arith.constant 0 : i32
        %cond3A_247 = arith.cmpi ne, %convert_element_type3A_245, %cond3A_246 : i32
        scf.if %cond3A_247 {
          %dma_wait3A_254 = arith.constant 0 : i32
          %dma_wait3A_255 = arith.constant 0 : i32
          %dma_wait3A_256 = tpu.memref_slice %arg7[%select_n3A_142, %dma_wait3A_254, %dma_wait3A_255] : memref<2x8x128xi32, #tpu.memory_space<vmem>> -> memref<1x8x128xi32, #tpu.memory_space<vmem>>
          %dma_wait3A_257 = tpu.memref_squeeze %dma_wait3A_256 : memref<1x8x128xi32, #tpu.memory_space<vmem>> -> memref<8x128xi32, #tpu.memory_space<vmem>>
          %dma_wait3A_258 = arith.constant 0 : i32
          %dma_wait3A_259 = arith.constant 0 : i32
          %dma_wait3A_260 = tpu.memref_slice %arg3[%dma_wait3A_258, %dma_wait3A_259] : memref<2560x128xi32, #tpu.memory_space<hbm>> -> memref<8x128xi32, #tpu.memory_space<hbm>>
          %dma_wait3A_261 = arith.constant 0 : i32
          %dma_wait3A_262 = arith.constant 0 : i32
          %dma_wait3A_263 = tpu.memref_slice %arg7[%select_n3A_142, %dma_wait3A_261, %dma_wait3A_262] : memref<2x8x128xi32, #tpu.memory_space<vmem>> -> memref<1x8x128xi32, #tpu.memory_space<vmem>>
          %dma_wait3A_264 = tpu.memref_squeeze %dma_wait3A_263 : memref<1x8x128xi32, #tpu.memory_space<vmem>> -> memref<8x128xi32, #tpu.memory_space<vmem>>
          %dma_wait3A_265 = arith.constant 0 : i32
          %dma_wait3A_266 = arith.constant 0 : i32
          %dma_wait3A_267 = tpu.memref_slice %arg3[%dma_wait3A_265, %dma_wait3A_266] : memref<2560x128xi32, #tpu.memory_space<hbm>> -> memref<8x128xi32, #tpu.memory_space<hbm>>
          tpu.wait_dma2 semaphore(%arg15 : memref<!tpu.dma_semaphore, #tpu.memory_space<semaphore_mem>>) src(%dma_wait3A_267 : memref<8x128xi32, #tpu.memory_space<hbm>>) dst(%dma_wait3A_264 : memref<8x128xi32, #tpu.memory_space<vmem>>)
          %dma_wait3A_268 = arith.constant 0 : i32
          %dma_wait3A_269 = arith.constant 0 : i32
          %dma_wait3A_270 = tpu.memref_slice %arg8[%select_n3A_142, %dma_wait3A_268, %dma_wait3A_269] : memref<2x8x128xi32, #tpu.memory_space<vmem>> -> memref<1x8x128xi32, #tpu.memory_space<vmem>>
          %dma_wait3A_271 = tpu.memref_squeeze %dma_wait3A_270 : memref<1x8x128xi32, #tpu.memory_space<vmem>> -> memref<8x128xi32, #tpu.memory_space<vmem>>
          %dma_wait3A_272 = arith.constant 0 : i32
          %dma_wait3A_273 = arith.constant 0 : i32
          %dma_wait3A_274 = tpu.memref_slice %arg4[%dma_wait3A_272, %dma_wait3A_273] : memref<2560x128xi32, #tpu.memory_space<hbm>> -> memref<8x128xi32, #tpu.memory_space<hbm>>
          %dma_wait3A_275 = arith.constant 0 : i32
          %dma_wait3A_276 = arith.constant 0 : i32
          %dma_wait3A_277 = tpu.memref_slice %arg8[%select_n3A_142, %dma_wait3A_275, %dma_wait3A_276] : memref<2x8x128xi32, #tpu.memory_space<vmem>> -> memref<1x8x128xi32, #tpu.memory_space<vmem>>
          %dma_wait3A_278 = tpu.memref_squeeze %dma_wait3A_277 : memref<1x8x128xi32, #tpu.memory_space<vmem>> -> memref<8x128xi32, #tpu.memory_space<vmem>>
          %dma_wait3A_279 = arith.constant 0 : i32
          %dma_wait3A_280 = arith.constant 0 : i32
          %dma_wait3A_281 = tpu.memref_slice %arg4[%dma_wait3A_279, %dma_wait3A_280] : memref<2560x128xi32, #tpu.memory_space<hbm>> -> memref<8x128xi32, #tpu.memory_space<hbm>>
          tpu.wait_dma2 semaphore(%arg15 : memref<!tpu.dma_semaphore, #tpu.memory_space<semaphore_mem>>) src(%dma_wait3A_281 : memref<8x128xi32, #tpu.memory_space<hbm>>) dst(%dma_wait3A_278 : memref<8x128xi32, #tpu.memory_space<vmem>>)
        } else {
        }
        %add3A_248 = arith.constant 1 : i32
        %add3A_249 = arith.addi %while3A_86, %add3A_248 : i32
        %lt3A_250 = arith.cmpi slt, %add3A_249, %select_n3A_8 : i32
        %convert_element_type3A_251 = arith.extui %lt3A_250 : i1 to i32
        %cond3A_252 = arith.constant 0 : i32
        %cond3A_253 = arith.cmpi ne, %convert_element_type3A_251, %cond3A_252 : i32
        scf.if %cond3A_253 {
          %add3A_254 = arith.constant 1 : i32
          %add3A_255 = arith.addi %while3A_86, %add3A_254 : i32
          %jit3A_256 = arith.constant 8 : i32
          %div3A_257 = arith.divsi %add3A_255, %jit3A_256 : i32
          %sign3A_258 = arith.constant 0 : i32
          %sign3A_259 = arith.cmpi sgt, %add3A_255, %sign3A_258 : i32
          %sign3A_260 = arith.extui %sign3A_259 : i1 to i32
          %sign3A_261 = arith.constant 0 : i32
          %sign3A_262 = arith.cmpi slt, %add3A_255, %sign3A_261 : i32
          %sign3A_263 = arith.extui %sign3A_262 : i1 to i32
          %sign3A_264 = arith.subi %sign3A_260, %sign3A_263 : i32
          %sign3A_265 = arith.constant 0 : i32
          %sign3A_266 = arith.cmpi sgt, %jit3A_256, %sign3A_265 : i32
          %sign3A_267 = arith.extui %sign3A_266 : i1 to i32
          %sign3A_268 = arith.constant 0 : i32
          %sign3A_269 = arith.cmpi slt, %jit3A_256, %sign3A_268 : i32
          %sign3A_270 = arith.extui %sign3A_269 : i1 to i32
          %sign3A_271 = arith.subi %sign3A_267, %sign3A_270 : i32
          %ne3A_272 = arith.cmpi ne, %sign3A_264, %sign3A_271 : i32
          %rem3A_273 = arith.remsi %add3A_255, %jit3A_256 : i32
          %ne3A_274 = arith.constant 0 : i32
          %ne3A_275 = arith.cmpi ne, %rem3A_273, %ne3A_274 : i32
          %and3A_276 = arith.andi %ne3A_272, %ne3A_275 : i1
          %sub3A_277 = arith.constant 1 : i32
          %sub3A_278 = arith.subi %div3A_257, %sub3A_277 : i32
          %select_n3A_279 = arith.select %and3A_276, %sub3A_278, %div3A_257 : i32
          %add3A_280 = arith.constant 1 : i32
          %add3A_281 = arith.addi %while3A_86, %add3A_280 : i32
          %jit3A_282 = arith.constant 8 : i32
          %eq3A_283 = arith.constant 0 : i32
          %eq3A_284 = arith.cmpi eq, %jit3A_282, %eq3A_283 : i32
          %jit3A_285 = arith.constant 1 : i32
          %select_n3A_286 = arith.select %eq3A_284, %jit3A_285, %jit3A_282 : i32
          %rem3A_287 = arith.remsi %add3A_281, %select_n3A_286 : i32
          %ne3A_288 = arith.constant 0 : i32
          %ne3A_289 = arith.cmpi ne, %rem3A_287, %ne3A_288 : i32
          %lt3A_290 = arith.constant 0 : i32
          %lt3A_291 = arith.cmpi slt, %rem3A_287, %lt3A_290 : i32
          %lt3A_292 = arith.constant 0 : i32
          %lt3A_293 = arith.cmpi slt, %select_n3A_286, %lt3A_292 : i32
          %ne3A_294 = arith.xori %lt3A_291, %lt3A_293 : i1
          %and3A_295 = arith.andi %ne3A_294, %ne3A_289 : i1
          %add3A_296 = arith.addi %rem3A_287, %select_n3A_286 : i32
          %select_n3A_297 = arith.select %and3A_295, %add3A_296, %rem3A_287 : i32
          %jit3A_298 = arith.constant 2 : i32
          %eq3A_299 = arith.constant 0 : i32
          %eq3A_300 = arith.cmpi eq, %jit3A_298, %eq3A_299 : i32
          %jit3A_301 = arith.constant 1 : i32
          %select_n3A_302 = arith.select %eq3A_300, %jit3A_301, %jit3A_298 : i32
          %rem3A_303 = arith.remsi %select_n3A_279, %select_n3A_302 : i32
          %ne3A_304 = arith.constant 0 : i32
          %ne3A_305 = arith.cmpi ne, %rem3A_303, %ne3A_304 : i32
          %lt3A_306 = arith.constant 0 : i32
          %lt3A_307 = arith.cmpi slt, %rem3A_303, %lt3A_306 : i32
          %lt3A_308 = arith.constant 0 : i32
          %lt3A_309 = arith.cmpi slt, %select_n3A_302, %lt3A_308 : i32
          %ne3A_310 = arith.xori %lt3A_307, %lt3A_309 : i1
          %and3A_311 = arith.andi %ne3A_310, %ne3A_305 : i1
          %add3A_312 = arith.addi %rem3A_303, %select_n3A_302 : i32
          %select_n3A_313 = arith.select %and3A_311, %add3A_312, %rem3A_303 : i32
          %dma_start3A_314 = arith.constant 1 : i32
          %dma_start3A_315 = arith.constant 0 : i32
          %dma_start3A_316 = arith.constant 0 : i32
          %dma_start3A_317 = tpu.memref_slice %arg9[%dma_start3A_314, %dma_start3A_315, %dma_start3A_316] : memref<2x128x128xf32, #tpu.memory_space<vmem>> -> memref<1x128x128xf32, #tpu.memory_space<vmem>>
          %dma_start3A_318 = tpu.memref_squeeze %dma_start3A_317 : memref<1x128x128xf32, #tpu.memory_space<vmem>> -> memref<128x128xf32, #tpu.memory_space<vmem>>
          %dma_start3A_319 = arith.constant 0 : i32
          %dma_start3A_320 = tpu.memref_slice %arg7[%select_n3A_313, %select_n3A_297, %dma_start3A_319] : memref<2x8x128xi32, #tpu.memory_space<vmem>> -> memref<1x1x128xi32, #tpu.memory_space<vmem>>
          %dma_start3A_321 = tpu.memref_squeeze %dma_start3A_320 : memref<1x1x128xi32, #tpu.memory_space<vmem>> -> memref<128xi32, #tpu.memory_space<vmem>>
          %dma_start3A_322 = arith.constant 0 : i32
          %dma_start3A_323 = arith.constant 0 : i32
          %dma_start3A_324 = tpu.memref_slice %arg2[%dma_start3A_322, %dma_start3A_323] : memref<10000x128xf32, #tpu.memory_space<hbm>> -> memref<10000x128xf32, #tpu.memory_space<hbm>>
          tpu.enqueue_indirect_dma source(%dma_start3A_324 : memref<10000x128xf32, #tpu.memory_space<hbm>>) target(%dma_start3A_318 : memref<128x128xf32, #tpu.memory_space<vmem>>) offsets(%dma_start3A_321 : memref<128xi32, #tpu.memory_space<vmem>>) semaphore(%arg12 : memref<!tpu.dma_semaphore, #tpu.memory_space<semaphore_mem>>)
        } else {
        }
      } else {
      }
      %jit3A_180 = arith.constant 2 : i32
      %eq3A_181 = arith.constant 0 : i32
      %eq3A_182 = arith.cmpi eq, %jit3A_180, %eq3A_181 : i32
      %jit3A_183 = arith.constant 1 : i32
      %select_n3A_184 = arith.select %eq3A_182, %jit3A_183, %jit3A_180 : i32
      %rem3A_185 = arith.remsi %while3A_86, %select_n3A_184 : i32
      %ne3A_186 = arith.constant 0 : i32
      %ne3A_187 = arith.cmpi ne, %rem3A_185, %ne3A_186 : i32
      %lt3A_188 = arith.constant 0 : i32
      %lt3A_189 = arith.cmpi slt, %rem3A_185, %lt3A_188 : i32
      %lt3A_190 = arith.constant 0 : i32
      %lt3A_191 = arith.cmpi slt, %select_n3A_184, %lt3A_190 : i32
      %ne3A_192 = arith.xori %lt3A_189, %lt3A_191 : i1
      %and3A_193 = arith.andi %ne3A_192, %ne3A_187 : i1
      %add3A_194 = arith.addi %rem3A_185, %select_n3A_184 : i32
      %select_n3A_195 = arith.select %and3A_193, %add3A_194, %rem3A_185 : i32
      %eq3A_196 = arith.constant 1 : i32
      %eq3A_197 = arith.cmpi eq, %select_n3A_195, %eq3A_196 : i32
      %convert_element_type3A_198 = arith.extui %eq3A_197 : i1 to i32
      %cond3A_199 = arith.constant 0 : i32
      %cond3A_200 = arith.cmpi ne, %convert_element_type3A_198, %cond3A_199 : i32
      scf.if %cond3A_200 {
        %dma_wait3A = arith.constant 1 : i32
        %dma_wait3A_201 = arith.constant 0 : i32
        %dma_wait3A_202 = arith.constant 0 : i32
        %dma_wait3A_203 = tpu.memref_slice %arg9[%dma_wait3A, %dma_wait3A_201, %dma_wait3A_202] : memref<2x128x128xf32, #tpu.memory_space<vmem>> -> memref<1x128x128xf32, #tpu.memory_space<vmem>>
        %dma_wait3A_204 = tpu.memref_squeeze %dma_wait3A_203 : memref<1x128x128xf32, #tpu.memory_space<vmem>> -> memref<128x128xf32, #tpu.memory_space<vmem>>
        %dma_wait3A_205 = arith.constant 0 : i32
        %dma_wait3A_206 = tpu.memref_slice %arg7[%select_n3A_124, %select_n3A_158, %dma_wait3A_205] : memref<2x8x128xi32, #tpu.memory_space<vmem>> -> memref<1x1x128xi32, #tpu.memory_space<vmem>>
        %dma_wait3A_207 = tpu.memref_squeeze %dma_wait3A_206 : memref<1x1x128xi32, #tpu.memory_space<vmem>> -> memref<128xi32, #tpu.memory_space<vmem>>
        %dma_wait3A_208 = arith.constant 0 : i32
        %dma_wait3A_209 = arith.constant 0 : i32
        %dma_wait3A_210 = tpu.memref_slice %arg2[%dma_wait3A_208, %dma_wait3A_209] : memref<10000x128xf32, #tpu.memory_space<hbm>> -> memref<10000x128xf32, #tpu.memory_space<hbm>>
        tpu.wait_indirect_dma semaphore(%arg12 : memref<!tpu.dma_semaphore, #tpu.memory_space<semaphore_mem>>) src(%dma_wait3A_210 : memref<10000x128xf32, #tpu.memory_space<hbm>>) dst(%dma_wait3A_204 : memref<128x128xf32, #tpu.memory_space<vmem>>)
        %dma_start3A_211 = arith.constant 1 : i32
        %dma_start3A_212 = arith.constant 0 : i32
        %dma_start3A_213 = arith.constant 0 : i32
        %dma_start3A_214 = tpu.memref_slice %arg9[%dma_start3A_211, %dma_start3A_212, %dma_start3A_213] : memref<2x128x128xf32, #tpu.memory_space<vmem>> -> memref<1x128x128xf32, #tpu.memory_space<vmem>>
        %dma_start3A_215 = tpu.memref_squeeze %dma_start3A_214 : memref<1x128x128xf32, #tpu.memory_space<vmem>> -> memref<128x128xf32, #tpu.memory_space<vmem>>
        %dma_start3A_216 = arith.constant 0 : i32
        %dma_start3A_217 = tpu.memref_slice %arg8[%select_n3A_124, %select_n3A_158, %dma_start3A_216] : memref<2x8x128xi32, #tpu.memory_space<vmem>> -> memref<1x1x128xi32, #tpu.memory_space<vmem>>
        %dma_start3A_218 = tpu.memref_squeeze %dma_start3A_217 : memref<1x1x128xi32, #tpu.memory_space<vmem>> -> memref<128xi32, #tpu.memory_space<vmem>>
        %dma_start3A_219 = arith.constant 0 : i32
        %dma_start3A_220 = arith.constant 0 : i32
        %dma_start3A_221 = tpu.memref_slice %arg10[%dma_start3A_219, %dma_start3A_220] : memref<10112x128xf32, #tpu.memory_space<vmem_shared>> -> memref<10112x128xf32, #tpu.memory_space<vmem_shared>>
        tpu.enqueue_indirect_dma source(%dma_start3A_215 : memref<128x128xf32, #tpu.memory_space<vmem>>) target(%dma_start3A_221 : memref<10112x128xf32, #tpu.memory_space<vmem_shared>>) offsets(%dma_start3A_218 : memref<128xi32, #tpu.memory_space<vmem>>) semaphore(%arg14 : memref<!tpu.dma_semaphore, #tpu.memory_space<semaphore_mem>>) {add = true}
        %gt3A_222 = arith.constant 0 : i32
        %gt3A_223 = arith.cmpi sgt, %while3A_86, %gt3A_222 : i32
        %convert_element_type3A_224 = arith.extui %gt3A_223 : i1 to i32
        %cond3A_225 = arith.constant 0 : i32
        %cond3A_226 = arith.cmpi ne, %convert_element_type3A_224, %cond3A_225 : i32
        scf.if %cond3A_226 {
          %dma_wait3A_254 = arith.constant 0 : i32
          %dma_wait3A_255 = arith.constant 0 : i32
          %dma_wait3A_256 = arith.constant 0 : i32
          %dma_wait3A_257 = tpu.memref_slice %arg9[%dma_wait3A_254, %dma_wait3A_255, %dma_wait3A_256] : memref<2x128x128xf32, #tpu.memory_space<vmem>> -> memref<1x128x128xf32, #tpu.memory_space<vmem>>
          %dma_wait3A_258 = tpu.memref_squeeze %dma_wait3A_257 : memref<1x128x128xf32, #tpu.memory_space<vmem>> -> memref<128x128xf32, #tpu.memory_space<vmem>>
          %dma_wait3A_259 = arith.constant 0 : i32
          %dma_wait3A_260 = tpu.memref_slice %arg8[%select_n3A_124, %select_n3A_158, %dma_wait3A_259] : memref<2x8x128xi32, #tpu.memory_space<vmem>> -> memref<1x1x128xi32, #tpu.memory_space<vmem>>
          %dma_wait3A_261 = tpu.memref_squeeze %dma_wait3A_260 : memref<1x1x128xi32, #tpu.memory_space<vmem>> -> memref<128xi32, #tpu.memory_space<vmem>>
          %dma_wait3A_262 = arith.constant 0 : i32
          %dma_wait3A_263 = arith.constant 0 : i32
          %dma_wait3A_264 = tpu.memref_slice %arg10[%dma_wait3A_262, %dma_wait3A_263] : memref<10112x128xf32, #tpu.memory_space<vmem_shared>> -> memref<10112x128xf32, #tpu.memory_space<vmem_shared>>
          tpu.wait_indirect_dma semaphore(%arg13 : memref<!tpu.dma_semaphore, #tpu.memory_space<semaphore_mem>>) src(%dma_wait3A_258 : memref<128x128xf32, #tpu.memory_space<vmem>>) dst(%dma_wait3A_264 : memref<10112x128xf32, #tpu.memory_space<vmem_shared>>)
        } else {
        }
        %eq3A_227 = arith.constant 0 : i32
        %eq3A_228 = arith.cmpi eq, %select_n3A_158, %eq3A_227 : i32
        %gt3A_229 = arith.constant 0 : i32
        %gt3A_230 = arith.cmpi sgt, %while3A_86, %gt3A_229 : i32
        %and3A_231 = arith.andi %eq3A_228, %gt3A_230 : i1
        %add3A_232 = arith.constant 1 : i32
        %add3A_233 = arith.addi %select_n3A_108, %add3A_232 : i32
        %lt3A_234 = arith.cmpi slt, %add3A_233, %select_n3A_13 : i32
        %and3A_235 = arith.andi %and3A_231, %lt3A_234 : i1
        %convert_element_type3A_236 = arith.extui %and3A_235 : i1 to i32
        %cond3A_237 = arith.constant 0 : i32
        %cond3A_238 = arith.cmpi ne, %convert_element_type3A_236, %cond3A_237 : i32
        scf.if %cond3A_238 {
          %add3A_254 = arith.constant 1 : i32
          %add3A_255 = arith.addi %select_n3A_108, %add3A_254 : i32
          %mul3A_256 = arith.constant 8 : i32
          %mul3A_257 = arith.muli %add3A_255, %mul3A_256 : i32
          %add3A_258 = arith.addi %multiple_of3A, %mul3A_257 : i32
          %multiple_of3A_259 = tpu.assume_multiple %add3A_258, 8 : i32
          %dma_start3A_260 = arith.constant 0 : i32
          %dma_start3A_261 = arith.constant 0 : i32
          %dma_start3A_262 = tpu.memref_slice %arg7[%select_n3A_142, %dma_start3A_260, %dma_start3A_261] : memref<2x8x128xi32, #tpu.memory_space<vmem>> -> memref<1x8x128xi32, #tpu.memory_space<vmem>>
          %dma_start3A_263 = tpu.memref_squeeze %dma_start3A_262 : memref<1x8x128xi32, #tpu.memory_space<vmem>> -> memref<8x128xi32, #tpu.memory_space<vmem>>
          %dma_start3A_264 = arith.constant 0 : i32
          %dma_start3A_265 = tpu.memref_slice %arg3[%multiple_of3A_259, %dma_start3A_264] : memref<2560x128xi32, #tpu.memory_space<hbm>> -> memref<8x128xi32, #tpu.memory_space<hbm>>
          %dma_start3A_266 = arith.constant 0 : i32
          %dma_start3A_267 = arith.constant 0 : i32
          %dma_start3A_268 = tpu.memref_slice %arg7[%select_n3A_142, %dma_start3A_266, %dma_start3A_267] : memref<2x8x128xi32, #tpu.memory_space<vmem>> -> memref<1x8x128xi32, #tpu.memory_space<vmem>>
          %dma_start3A_269 = tpu.memref_squeeze %dma_start3A_268 : memref<1x8x128xi32, #tpu.memory_space<vmem>> -> memref<8x128xi32, #tpu.memory_space<vmem>>
          %dma_start3A_270 = arith.constant 0 : i32
          %dma_start3A_271 = tpu.memref_slice %arg3[%multiple_of3A_259, %dma_start3A_270] : memref<2560x128xi32, #tpu.memory_space<hbm>> -> memref<8x128xi32, #tpu.memory_space<hbm>>
          tpu.enqueue_dma source(%dma_start3A_271 : memref<8x128xi32, #tpu.memory_space<hbm>>) target(%dma_start3A_269 : memref<8x128xi32, #tpu.memory_space<vmem>>) target_semaphore(%arg15 : memref<!tpu.dma_semaphore, #tpu.memory_space<semaphore_mem>>)
          %dma_start3A_272 = arith.constant 0 : i32
          %dma_start3A_273 = arith.constant 0 : i32
          %dma_start3A_274 = tpu.memref_slice %arg8[%select_n3A_142, %dma_start3A_272, %dma_start3A_273] : memref<2x8x128xi32, #tpu.memory_space<vmem>> -> memref<1x8x128xi32, #tpu.memory_space<vmem>>
          %dma_start3A_275 = tpu.memref_squeeze %dma_start3A_274 : memref<1x8x128xi32, #tpu.memory_space<vmem>> -> memref<8x128xi32, #tpu.memory_space<vmem>>
          %dma_start3A_276 = arith.constant 0 : i32
          %dma_start3A_277 = tpu.memref_slice %arg4[%multiple_of3A_259, %dma_start3A_276] : memref<2560x128xi32, #tpu.memory_space<hbm>> -> memref<8x128xi32, #tpu.memory_space<hbm>>
          %dma_start3A_278 = arith.constant 0 : i32
          %dma_start3A_279 = arith.constant 0 : i32
          %dma_start3A_280 = tpu.memref_slice %arg8[%select_n3A_142, %dma_start3A_278, %dma_start3A_279] : memref<2x8x128xi32, #tpu.memory_space<vmem>> -> memref<1x8x128xi32, #tpu.memory_space<vmem>>
          %dma_start3A_281 = tpu.memref_squeeze %dma_start3A_280 : memref<1x8x128xi32, #tpu.memory_space<vmem>> -> memref<8x128xi32, #tpu.memory_space<vmem>>
          %dma_start3A_282 = arith.constant 0 : i32
          %dma_start3A_283 = tpu.memref_slice %arg4[%multiple_of3A_259, %dma_start3A_282] : memref<2560x128xi32, #tpu.memory_space<hbm>> -> memref<8x128xi32, #tpu.memory_space<hbm>>
          tpu.enqueue_dma source(%dma_start3A_283 : memref<8x128xi32, #tpu.memory_space<hbm>>) target(%dma_start3A_281 : memref<8x128xi32, #tpu.memory_space<vmem>>) target_semaphore(%arg15 : memref<!tpu.dma_semaphore, #tpu.memory_space<semaphore_mem>>)
        } else {
        }
        %eq3A_239 = arith.constant 7 : i32
        %eq3A_240 = arith.cmpi eq, %select_n3A_158, %eq3A_239 : i32
        %add3A_241 = arith.constant 1 : i32
        %add3A_242 = arith.addi %select_n3A_108, %add3A_241 : i32
        %lt3A_243 = arith.cmpi slt, %add3A_242, %select_n3A_13 : i32
        %and3A_244 = arith.andi %eq3A_240, %lt3A_243 : i1
        %convert_element_type3A_245 = arith.extui %and3A_244 : i1 to i32
        %cond3A_246 = arith.constant 0 : i32
        %cond3A_247 = arith.cmpi ne, %convert_element_type3A_245, %cond3A_246 : i32
        scf.if %cond3A_247 {
          %dma_wait3A_254 = arith.constant 0 : i32
          %dma_wait3A_255 = arith.constant 0 : i32
          %dma_wait3A_256 = tpu.memref_slice %arg7[%select_n3A_142, %dma_wait3A_254, %dma_wait3A_255] : memref<2x8x128xi32, #tpu.memory_space<vmem>> -> memref<1x8x128xi32, #tpu.memory_space<vmem>>
          %dma_wait3A_257 = tpu.memref_squeeze %dma_wait3A_256 : memref<1x8x128xi32, #tpu.memory_space<vmem>> -> memref<8x128xi32, #tpu.memory_space<vmem>>
          %dma_wait3A_258 = arith.constant 0 : i32
          %dma_wait3A_259 = arith.constant 0 : i32
          %dma_wait3A_260 = tpu.memref_slice %arg3[%dma_wait3A_258, %dma_wait3A_259] : memref<2560x128xi32, #tpu.memory_space<hbm>> -> memref<8x128xi32, #tpu.memory_space<hbm>>
          %dma_wait3A_261 = arith.constant 0 : i32
          %dma_wait3A_262 = arith.constant 0 : i32
          %dma_wait3A_263 = tpu.memref_slice %arg7[%select_n3A_142, %dma_wait3A_261, %dma_wait3A_262] : memref<2x8x128xi32, #tpu.memory_space<vmem>> -> memref<1x8x128xi32, #tpu.memory_space<vmem>>
          %dma_wait3A_264 = tpu.memref_squeeze %dma_wait3A_263 : memref<1x8x128xi32, #tpu.memory_space<vmem>> -> memref<8x128xi32, #tpu.memory_space<vmem>>
          %dma_wait3A_265 = arith.constant 0 : i32
          %dma_wait3A_266 = arith.constant 0 : i32
          %dma_wait3A_267 = tpu.memref_slice %arg3[%dma_wait3A_265, %dma_wait3A_266] : memref<2560x128xi32, #tpu.memory_space<hbm>> -> memref<8x128xi32, #tpu.memory_space<hbm>>
          tpu.wait_dma2 semaphore(%arg15 : memref<!tpu.dma_semaphore, #tpu.memory_space<semaphore_mem>>) src(%dma_wait3A_267 : memref<8x128xi32, #tpu.memory_space<hbm>>) dst(%dma_wait3A_264 : memref<8x128xi32, #tpu.memory_space<vmem>>)
          %dma_wait3A_268 = arith.constant 0 : i32
          %dma_wait3A_269 = arith.constant 0 : i32
          %dma_wait3A_270 = tpu.memref_slice %arg8[%select_n3A_142, %dma_wait3A_268, %dma_wait3A_269] : memref<2x8x128xi32, #tpu.memory_space<vmem>> -> memref<1x8x128xi32, #tpu.memory_space<vmem>>
          %dma_wait3A_271 = tpu.memref_squeeze %dma_wait3A_270 : memref<1x8x128xi32, #tpu.memory_space<vmem>> -> memref<8x128xi32, #tpu.memory_space<vmem>>
          %dma_wait3A_272 = arith.constant 0 : i32
          %dma_wait3A_273 = arith.constant 0 : i32
          %dma_wait3A_274 = tpu.memref_slice %arg4[%dma_wait3A_272, %dma_wait3A_273] : memref<2560x128xi32, #tpu.memory_space<hbm>> -> memref<8x128xi32, #tpu.memory_space<hbm>>
          %dma_wait3A_275 = arith.constant 0 : i32
          %dma_wait3A_276 = arith.constant 0 : i32
          %dma_wait3A_277 = tpu.memref_slice %arg8[%select_n3A_142, %dma_wait3A_275, %dma_wait3A_276] : memref<2x8x128xi32, #tpu.memory_space<vmem>> -> memref<1x8x128xi32, #tpu.memory_space<vmem>>
          %dma_wait3A_278 = tpu.memref_squeeze %dma_wait3A_277 : memref<1x8x128xi32, #tpu.memory_space<vmem>> -> memref<8x128xi32, #tpu.memory_space<vmem>>
          %dma_wait3A_279 = arith.constant 0 : i32
          %dma_wait3A_280 = arith.constant 0 : i32
          %dma_wait3A_281 = tpu.memref_slice %arg4[%dma_wait3A_279, %dma_wait3A_280] : memref<2560x128xi32, #tpu.memory_space<hbm>> -> memref<8x128xi32, #tpu.memory_space<hbm>>
          tpu.wait_dma2 semaphore(%arg15 : memref<!tpu.dma_semaphore, #tpu.memory_space<semaphore_mem>>) src(%dma_wait3A_281 : memref<8x128xi32, #tpu.memory_space<hbm>>) dst(%dma_wait3A_278 : memref<8x128xi32, #tpu.memory_space<vmem>>)
        } else {
        }
        %add3A_248 = arith.constant 1 : i32
        %add3A_249 = arith.addi %while3A_86, %add3A_248 : i32
        %lt3A_250 = arith.cmpi slt, %add3A_249, %select_n3A_8 : i32
        %convert_element_type3A_251 = arith.extui %lt3A_250 : i1 to i32
        %cond3A_252 = arith.constant 0 : i32
        %cond3A_253 = arith.cmpi ne, %convert_element_type3A_251, %cond3A_252 : i32
        scf.if %cond3A_253 {
          %add3A_254 = arith.constant 1 : i32
          %add3A_255 = arith.addi %while3A_86, %add3A_254 : i32
          %jit3A_256 = arith.constant 8 : i32
          %div3A_257 = arith.divsi %add3A_255, %jit3A_256 : i32
          %sign3A_258 = arith.constant 0 : i32
          %sign3A_259 = arith.cmpi sgt, %add3A_255, %sign3A_258 : i32
          %sign3A_260 = arith.extui %sign3A_259 : i1 to i32
          %sign3A_261 = arith.constant 0 : i32
          %sign3A_262 = arith.cmpi slt, %add3A_255, %sign3A_261 : i32
          %sign3A_263 = arith.extui %sign3A_262 : i1 to i32
          %sign3A_264 = arith.subi %sign3A_260, %sign3A_263 : i32
          %sign3A_265 = arith.constant 0 : i32
          %sign3A_266 = arith.cmpi sgt, %jit3A_256, %sign3A_265 : i32
          %sign3A_267 = arith.extui %sign3A_266 : i1 to i32
          %sign3A_268 = arith.constant 0 : i32
          %sign3A_269 = arith.cmpi slt, %jit3A_256, %sign3A_268 : i32
          %sign3A_270 = arith.extui %sign3A_269 : i1 to i32
          %sign3A_271 = arith.subi %sign3A_267, %sign3A_270 : i32
          %ne3A_272 = arith.cmpi ne, %sign3A_264, %sign3A_271 : i32
          %rem3A_273 = arith.remsi %add3A_255, %jit3A_256 : i32
          %ne3A_274 = arith.constant 0 : i32
          %ne3A_275 = arith.cmpi ne, %rem3A_273, %ne3A_274 : i32
          %and3A_276 = arith.andi %ne3A_272, %ne3A_275 : i1
          %sub3A_277 = arith.constant 1 : i32
          %sub3A_278 = arith.subi %div3A_257, %sub3A_277 : i32
          %select_n3A_279 = arith.select %and3A_276, %sub3A_278, %div3A_257 : i32
          %add3A_280 = arith.constant 1 : i32
          %add3A_281 = arith.addi %while3A_86, %add3A_280 : i32
          %jit3A_282 = arith.constant 8 : i32
          %eq3A_283 = arith.constant 0 : i32
          %eq3A_284 = arith.cmpi eq, %jit3A_282, %eq3A_283 : i32
          %jit3A_285 = arith.constant 1 : i32
          %select_n3A_286 = arith.select %eq3A_284, %jit3A_285, %jit3A_282 : i32
          %rem3A_287 = arith.remsi %add3A_281, %select_n3A_286 : i32
          %ne3A_288 = arith.constant 0 : i32
          %ne3A_289 = arith.cmpi ne, %rem3A_287, %ne3A_288 : i32
          %lt3A_290 = arith.constant 0 : i32
          %lt3A_291 = arith.cmpi slt, %rem3A_287, %lt3A_290 : i32
          %lt3A_292 = arith.constant 0 : i32
          %lt3A_293 = arith.cmpi slt, %select_n3A_286, %lt3A_292 : i32
          %ne3A_294 = arith.xori %lt3A_291, %lt3A_293 : i1
          %and3A_295 = arith.andi %ne3A_294, %ne3A_289 : i1
          %add3A_296 = arith.addi %rem3A_287, %select_n3A_286 : i32
          %select_n3A_297 = arith.select %and3A_295, %add3A_296, %rem3A_287 : i32
          %jit3A_298 = arith.constant 2 : i32
          %eq3A_299 = arith.constant 0 : i32
          %eq3A_300 = arith.cmpi eq, %jit3A_298, %eq3A_299 : i32
          %jit3A_301 = arith.constant 1 : i32
          %select_n3A_302 = arith.select %eq3A_300, %jit3A_301, %jit3A_298 : i32
          %rem3A_303 = arith.remsi %select_n3A_279, %select_n3A_302 : i32
          %ne3A_304 = arith.constant 0 : i32
          %ne3A_305 = arith.cmpi ne, %rem3A_303, %ne3A_304 : i32
          %lt3A_306 = arith.constant 0 : i32
          %lt3A_307 = arith.cmpi slt, %rem3A_303, %lt3A_306 : i32
          %lt3A_308 = arith.constant 0 : i32
          %lt3A_309 = arith.cmpi slt, %select_n3A_302, %lt3A_308 : i32
          %ne3A_310 = arith.xori %lt3A_307, %lt3A_309 : i1
          %and3A_311 = arith.andi %ne3A_310, %ne3A_305 : i1
          %add3A_312 = arith.addi %rem3A_303, %select_n3A_302 : i32
          %select_n3A_313 = arith.select %and3A_311, %add3A_312, %rem3A_303 : i32
          %dma_start3A_314 = arith.constant 0 : i32
          %dma_start3A_315 = arith.constant 0 : i32
          %dma_start3A_316 = arith.constant 0 : i32
          %dma_start3A_317 = tpu.memref_slice %arg9[%dma_start3A_314, %dma_start3A_315, %dma_start3A_316] : memref<2x128x128xf32, #tpu.memory_space<vmem>> -> memref<1x128x128xf32, #tpu.memory_space<vmem>>
          %dma_start3A_318 = tpu.memref_squeeze %dma_start3A_317 : memref<1x128x128xf32, #tpu.memory_space<vmem>> -> memref<128x128xf32, #tpu.memory_space<vmem>>
          %dma_start3A_319 = arith.constant 0 : i32
          %dma_start3A_320 = tpu.memref_slice %arg7[%select_n3A_313, %select_n3A_297, %dma_start3A_319] : memref<2x8x128xi32, #tpu.memory_space<vmem>> -> memref<1x1x128xi32, #tpu.memory_space<vmem>>
          %dma_start3A_321 = tpu.memref_squeeze %dma_start3A_320 : memref<1x1x128xi32, #tpu.memory_space<vmem>> -> memref<128xi32, #tpu.memory_space<vmem>>
          %dma_start3A_322 = arith.constant 0 : i32
          %dma_start3A_323 = arith.constant 0 : i32
          %dma_start3A_324 = tpu.memref_slice %arg2[%dma_start3A_322, %dma_start3A_323] : memref<10000x128xf32, #tpu.memory_space<hbm>> -> memref<10000x128xf32, #tpu.memory_space<hbm>>
          tpu.enqueue_indirect_dma source(%dma_start3A_324 : memref<10000x128xf32, #tpu.memory_space<hbm>>) target(%dma_start3A_318 : memref<128x128xf32, #tpu.memory_space<vmem>>) offsets(%dma_start3A_321 : memref<128xi32, #tpu.memory_space<vmem>>) semaphore(%arg11 : memref<!tpu.dma_semaphore, #tpu.memory_space<semaphore_mem>>)
        } else {
        }
      } else {
      }
    }
    %while3A_39 = arith.constant 1 : i32
    scf.for %while3A_86 = %while3A_37 to %while3A_33 step %while3A_39  : i32 {
      %jit3A_87 = arith.constant 8 : i32
      %div3A = arith.divsi %while3A_86, %jit3A_87 : i32
      %sign3A = arith.constant 0 : i32
      %sign3A_88 = arith.cmpi sgt, %while3A_86, %sign3A : i32
      %sign3A_89 = arith.extui %sign3A_88 : i1 to i32
      %sign3A_90 = arith.constant 0 : i32
      %sign3A_91 = arith.cmpi slt, %while3A_86, %sign3A_90 : i32
      %sign3A_92 = arith.extui %sign3A_91 : i1 to i32
      %sign3A_93 = arith.subi %sign3A_89, %sign3A_92 : i32
      %sign3A_94 = arith.constant 0 : i32
      %sign3A_95 = arith.cmpi sgt, %jit3A_87, %sign3A_94 : i32
      %sign3A_96 = arith.extui %sign3A_95 : i1 to i32
      %sign3A_97 = arith.constant 0 : i32
      %sign3A_98 = arith.cmpi slt, %jit3A_87, %sign3A_97 : i32
      %sign3A_99 = arith.extui %sign3A_98 : i1 to i32
      %sign3A_100 = arith.subi %sign3A_96, %sign3A_99 : i32
      %ne3A_101 = arith.cmpi ne, %sign3A_93, %sign3A_100 : i32
      %rem3A_102 = arith.remsi %while3A_86, %jit3A_87 : i32
      %ne3A_103 = arith.constant 0 : i32
      %ne3A_104 = arith.cmpi ne, %rem3A_102, %ne3A_103 : i32
      %and3A_105 = arith.andi %ne3A_101, %ne3A_104 : i1
      %sub3A_106 = arith.constant 1 : i32
      %sub3A_107 = arith.subi %div3A, %sub3A_106 : i32
      %select_n3A_108 = arith.select %and3A_105, %sub3A_107, %div3A : i32
      %jit3A_109 = arith.constant 2 : i32
      %eq3A_110 = arith.constant 0 : i32
      %eq3A_111 = arith.cmpi eq, %jit3A_109, %eq3A_110 : i32
      %jit3A_112 = arith.constant 1 : i32
      %select_n3A_113 = arith.select %eq3A_111, %jit3A_112, %jit3A_109 : i32
      %rem3A_114 = arith.remsi %select_n3A_108, %select_n3A_113 : i32
      %ne3A_115 = arith.constant 0 : i32
      %ne3A_116 = arith.cmpi ne, %rem3A_114, %ne3A_115 : i32
      %lt3A_117 = arith.constant 0 : i32
      %lt3A_118 = arith.cmpi slt, %rem3A_114, %lt3A_117 : i32
      %lt3A_119 = arith.constant 0 : i32
      %lt3A_120 = arith.cmpi slt, %select_n3A_113, %lt3A_119 : i32
      %ne3A_121 = arith.xori %lt3A_118, %lt3A_120 : i1
      %and3A_122 = arith.andi %ne3A_121, %ne3A_116 : i1
      %add3A_123 = arith.addi %rem3A_114, %select_n3A_113 : i32
      %select_n3A_124 = arith.select %and3A_122, %add3A_123, %rem3A_114 : i32
      %add3A_125 = arith.constant 1 : i32
      %add3A_126 = arith.addi %select_n3A_108, %add3A_125 : i32
      %jit3A_127 = arith.constant 2 : i32
      %eq3A_128 = arith.constant 0 : i32
      %eq3A_129 = arith.cmpi eq, %jit3A_127, %eq3A_128 : i32
      %jit3A_130 = arith.constant 1 : i32
      %select_n3A_131 = arith.select %eq3A_129, %jit3A_130, %jit3A_127 : i32
      %rem3A_132 = arith.remsi %add3A_126, %select_n3A_131 : i32
      %ne3A_133 = arith.constant 0 : i32
      %ne3A_134 = arith.cmpi ne, %rem3A_132, %ne3A_133 : i32
      %lt3A_135 = arith.constant 0 : i32
      %lt3A_136 = arith.cmpi slt, %rem3A_132, %lt3A_135 : i32
      %lt3A_137 = arith.constant 0 : i32
      %lt3A_138 = arith.cmpi slt, %select_n3A_131, %lt3A_137 : i32
      %ne3A_139 = arith.xori %lt3A_136, %lt3A_138 : i1
      %and3A_140 = arith.andi %ne3A_139, %ne3A_134 : i1
      %add3A_141 = arith.addi %rem3A_132, %select_n3A_131 : i32
      %select_n3A_142 = arith.select %and3A_140, %add3A_141, %rem3A_132 : i32
      %jit3A_143 = arith.constant 8 : i32
      %eq3A_144 = arith.constant 0 : i32
      %eq3A_145 = arith.cmpi eq, %jit3A_143, %eq3A_144 : i32
      %jit3A_146 = arith.constant 1 : i32
      %select_n3A_147 = arith.select %eq3A_145, %jit3A_146, %jit3A_143 : i32
      %rem3A_148 = arith.remsi %while3A_86, %select_n3A_147 : i32
      %ne3A_149 = arith.constant 0 : i32
      %ne3A_150 = arith.cmpi ne, %rem3A_148, %ne3A_149 : i32
      %lt3A_151 = arith.constant 0 : i32
      %lt3A_152 = arith.cmpi slt, %rem3A_148, %lt3A_151 : i32
      %lt3A_153 = arith.constant 0 : i32
      %lt3A_154 = arith.cmpi slt, %select_n3A_147, %lt3A_153 : i32
      %ne3A_155 = arith.xori %lt3A_152, %lt3A_154 : i1
      %and3A_156 = arith.andi %ne3A_155, %ne3A_150 : i1
      %add3A_157 = arith.addi %rem3A_148, %select_n3A_147 : i32
      %select_n3A_158 = arith.select %and3A_156, %add3A_157, %rem3A_148 : i32
      %jit3A_159 = arith.constant 2 : i32
      %eq3A_160 = arith.constant 0 : i32
      %eq3A_161 = arith.cmpi eq, %jit3A_159, %eq3A_160 : i32
      %jit3A_162 = arith.constant 1 : i32
      %select_n3A_163 = arith.select %eq3A_161, %jit3A_162, %jit3A_159 : i32
      %rem3A_164 = arith.remsi %while3A_86, %select_n3A_163 : i32
      %ne3A_165 = arith.constant 0 : i32
      %ne3A_166 = arith.cmpi ne, %rem3A_164, %ne3A_165 : i32
      %lt3A_167 = arith.constant 0 : i32
      %lt3A_168 = arith.cmpi slt, %rem3A_164, %lt3A_167 : i32
      %lt3A_169 = arith.constant 0 : i32
      %lt3A_170 = arith.cmpi slt, %select_n3A_163, %lt3A_169 : i32
      %ne3A_171 = arith.xori %lt3A_168, %lt3A_170 : i1
      %and3A_172 = arith.andi %ne3A_171, %ne3A_166 : i1
      %add3A_173 = arith.addi %rem3A_164, %select_n3A_163 : i32
      %select_n3A_174 = arith.select %and3A_172, %add3A_173, %rem3A_164 : i32
      %eq3A_175 = arith.constant 0 : i32
      %eq3A_176 = arith.cmpi eq, %select_n3A_174, %eq3A_175 : i32
      %convert_element_type3A_177 = arith.extui %eq3A_176 : i1 to i32
      %cond3A_178 = arith.constant 0 : i32
      %cond3A_179 = arith.cmpi ne, %convert_element_type3A_177, %cond3A_178 : i32
      scf.if %cond3A_179 {
        %dma_wait3A = arith.constant 0 : i32
        %dma_wait3A_201 = arith.constant 0 : i32
        %dma_wait3A_202 = arith.constant 0 : i32
        %dma_wait3A_203 = tpu.memref_slice %arg9[%dma_wait3A, %dma_wait3A_201, %dma_wait3A_202] : memref<2x128x128xf32, #tpu.memory_space<vmem>> -> memref<1x128x128xf32, #tpu.memory_space<vmem>>
        %dma_wait3A_204 = tpu.memref_squeeze %dma_wait3A_203 : memref<1x128x128xf32, #tpu.memory_space<vmem>> -> memref<128x128xf32, #tpu.memory_space<vmem>>
        %dma_wait3A_205 = arith.constant 0 : i32
        %dma_wait3A_206 = tpu.memref_slice %arg7[%select_n3A_124, %select_n3A_158, %dma_wait3A_205] : memref<2x8x128xi32, #tpu.memory_space<vmem>> -> memref<1x1x128xi32, #tpu.memory_space<vmem>>
        %dma_wait3A_207 = tpu.memref_squeeze %dma_wait3A_206 : memref<1x1x128xi32, #tpu.memory_space<vmem>> -> memref<128xi32, #tpu.memory_space<vmem>>
        %dma_wait3A_208 = arith.constant 0 : i32
        %dma_wait3A_209 = arith.constant 0 : i32
        %dma_wait3A_210 = tpu.memref_slice %arg2[%dma_wait3A_208, %dma_wait3A_209] : memref<10000x128xf32, #tpu.memory_space<hbm>> -> memref<10000x128xf32, #tpu.memory_space<hbm>>
        tpu.wait_indirect_dma semaphore(%arg11 : memref<!tpu.dma_semaphore, #tpu.memory_space<semaphore_mem>>) src(%dma_wait3A_210 : memref<10000x128xf32, #tpu.memory_space<hbm>>) dst(%dma_wait3A_204 : memref<128x128xf32, #tpu.memory_space<vmem>>)
        %dma_start3A_211 = arith.constant 0 : i32
        %dma_start3A_212 = arith.constant 0 : i32
        %dma_start3A_213 = arith.constant 0 : i32
        %dma_start3A_214 = tpu.memref_slice %arg9[%dma_start3A_211, %dma_start3A_212, %dma_start3A_213] : memref<2x128x128xf32, #tpu.memory_space<vmem>> -> memref<1x128x128xf32, #tpu.memory_space<vmem>>
        %dma_start3A_215 = tpu.memref_squeeze %dma_start3A_214 : memref<1x128x128xf32, #tpu.memory_space<vmem>> -> memref<128x128xf32, #tpu.memory_space<vmem>>
        %dma_start3A_216 = arith.constant 0 : i32
        %dma_start3A_217 = tpu.memref_slice %arg8[%select_n3A_124, %select_n3A_158, %dma_start3A_216] : memref<2x8x128xi32, #tpu.memory_space<vmem>> -> memref<1x1x128xi32, #tpu.memory_space<vmem>>
        %dma_start3A_218 = tpu.memref_squeeze %dma_start3A_217 : memref<1x1x128xi32, #tpu.memory_space<vmem>> -> memref<128xi32, #tpu.memory_space<vmem>>
        %dma_start3A_219 = arith.constant 0 : i32
        %dma_start3A_220 = arith.constant 0 : i32
        %dma_start3A_221 = tpu.memref_slice %arg10[%dma_start3A_219, %dma_start3A_220] : memref<10112x128xf32, #tpu.memory_space<vmem_shared>> -> memref<10112x128xf32, #tpu.memory_space<vmem_shared>>
        tpu.enqueue_indirect_dma source(%dma_start3A_215 : memref<128x128xf32, #tpu.memory_space<vmem>>) target(%dma_start3A_221 : memref<10112x128xf32, #tpu.memory_space<vmem_shared>>) offsets(%dma_start3A_218 : memref<128xi32, #tpu.memory_space<vmem>>) semaphore(%arg13 : memref<!tpu.dma_semaphore, #tpu.memory_space<semaphore_mem>>) {add = true}
        %gt3A_222 = arith.constant 0 : i32
        %gt3A_223 = arith.cmpi sgt, %while3A_86, %gt3A_222 : i32
        %convert_element_type3A_224 = arith.extui %gt3A_223 : i1 to i32
        %cond3A_225 = arith.constant 0 : i32
        %cond3A_226 = arith.cmpi ne, %convert_element_type3A_224, %cond3A_225 : i32
        scf.if %cond3A_226 {
          %dma_wait3A_254 = arith.constant 1 : i32
          %dma_wait3A_255 = arith.constant 0 : i32
          %dma_wait3A_256 = arith.constant 0 : i32
          %dma_wait3A_257 = tpu.memref_slice %arg9[%dma_wait3A_254, %dma_wait3A_255, %dma_wait3A_256] : memref<2x128x128xf32, #tpu.memory_space<vmem>> -> memref<1x128x128xf32, #tpu.memory_space<vmem>>
          %dma_wait3A_258 = tpu.memref_squeeze %dma_wait3A_257 : memref<1x128x128xf32, #tpu.memory_space<vmem>> -> memref<128x128xf32, #tpu.memory_space<vmem>>
          %dma_wait3A_259 = arith.constant 0 : i32
          %dma_wait3A_260 = tpu.memref_slice %arg8[%select_n3A_124, %select_n3A_158, %dma_wait3A_259] : memref<2x8x128xi32, #tpu.memory_space<vmem>> -> memref<1x1x128xi32, #tpu.memory_space<vmem>>
          %dma_wait3A_261 = tpu.memref_squeeze %dma_wait3A_260 : memref<1x1x128xi32, #tpu.memory_space<vmem>> -> memref<128xi32, #tpu.memory_space<vmem>>
          %dma_wait3A_262 = arith.constant 0 : i32
          %dma_wait3A_263 = arith.constant 0 : i32
          %dma_wait3A_264 = tpu.memref_slice %arg10[%dma_wait3A_262, %dma_wait3A_263] : memref<10112x128xf32, #tpu.memory_space<vmem_shared>> -> memref<10112x128xf32, #tpu.memory_space<vmem_shared>>
          tpu.wait_indirect_dma semaphore(%arg14 : memref<!tpu.dma_semaphore, #tpu.memory_space<semaphore_mem>>) src(%dma_wait3A_258 : memref<128x128xf32, #tpu.memory_space<vmem>>) dst(%dma_wait3A_264 : memref<10112x128xf32, #tpu.memory_space<vmem_shared>>)
        } else {
        }
        %eq3A_227 = arith.constant 0 : i32
        %eq3A_228 = arith.cmpi eq, %select_n3A_158, %eq3A_227 : i32
        %gt3A_229 = arith.constant 0 : i32
        %gt3A_230 = arith.cmpi sgt, %while3A_86, %gt3A_229 : i32
        %and3A_231 = arith.andi %eq3A_228, %gt3A_230 : i1
        %add3A_232 = arith.constant 1 : i32
        %add3A_233 = arith.addi %select_n3A_108, %add3A_232 : i32
        %lt3A_234 = arith.cmpi slt, %add3A_233, %select_n3A_13 : i32
        %and3A_235 = arith.andi %and3A_231, %lt3A_234 : i1
        %convert_element_type3A_236 = arith.extui %and3A_235 : i1 to i32
        %cond3A_237 = arith.constant 0 : i32
        %cond3A_238 = arith.cmpi ne, %convert_element_type3A_236, %cond3A_237 : i32
        scf.if %cond3A_238 {
          %add3A_254 = arith.constant 1 : i32
          %add3A_255 = arith.addi %select_n3A_108, %add3A_254 : i32
          %mul3A_256 = arith.constant 8 : i32
          %mul3A_257 = arith.muli %add3A_255, %mul3A_256 : i32
          %add3A_258 = arith.addi %multiple_of3A, %mul3A_257 : i32
          %multiple_of3A_259 = tpu.assume_multiple %add3A_258, 8 : i32
          %dma_start3A_260 = arith.constant 0 : i32
          %dma_start3A_261 = arith.constant 0 : i32
          %dma_start3A_262 = tpu.memref_slice %arg7[%select_n3A_142, %dma_start3A_260, %dma_start3A_261] : memref<2x8x128xi32, #tpu.memory_space<vmem>> -> memref<1x8x128xi32, #tpu.memory_space<vmem>>
          %dma_start3A_263 = tpu.memref_squeeze %dma_start3A_262 : memref<1x8x128xi32, #tpu.memory_space<vmem>> -> memref<8x128xi32, #tpu.memory_space<vmem>>
          %dma_start3A_264 = arith.constant 0 : i32
          %dma_start3A_265 = tpu.memref_slice %arg3[%multiple_of3A_259, %dma_start3A_264] : memref<2560x128xi32, #tpu.memory_space<hbm>> -> memref<8x128xi32, #tpu.memory_space<hbm>>
          %dma_start3A_266 = arith.constant 0 : i32
          %dma_start3A_267 = arith.constant 0 : i32
          %dma_start3A_268 = tpu.memref_slice %arg7[%select_n3A_142, %dma_start3A_266, %dma_start3A_267] : memref<2x8x128xi32, #tpu.memory_space<vmem>> -> memref<1x8x128xi32, #tpu.memory_space<vmem>>
          %dma_start3A_269 = tpu.memref_squeeze %dma_start3A_268 : memref<1x8x128xi32, #tpu.memory_space<vmem>> -> memref<8x128xi32, #tpu.memory_space<vmem>>
          %dma_start3A_270 = arith.constant 0 : i32
          %dma_start3A_271 = tpu.memref_slice %arg3[%multiple_of3A_259, %dma_start3A_270] : memref<2560x128xi32, #tpu.memory_space<hbm>> -> memref<8x128xi32, #tpu.memory_space<hbm>>
          tpu.enqueue_dma source(%dma_start3A_271 : memref<8x128xi32, #tpu.memory_space<hbm>>) target(%dma_start3A_269 : memref<8x128xi32, #tpu.memory_space<vmem>>) target_semaphore(%arg15 : memref<!tpu.dma_semaphore, #tpu.memory_space<semaphore_mem>>)
          %dma_start3A_272 = arith.constant 0 : i32
          %dma_start3A_273 = arith.constant 0 : i32
          %dma_start3A_274 = tpu.memref_slice %arg8[%select_n3A_142, %dma_start3A_272, %dma_start3A_273] : memref<2x8x128xi32, #tpu.memory_space<vmem>> -> memref<1x8x128xi32, #tpu.memory_space<vmem>>
          %dma_start3A_275 = tpu.memref_squeeze %dma_start3A_274 : memref<1x8x128xi32, #tpu.memory_space<vmem>> -> memref<8x128xi32, #tpu.memory_space<vmem>>
          %dma_start3A_276 = arith.constant 0 : i32
          %dma_start3A_277 = tpu.memref_slice %arg4[%multiple_of3A_259, %dma_start3A_276] : memref<2560x128xi32, #tpu.memory_space<hbm>> -> memref<8x128xi32, #tpu.memory_space<hbm>>
          %dma_start3A_278 = arith.constant 0 : i32
          %dma_start3A_279 = arith.constant 0 : i32
          %dma_start3A_280 = tpu.memref_slice %arg8[%select_n3A_142, %dma_start3A_278, %dma_start3A_279] : memref<2x8x128xi32, #tpu.memory_space<vmem>> -> memref<1x8x128xi32, #tpu.memory_space<vmem>>
          %dma_start3A_281 = tpu.memref_squeeze %dma_start3A_280 : memref<1x8x128xi32, #tpu.memory_space<vmem>> -> memref<8x128xi32, #tpu.memory_space<vmem>>
          %dma_start3A_282 = arith.constant 0 : i32
          %dma_start3A_283 = tpu.memref_slice %arg4[%multiple_of3A_259, %dma_start3A_282] : memref<2560x128xi32, #tpu.memory_space<hbm>> -> memref<8x128xi32, #tpu.memory_space<hbm>>
          tpu.enqueue_dma source(%dma_start3A_283 : memref<8x128xi32, #tpu.memory_space<hbm>>) target(%dma_start3A_281 : memref<8x128xi32, #tpu.memory_space<vmem>>) target_semaphore(%arg15 : memref<!tpu.dma_semaphore, #tpu.memory_space<semaphore_mem>>)
        } else {
        }
        %eq3A_239 = arith.constant 7 : i32
        %eq3A_240 = arith.cmpi eq, %select_n3A_158, %eq3A_239 : i32
        %add3A_241 = arith.constant 1 : i32
        %add3A_242 = arith.addi %select_n3A_108, %add3A_241 : i32
        %lt3A_243 = arith.cmpi slt, %add3A_242, %select_n3A_13 : i32
        %and3A_244 = arith.andi %eq3A_240, %lt3A_243 : i1
        %convert_element_type3A_245 = arith.extui %and3A_244 : i1 to i32
        %cond3A_246 = arith.constant 0 : i32
        %cond3A_247 = arith.cmpi ne, %convert_element_type3A_245, %cond3A_246 : i32
        scf.if %cond3A_247 {
          %dma_wait3A_254 = arith.constant 0 : i32
          %dma_wait3A_255 = arith.constant 0 : i32
          %dma_wait3A_256 = tpu.memref_slice %arg7[%select_n3A_142, %dma_wait3A_254, %dma_wait3A_255] : memref<2x8x128xi32, #tpu.memory_space<vmem>> -> memref<1x8x128xi32, #tpu.memory_space<vmem>>
          %dma_wait3A_257 = tpu.memref_squeeze %dma_wait3A_256 : memref<1x8x128xi32, #tpu.memory_space<vmem>> -> memref<8x128xi32, #tpu.memory_space<vmem>>
          %dma_wait3A_258 = arith.constant 0 : i32
          %dma_wait3A_259 = arith.constant 0 : i32
          %dma_wait3A_260 = tpu.memref_slice %arg3[%dma_wait3A_258, %dma_wait3A_259] : memref<2560x128xi32, #tpu.memory_space<hbm>> -> memref<8x128xi32, #tpu.memory_space<hbm>>
          %dma_wait3A_261 = arith.constant 0 : i32
          %dma_wait3A_262 = arith.constant 0 : i32
          %dma_wait3A_263 = tpu.memref_slice %arg7[%select_n3A_142, %dma_wait3A_261, %dma_wait3A_262] : memref<2x8x128xi32, #tpu.memory_space<vmem>> -> memref<1x8x128xi32, #tpu.memory_space<vmem>>
          %dma_wait3A_264 = tpu.memref_squeeze %dma_wait3A_263 : memref<1x8x128xi32, #tpu.memory_space<vmem>> -> memref<8x128xi32, #tpu.memory_space<vmem>>
          %dma_wait3A_265 = arith.constant 0 : i32
          %dma_wait3A_266 = arith.constant 0 : i32
          %dma_wait3A_267 = tpu.memref_slice %arg3[%dma_wait3A_265, %dma_wait3A_266] : memref<2560x128xi32, #tpu.memory_space<hbm>> -> memref<8x128xi32, #tpu.memory_space<hbm>>
          tpu.wait_dma2 semaphore(%arg15 : memref<!tpu.dma_semaphore, #tpu.memory_space<semaphore_mem>>) src(%dma_wait3A_267 : memref<8x128xi32, #tpu.memory_space<hbm>>) dst(%dma_wait3A_264 : memref<8x128xi32, #tpu.memory_space<vmem>>)
          %dma_wait3A_268 = arith.constant 0 : i32
          %dma_wait3A_269 = arith.constant 0 : i32
          %dma_wait3A_270 = tpu.memref_slice %arg8[%select_n3A_142, %dma_wait3A_268, %dma_wait3A_269] : memref<2x8x128xi32, #tpu.memory_space<vmem>> -> memref<1x8x128xi32, #tpu.memory_space<vmem>>
          %dma_wait3A_271 = tpu.memref_squeeze %dma_wait3A_270 : memref<1x8x128xi32, #tpu.memory_space<vmem>> -> memref<8x128xi32, #tpu.memory_space<vmem>>
          %dma_wait3A_272 = arith.constant 0 : i32
          %dma_wait3A_273 = arith.constant 0 : i32
          %dma_wait3A_274 = tpu.memref_slice %arg4[%dma_wait3A_272, %dma_wait3A_273] : memref<2560x128xi32, #tpu.memory_space<hbm>> -> memref<8x128xi32, #tpu.memory_space<hbm>>
          %dma_wait3A_275 = arith.constant 0 : i32
          %dma_wait3A_276 = arith.constant 0 : i32
          %dma_wait3A_277 = tpu.memref_slice %arg8[%select_n3A_142, %dma_wait3A_275, %dma_wait3A_276] : memref<2x8x128xi32, #tpu.memory_space<vmem>> -> memref<1x8x128xi32, #tpu.memory_space<vmem>>
          %dma_wait3A_278 = tpu.memref_squeeze %dma_wait3A_277 : memref<1x8x128xi32, #tpu.memory_space<vmem>> -> memref<8x128xi32, #tpu.memory_space<vmem>>
          %dma_wait3A_279 = arith.constant 0 : i32
          %dma_wait3A_280 = arith.constant 0 : i32
          %dma_wait3A_281 = tpu.memref_slice %arg4[%dma_wait3A_279, %dma_wait3A_280] : memref<2560x128xi32, #tpu.memory_space<hbm>> -> memref<8x128xi32, #tpu.memory_space<hbm>>
          tpu.wait_dma2 semaphore(%arg15 : memref<!tpu.dma_semaphore, #tpu.memory_space<semaphore_mem>>) src(%dma_wait3A_281 : memref<8x128xi32, #tpu.memory_space<hbm>>) dst(%dma_wait3A_278 : memref<8x128xi32, #tpu.memory_space<vmem>>)
        } else {
        }
        %add3A_248 = arith.constant 1 : i32
        %add3A_249 = arith.addi %while3A_86, %add3A_248 : i32
        %lt3A_250 = arith.cmpi slt, %add3A_249, %select_n3A_8 : i32
        %convert_element_type3A_251 = arith.extui %lt3A_250 : i1 to i32
        %cond3A_252 = arith.constant 0 : i32
        %cond3A_253 = arith.cmpi ne, %convert_element_type3A_251, %cond3A_252 : i32
        scf.if %cond3A_253 {
          %add3A_254 = arith.constant 1 : i32
          %add3A_255 = arith.addi %while3A_86, %add3A_254 : i32
          %jit3A_256 = arith.constant 8 : i32
          %div3A_257 = arith.divsi %add3A_255, %jit3A_256 : i32
          %sign3A_258 = arith.constant 0 : i32
          %sign3A_259 = arith.cmpi sgt, %add3A_255, %sign3A_258 : i32
          %sign3A_260 = arith.extui %sign3A_259 : i1 to i32
          %sign3A_261 = arith.constant 0 : i32
          %sign3A_262 = arith.cmpi slt, %add3A_255, %sign3A_261 : i32
          %sign3A_263 = arith.extui %sign3A_262 : i1 to i32
          %sign3A_264 = arith.subi %sign3A_260, %sign3A_263 : i32
          %sign3A_265 = arith.constant 0 : i32
          %sign3A_266 = arith.cmpi sgt, %jit3A_256, %sign3A_265 : i32
          %sign3A_267 = arith.extui %sign3A_266 : i1 to i32
          %sign3A_268 = arith.constant 0 : i32
          %sign3A_269 = arith.cmpi slt, %jit3A_256, %sign3A_268 : i32
          %sign3A_270 = arith.extui %sign3A_269 : i1 to i32
          %sign3A_271 = arith.subi %sign3A_267, %sign3A_270 : i32
          %ne3A_272 = arith.cmpi ne, %sign3A_264, %sign3A_271 : i32
          %rem3A_273 = arith.remsi %add3A_255, %jit3A_256 : i32
          %ne3A_274 = arith.constant 0 : i32
          %ne3A_275 = arith.cmpi ne, %rem3A_273, %ne3A_274 : i32
          %and3A_276 = arith.andi %ne3A_272, %ne3A_275 : i1
          %sub3A_277 = arith.constant 1 : i32
          %sub3A_278 = arith.subi %div3A_257, %sub3A_277 : i32
          %select_n3A_279 = arith.select %and3A_276, %sub3A_278, %div3A_257 : i32
          %add3A_280 = arith.constant 1 : i32
          %add3A_281 = arith.addi %while3A_86, %add3A_280 : i32
          %jit3A_282 = arith.constant 8 : i32
          %eq3A_283 = arith.constant 0 : i32
          %eq3A_284 = arith.cmpi eq, %jit3A_282, %eq3A_283 : i32
          %jit3A_285 = arith.constant 1 : i32
          %select_n3A_286 = arith.select %eq3A_284, %jit3A_285, %jit3A_282 : i32
          %rem3A_287 = arith.remsi %add3A_281, %select_n3A_286 : i32
          %ne3A_288 = arith.constant 0 : i32
          %ne3A_289 = arith.cmpi ne, %rem3A_287, %ne3A_288 : i32
          %lt3A_290 = arith.constant 0 : i32
          %lt3A_291 = arith.cmpi slt, %rem3A_287, %lt3A_290 : i32
          %lt3A_292 = arith.constant 0 : i32
          %lt3A_293 = arith.cmpi slt, %select_n3A_286, %lt3A_292 : i32
          %ne3A_294 = arith.xori %lt3A_291, %lt3A_293 : i1
          %and3A_295 = arith.andi %ne3A_294, %ne3A_289 : i1
          %add3A_296 = arith.addi %rem3A_287, %select_n3A_286 : i32
          %select_n3A_297 = arith.select %and3A_295, %add3A_296, %rem3A_287 : i32
          %jit3A_298 = arith.constant 2 : i32
          %eq3A_299 = arith.constant 0 : i32
          %eq3A_300 = arith.cmpi eq, %jit3A_298, %eq3A_299 : i32
          %jit3A_301 = arith.constant 1 : i32
          %select_n3A_302 = arith.select %eq3A_300, %jit3A_301, %jit3A_298 : i32
          %rem3A_303 = arith.remsi %select_n3A_279, %select_n3A_302 : i32
          %ne3A_304 = arith.constant 0 : i32
          %ne3A_305 = arith.cmpi ne, %rem3A_303, %ne3A_304 : i32
          %lt3A_306 = arith.constant 0 : i32
          %lt3A_307 = arith.cmpi slt, %rem3A_303, %lt3A_306 : i32
          %lt3A_308 = arith.constant 0 : i32
          %lt3A_309 = arith.cmpi slt, %select_n3A_302, %lt3A_308 : i32
          %ne3A_310 = arith.xori %lt3A_307, %lt3A_309 : i1
          %and3A_311 = arith.andi %ne3A_310, %ne3A_305 : i1
          %add3A_312 = arith.addi %rem3A_303, %select_n3A_302 : i32
          %select_n3A_313 = arith.select %and3A_311, %add3A_312, %rem3A_303 : i32
          %dma_start3A_314 = arith.constant 1 : i32
          %dma_start3A_315 = arith.constant 0 : i32
          %dma_start3A_316 = arith.constant 0 : i32
          %dma_start3A_317 = tpu.memref_slice %arg9[%dma_start3A_314, %dma_start3A_315, %dma_start3A_316] : memref<2x128x128xf32, #tpu.memory_space<vmem>> -> memref<1x128x128xf32, #tpu.memory_space<vmem>>
          %dma_start3A_318 = tpu.memref_squeeze %dma_start3A_317 : memref<1x128x128xf32, #tpu.memory_space<vmem>> -> memref<128x128xf32, #tpu.memory_space<vmem>>
          %dma_start3A_319 = arith.constant 0 : i32
          %dma_start3A_320 = tpu.memref_slice %arg7[%select_n3A_313, %select_n3A_297, %dma_start3A_319] : memref<2x8x128xi32, #tpu.memory_space<vmem>> -> memref<1x1x128xi32, #tpu.memory_space<vmem>>
          %dma_start3A_321 = tpu.memref_squeeze %dma_start3A_320 : memref<1x1x128xi32, #tpu.memory_space<vmem>> -> memref<128xi32, #tpu.memory_space<vmem>>
          %dma_start3A_322 = arith.constant 0 : i32
          %dma_start3A_323 = arith.constant 0 : i32
          %dma_start3A_324 = tpu.memref_slice %arg2[%dma_start3A_322, %dma_start3A_323] : memref<10000x128xf32, #tpu.memory_space<hbm>> -> memref<10000x128xf32, #tpu.memory_space<hbm>>
          tpu.enqueue_indirect_dma source(%dma_start3A_324 : memref<10000x128xf32, #tpu.memory_space<hbm>>) target(%dma_start3A_318 : memref<128x128xf32, #tpu.memory_space<vmem>>) offsets(%dma_start3A_321 : memref<128xi32, #tpu.memory_space<vmem>>) semaphore(%arg12 : memref<!tpu.dma_semaphore, #tpu.memory_space<semaphore_mem>>)
        } else {
        }
      } else {
      }
      %jit3A_180 = arith.constant 2 : i32
      %eq3A_181 = arith.constant 0 : i32
      %eq3A_182 = arith.cmpi eq, %jit3A_180, %eq3A_181 : i32
      %jit3A_183 = arith.constant 1 : i32
      %select_n3A_184 = arith.select %eq3A_182, %jit3A_183, %jit3A_180 : i32
      %rem3A_185 = arith.remsi %while3A_86, %select_n3A_184 : i32
      %ne3A_186 = arith.constant 0 : i32
      %ne3A_187 = arith.cmpi ne, %rem3A_185, %ne3A_186 : i32
      %lt3A_188 = arith.constant 0 : i32
      %lt3A_189 = arith.cmpi slt, %rem3A_185, %lt3A_188 : i32
      %lt3A_190 = arith.constant 0 : i32
      %lt3A_191 = arith.cmpi slt, %select_n3A_184, %lt3A_190 : i32
      %ne3A_192 = arith.xori %lt3A_189, %lt3A_191 : i1
      %and3A_193 = arith.andi %ne3A_192, %ne3A_187 : i1
      %add3A_194 = arith.addi %rem3A_185, %select_n3A_184 : i32
      %select_n3A_195 = arith.select %and3A_193, %add3A_194, %rem3A_185 : i32
      %eq3A_196 = arith.constant 1 : i32
      %eq3A_197 = arith.cmpi eq, %select_n3A_195, %eq3A_196 : i32
      %convert_element_type3A_198 = arith.extui %eq3A_197 : i1 to i32
      %cond3A_199 = arith.constant 0 : i32
      %cond3A_200 = arith.cmpi ne, %convert_element_type3A_198, %cond3A_199 : i32
      scf.if %cond3A_200 {
        %dma_wait3A = arith.constant 1 : i32
        %dma_wait3A_201 = arith.constant 0 : i32
        %dma_wait3A_202 = arith.constant 0 : i32
        %dma_wait3A_203 = tpu.memref_slice %arg9[%dma_wait3A, %dma_wait3A_201, %dma_wait3A_202] : memref<2x128x128xf32, #tpu.memory_space<vmem>> -> memref<1x128x128xf32, #tpu.memory_space<vmem>>
        %dma_wait3A_204 = tpu.memref_squeeze %dma_wait3A_203 : memref<1x128x128xf32, #tpu.memory_space<vmem>> -> memref<128x128xf32, #tpu.memory_space<vmem>>
        %dma_wait3A_205 = arith.constant 0 : i32
        %dma_wait3A_206 = tpu.memref_slice %arg7[%select_n3A_124, %select_n3A_158, %dma_wait3A_205] : memref<2x8x128xi32, #tpu.memory_space<vmem>> -> memref<1x1x128xi32, #tpu.memory_space<vmem>>
        %dma_wait3A_207 = tpu.memref_squeeze %dma_wait3A_206 : memref<1x1x128xi32, #tpu.memory_space<vmem>> -> memref<128xi32, #tpu.memory_space<vmem>>
        %dma_wait3A_208 = arith.constant 0 : i32
        %dma_wait3A_209 = arith.constant 0 : i32
        %dma_wait3A_210 = tpu.memref_slice %arg2[%dma_wait3A_208, %dma_wait3A_209] : memref<10000x128xf32, #tpu.memory_space<hbm>> -> memref<10000x128xf32, #tpu.memory_space<hbm>>
        tpu.wait_indirect_dma semaphore(%arg12 : memref<!tpu.dma_semaphore, #tpu.memory_space<semaphore_mem>>) src(%dma_wait3A_210 : memref<10000x128xf32, #tpu.memory_space<hbm>>) dst(%dma_wait3A_204 : memref<128x128xf32, #tpu.memory_space<vmem>>)
        %dma_start3A_211 = arith.constant 1 : i32
        %dma_start3A_212 = arith.constant 0 : i32
        %dma_start3A_213 = arith.constant 0 : i32
        %dma_start3A_214 = tpu.memref_slice %arg9[%dma_start3A_211, %dma_start3A_212, %dma_start3A_213] : memref<2x128x128xf32, #tpu.memory_space<vmem>> -> memref<1x128x128xf32, #tpu.memory_space<vmem>>
        %dma_start3A_215 = tpu.memref_squeeze %dma_start3A_214 : memref<1x128x128xf32, #tpu.memory_space<vmem>> -> memref<128x128xf32, #tpu.memory_space<vmem>>
        %dma_start3A_216 = arith.constant 0 : i32
        %dma_start3A_217 = tpu.memref_slice %arg8[%select_n3A_124, %select_n3A_158, %dma_start3A_216] : memref<2x8x128xi32, #tpu.memory_space<vmem>> -> memref<1x1x128xi32, #tpu.memory_space<vmem>>
        %dma_start3A_218 = tpu.memref_squeeze %dma_start3A_217 : memref<1x1x128xi32, #tpu.memory_space<vmem>> -> memref<128xi32, #tpu.memory_space<vmem>>
        %dma_start3A_219 = arith.constant 0 : i32
        %dma_start3A_220 = arith.constant 0 : i32
        %dma_start3A_221 = tpu.memref_slice %arg10[%dma_start3A_219, %dma_start3A_220] : memref<10112x128xf32, #tpu.memory_space<vmem_shared>> -> memref<10112x128xf32, #tpu.memory_space<vmem_shared>>
        tpu.enqueue_indirect_dma source(%dma_start3A_215 : memref<128x128xf32, #tpu.memory_space<vmem>>) target(%dma_start3A_221 : memref<10112x128xf32, #tpu.memory_space<vmem_shared>>) offsets(%dma_start3A_218 : memref<128xi32, #tpu.memory_space<vmem>>) semaphore(%arg14 : memref<!tpu.dma_semaphore, #tpu.memory_space<semaphore_mem>>) {add = true}
        %gt3A_222 = arith.constant 0 : i32
        %gt3A_223 = arith.cmpi sgt, %while3A_86, %gt3A_222 : i32
        %convert_element_type3A_224 = arith.extui %gt3A_223 : i1 to i32
        %cond3A_225 = arith.constant 0 : i32
        %cond3A_226 = arith.cmpi ne, %convert_element_type3A_224, %cond3A_225 : i32
        scf.if %cond3A_226 {
          %dma_wait3A_254 = arith.constant 0 : i32
          %dma_wait3A_255 = arith.constant 0 : i32
          %dma_wait3A_256 = arith.constant 0 : i32
          %dma_wait3A_257 = tpu.memref_slice %arg9[%dma_wait3A_254, %dma_wait3A_255, %dma_wait3A_256] : memref<2x128x128xf32, #tpu.memory_space<vmem>> -> memref<1x128x128xf32, #tpu.memory_space<vmem>>
          %dma_wait3A_258 = tpu.memref_squeeze %dma_wait3A_257 : memref<1x128x128xf32, #tpu.memory_space<vmem>> -> memref<128x128xf32, #tpu.memory_space<vmem>>
          %dma_wait3A_259 = arith.constant 0 : i32
          %dma_wait3A_260 = tpu.memref_slice %arg8[%select_n3A_124, %select_n3A_158, %dma_wait3A_259] : memref<2x8x128xi32, #tpu.memory_space<vmem>> -> memref<1x1x128xi32, #tpu.memory_space<vmem>>
          %dma_wait3A_261 = tpu.memref_squeeze %dma_wait3A_260 : memref<1x1x128xi32, #tpu.memory_space<vmem>> -> memref<128xi32, #tpu.memory_space<vmem>>
          %dma_wait3A_262 = arith.constant 0 : i32
          %dma_wait3A_263 = arith.constant 0 : i32
          %dma_wait3A_264 = tpu.memref_slice %arg10[%dma_wait3A_262, %dma_wait3A_263] : memref<10112x128xf32, #tpu.memory_space<vmem_shared>> -> memref<10112x128xf32, #tpu.memory_space<vmem_shared>>
          tpu.wait_indirect_dma semaphore(%arg13 : memref<!tpu.dma_semaphore, #tpu.memory_space<semaphore_mem>>) src(%dma_wait3A_258 : memref<128x128xf32, #tpu.memory_space<vmem>>) dst(%dma_wait3A_264 : memref<10112x128xf32, #tpu.memory_space<vmem_shared>>)
        } else {
        }
        %eq3A_227 = arith.constant 0 : i32
        %eq3A_228 = arith.cmpi eq, %select_n3A_158, %eq3A_227 : i32
        %gt3A_229 = arith.constant 0 : i32
        %gt3A_230 = arith.cmpi sgt, %while3A_86, %gt3A_229 : i32
        %and3A_231 = arith.andi %eq3A_228, %gt3A_230 : i1
        %add3A_232 = arith.constant 1 : i32
        %add3A_233 = arith.addi %select_n3A_108, %add3A_232 : i32
        %lt3A_234 = arith.cmpi slt, %add3A_233, %select_n3A_13 : i32
        %and3A_235 = arith.andi %and3A_231, %lt3A_234 : i1
        %convert_element_type3A_236 = arith.extui %and3A_235 : i1 to i32
        %cond3A_237 = arith.constant 0 : i32
        %cond3A_238 = arith.cmpi ne, %convert_element_type3A_236, %cond3A_237 : i32
        scf.if %cond3A_238 {
          %add3A_254 = arith.constant 1 : i32
          %add3A_255 = arith.addi %select_n3A_108, %add3A_254 : i32
          %mul3A_256 = arith.constant 8 : i32
          %mul3A_257 = arith.muli %add3A_255, %mul3A_256 : i32
          %add3A_258 = arith.addi %multiple_of3A, %mul3A_257 : i32
          %multiple_of3A_259 = tpu.assume_multiple %add3A_258, 8 : i32
          %dma_start3A_260 = arith.constant 0 : i32
          %dma_start3A_261 = arith.constant 0 : i32
          %dma_start3A_262 = tpu.memref_slice %arg7[%select_n3A_142, %dma_start3A_260, %dma_start3A_261] : memref<2x8x128xi32, #tpu.memory_space<vmem>> -> memref<1x8x128xi32, #tpu.memory_space<vmem>>
          %dma_start3A_263 = tpu.memref_squeeze %dma_start3A_262 : memref<1x8x128xi32, #tpu.memory_space<vmem>> -> memref<8x128xi32, #tpu.memory_space<vmem>>
          %dma_start3A_264 = arith.constant 0 : i32
          %dma_start3A_265 = tpu.memref_slice %arg3[%multiple_of3A_259, %dma_start3A_264] : memref<2560x128xi32, #tpu.memory_space<hbm>> -> memref<8x128xi32, #tpu.memory_space<hbm>>
          %dma_start3A_266 = arith.constant 0 : i32
          %dma_start3A_267 = arith.constant 0 : i32
          %dma_start3A_268 = tpu.memref_slice %arg7[%select_n3A_142, %dma_start3A_266, %dma_start3A_267] : memref<2x8x128xi32, #tpu.memory_space<vmem>> -> memref<1x8x128xi32, #tpu.memory_space<vmem>>
          %dma_start3A_269 = tpu.memref_squeeze %dma_start3A_268 : memref<1x8x128xi32, #tpu.memory_space<vmem>> -> memref<8x128xi32, #tpu.memory_space<vmem>>
          %dma_start3A_270 = arith.constant 0 : i32
          %dma_start3A_271 = tpu.memref_slice %arg3[%multiple_of3A_259, %dma_start3A_270] : memref<2560x128xi32, #tpu.memory_space<hbm>> -> memref<8x128xi32, #tpu.memory_space<hbm>>
          tpu.enqueue_dma source(%dma_start3A_271 : memref<8x128xi32, #tpu.memory_space<hbm>>) target(%dma_start3A_269 : memref<8x128xi32, #tpu.memory_space<vmem>>) target_semaphore(%arg15 : memref<!tpu.dma_semaphore, #tpu.memory_space<semaphore_mem>>)
          %dma_start3A_272 = arith.constant 0 : i32
          %dma_start3A_273 = arith.constant 0 : i32
          %dma_start3A_274 = tpu.memref_slice %arg8[%select_n3A_142, %dma_start3A_272, %dma_start3A_273] : memref<2x8x128xi32, #tpu.memory_space<vmem>> -> memref<1x8x128xi32, #tpu.memory_space<vmem>>
          %dma_start3A_275 = tpu.memref_squeeze %dma_start3A_274 : memref<1x8x128xi32, #tpu.memory_space<vmem>> -> memref<8x128xi32, #tpu.memory_space<vmem>>
          %dma_start3A_276 = arith.constant 0 : i32
          %dma_start3A_277 = tpu.memref_slice %arg4[%multiple_of3A_259, %dma_start3A_276] : memref<2560x128xi32, #tpu.memory_space<hbm>> -> memref<8x128xi32, #tpu.memory_space<hbm>>
          %dma_start3A_278 = arith.constant 0 : i32
          %dma_start3A_279 = arith.constant 0 : i32
          %dma_start3A_280 = tpu.memref_slice %arg8[%select_n3A_142, %dma_start3A_278, %dma_start3A_279] : memref<2x8x128xi32, #tpu.memory_space<vmem>> -> memref<1x8x128xi32, #tpu.memory_space<vmem>>
          %dma_start3A_281 = tpu.memref_squeeze %dma_start3A_280 : memref<1x8x128xi32, #tpu.memory_space<vmem>> -> memref<8x128xi32, #tpu.memory_space<vmem>>
          %dma_start3A_282 = arith.constant 0 : i32
          %dma_start3A_283 = tpu.memref_slice %arg4[%multiple_of3A_259, %dma_start3A_282] : memref<2560x128xi32, #tpu.memory_space<hbm>> -> memref<8x128xi32, #tpu.memory_space<hbm>>
          tpu.enqueue_dma source(%dma_start3A_283 : memref<8x128xi32, #tpu.memory_space<hbm>>) target(%dma_start3A_281 : memref<8x128xi32, #tpu.memory_space<vmem>>) target_semaphore(%arg15 : memref<!tpu.dma_semaphore, #tpu.memory_space<semaphore_mem>>)
        } else {
        }
        %eq3A_239 = arith.constant 7 : i32
        %eq3A_240 = arith.cmpi eq, %select_n3A_158, %eq3A_239 : i32
        %add3A_241 = arith.constant 1 : i32
        %add3A_242 = arith.addi %select_n3A_108, %add3A_241 : i32
        %lt3A_243 = arith.cmpi slt, %add3A_242, %select_n3A_13 : i32
        %and3A_244 = arith.andi %eq3A_240, %lt3A_243 : i1
        %convert_element_type3A_245 = arith.extui %and3A_244 : i1 to i32
        %cond3A_246 = arith.constant 0 : i32
        %cond3A_247 = arith.cmpi ne, %convert_element_type3A_245, %cond3A_246 : i32
        scf.if %cond3A_247 {
          %dma_wait3A_254 = arith.constant 0 : i32
          %dma_wait3A_255 = arith.constant 0 : i32
          %dma_wait3A_256 = tpu.memref_slice %arg7[%select_n3A_142, %dma_wait3A_254, %dma_wait3A_255] : memref<2x8x128xi32, #tpu.memory_space<vmem>> -> memref<1x8x128xi32, #tpu.memory_space<vmem>>
          %dma_wait3A_257 = tpu.memref_squeeze %dma_wait3A_256 : memref<1x8x128xi32, #tpu.memory_space<vmem>> -> memref<8x128xi32, #tpu.memory_space<vmem>>
          %dma_wait3A_258 = arith.constant 0 : i32
          %dma_wait3A_259 = arith.constant 0 : i32
          %dma_wait3A_260 = tpu.memref_slice %arg3[%dma_wait3A_258, %dma_wait3A_259] : memref<2560x128xi32, #tpu.memory_space<hbm>> -> memref<8x128xi32, #tpu.memory_space<hbm>>
          %dma_wait3A_261 = arith.constant 0 : i32
          %dma_wait3A_262 = arith.constant 0 : i32
          %dma_wait3A_263 = tpu.memref_slice %arg7[%select_n3A_142, %dma_wait3A_261, %dma_wait3A_262] : memref<2x8x128xi32, #tpu.memory_space<vmem>> -> memref<1x8x128xi32, #tpu.memory_space<vmem>>
          %dma_wait3A_264 = tpu.memref_squeeze %dma_wait3A_263 : memref<1x8x128xi32, #tpu.memory_space<vmem>> -> memref<8x128xi32, #tpu.memory_space<vmem>>
          %dma_wait3A_265 = arith.constant 0 : i32
          %dma_wait3A_266 = arith.constant 0 : i32
          %dma_wait3A_267 = tpu.memref_slice %arg3[%dma_wait3A_265, %dma_wait3A_266] : memref<2560x128xi32, #tpu.memory_space<hbm>> -> memref<8x128xi32, #tpu.memory_space<hbm>>
          tpu.wait_dma2 semaphore(%arg15 : memref<!tpu.dma_semaphore, #tpu.memory_space<semaphore_mem>>) src(%dma_wait3A_267 : memref<8x128xi32, #tpu.memory_space<hbm>>) dst(%dma_wait3A_264 : memref<8x128xi32, #tpu.memory_space<vmem>>)
          %dma_wait3A_268 = arith.constant 0 : i32
          %dma_wait3A_269 = arith.constant 0 : i32
          %dma_wait3A_270 = tpu.memref_slice %arg8[%select_n3A_142, %dma_wait3A_268, %dma_wait3A_269] : memref<2x8x128xi32, #tpu.memory_space<vmem>> -> memref<1x8x128xi32, #tpu.memory_space<vmem>>
          %dma_wait3A_271 = tpu.memref_squeeze %dma_wait3A_270 : memref<1x8x128xi32, #tpu.memory_space<vmem>> -> memref<8x128xi32, #tpu.memory_space<vmem>>
          %dma_wait3A_272 = arith.constant 0 : i32
          %dma_wait3A_273 = arith.constant 0 : i32
          %dma_wait3A_274 = tpu.memref_slice %arg4[%dma_wait3A_272, %dma_wait3A_273] : memref<2560x128xi32, #tpu.memory_space<hbm>> -> memref<8x128xi32, #tpu.memory_space<hbm>>
          %dma_wait3A_275 = arith.constant 0 : i32
          %dma_wait3A_276 = arith.constant 0 : i32
          %dma_wait3A_277 = tpu.memref_slice %arg8[%select_n3A_142, %dma_wait3A_275, %dma_wait3A_276] : memref<2x8x128xi32, #tpu.memory_space<vmem>> -> memref<1x8x128xi32, #tpu.memory_space<vmem>>
          %dma_wait3A_278 = tpu.memref_squeeze %dma_wait3A_277 : memref<1x8x128xi32, #tpu.memory_space<vmem>> -> memref<8x128xi32, #tpu.memory_space<vmem>>
          %dma_wait3A_279 = arith.constant 0 : i32
          %dma_wait3A_280 = arith.constant 0 : i32
          %dma_wait3A_281 = tpu.memref_slice %arg4[%dma_wait3A_279, %dma_wait3A_280] : memref<2560x128xi32, #tpu.memory_space<hbm>> -> memref<8x128xi32, #tpu.memory_space<hbm>>
          tpu.wait_dma2 semaphore(%arg15 : memref<!tpu.dma_semaphore, #tpu.memory_space<semaphore_mem>>) src(%dma_wait3A_281 : memref<8x128xi32, #tpu.memory_space<hbm>>) dst(%dma_wait3A_278 : memref<8x128xi32, #tpu.memory_space<vmem>>)
        } else {
        }
        %add3A_248 = arith.constant 1 : i32
        %add3A_249 = arith.addi %while3A_86, %add3A_248 : i32
        %lt3A_250 = arith.cmpi slt, %add3A_249, %select_n3A_8 : i32
        %convert_element_type3A_251 = arith.extui %lt3A_250 : i1 to i32
        %cond3A_252 = arith.constant 0 : i32
        %cond3A_253 = arith.cmpi ne, %convert_element_type3A_251, %cond3A_252 : i32
        scf.if %cond3A_253 {
          %add3A_254 = arith.constant 1 : i32
          %add3A_255 = arith.addi %while3A_86, %add3A_254 : i32
          %jit3A_256 = arith.constant 8 : i32
          %div3A_257 = arith.divsi %add3A_255, %jit3A_256 : i32
          %sign3A_258 = arith.constant 0 : i32
          %sign3A_259 = arith.cmpi sgt, %add3A_255, %sign3A_258 : i32
          %sign3A_260 = arith.extui %sign3A_259 : i1 to i32
          %sign3A_261 = arith.constant 0 : i32
          %sign3A_262 = arith.cmpi slt, %add3A_255, %sign3A_261 : i32
          %sign3A_263 = arith.extui %sign3A_262 : i1 to i32
          %sign3A_264 = arith.subi %sign3A_260, %sign3A_263 : i32
          %sign3A_265 = arith.constant 0 : i32
          %sign3A_266 = arith.cmpi sgt, %jit3A_256, %sign3A_265 : i32
          %sign3A_267 = arith.extui %sign3A_266 : i1 to i32
          %sign3A_268 = arith.constant 0 : i32
          %sign3A_269 = arith.cmpi slt, %jit3A_256, %sign3A_268 : i32
          %sign3A_270 = arith.extui %sign3A_269 : i1 to i32
          %sign3A_271 = arith.subi %sign3A_267, %sign3A_270 : i32
          %ne3A_272 = arith.cmpi ne, %sign3A_264, %sign3A_271 : i32
          %rem3A_273 = arith.remsi %add3A_255, %jit3A_256 : i32
          %ne3A_274 = arith.constant 0 : i32
          %ne3A_275 = arith.cmpi ne, %rem3A_273, %ne3A_274 : i32
          %and3A_276 = arith.andi %ne3A_272, %ne3A_275 : i1
          %sub3A_277 = arith.constant 1 : i32
          %sub3A_278 = arith.subi %div3A_257, %sub3A_277 : i32
          %select_n3A_279 = arith.select %and3A_276, %sub3A_278, %div3A_257 : i32
          %add3A_280 = arith.constant 1 : i32
          %add3A_281 = arith.addi %while3A_86, %add3A_280 : i32
          %jit3A_282 = arith.constant 8 : i32
          %eq3A_283 = arith.constant 0 : i32
          %eq3A_284 = arith.cmpi eq, %jit3A_282, %eq3A_283 : i32
          %jit3A_285 = arith.constant 1 : i32
          %select_n3A_286 = arith.select %eq3A_284, %jit3A_285, %jit3A_282 : i32
          %rem3A_287 = arith.remsi %add3A_281, %select_n3A_286 : i32
          %ne3A_288 = arith.constant 0 : i32
          %ne3A_289 = arith.cmpi ne, %rem3A_287, %ne3A_288 : i32
          %lt3A_290 = arith.constant 0 : i32
          %lt3A_291 = arith.cmpi slt, %rem3A_287, %lt3A_290 : i32
          %lt3A_292 = arith.constant 0 : i32
          %lt3A_293 = arith.cmpi slt, %select_n3A_286, %lt3A_292 : i32
          %ne3A_294 = arith.xori %lt3A_291, %lt3A_293 : i1
          %and3A_295 = arith.andi %ne3A_294, %ne3A_289 : i1
          %add3A_296 = arith.addi %rem3A_287, %select_n3A_286 : i32
          %select_n3A_297 = arith.select %and3A_295, %add3A_296, %rem3A_287 : i32
          %jit3A_298 = arith.constant 2 : i32
          %eq3A_299 = arith.constant 0 : i32
          %eq3A_300 = arith.cmpi eq, %jit3A_298, %eq3A_299 : i32
          %jit3A_301 = arith.constant 1 : i32
          %select_n3A_302 = arith.select %eq3A_300, %jit3A_301, %jit3A_298 : i32
          %rem3A_303 = arith.remsi %select_n3A_279, %select_n3A_302 : i32
          %ne3A_304 = arith.constant 0 : i32
          %ne3A_305 = arith.cmpi ne, %rem3A_303, %ne3A_304 : i32
          %lt3A_306 = arith.constant 0 : i32
          %lt3A_307 = arith.cmpi slt, %rem3A_303, %lt3A_306 : i32
          %lt3A_308 = arith.constant 0 : i32
          %lt3A_309 = arith.cmpi slt, %select_n3A_302, %lt3A_308 : i32
          %ne3A_310 = arith.xori %lt3A_307, %lt3A_309 : i1
          %and3A_311 = arith.andi %ne3A_310, %ne3A_305 : i1
          %add3A_312 = arith.addi %rem3A_303, %select_n3A_302 : i32
          %select_n3A_313 = arith.select %and3A_311, %add3A_312, %rem3A_303 : i32
          %dma_start3A_314 = arith.constant 0 : i32
          %dma_start3A_315 = arith.constant 0 : i32
          %dma_start3A_316 = arith.constant 0 : i32
          %dma_start3A_317 = tpu.memref_slice %arg9[%dma_start3A_314, %dma_start3A_315, %dma_start3A_316] : memref<2x128x128xf32, #tpu.memory_space<vmem>> -> memref<1x128x128xf32, #tpu.memory_space<vmem>>
          %dma_start3A_318 = tpu.memref_squeeze %dma_start3A_317 : memref<1x128x128xf32, #tpu.memory_space<vmem>> -> memref<128x128xf32, #tpu.memory_space<vmem>>
          %dma_start3A_319 = arith.constant 0 : i32
          %dma_start3A_320 = tpu.memref_slice %arg7[%select_n3A_313, %select_n3A_297, %dma_start3A_319] : memref<2x8x128xi32, #tpu.memory_space<vmem>> -> memref<1x1x128xi32, #tpu.memory_space<vmem>>
          %dma_start3A_321 = tpu.memref_squeeze %dma_start3A_320 : memref<1x1x128xi32, #tpu.memory_space<vmem>> -> memref<128xi32, #tpu.memory_space<vmem>>
          %dma_start3A_322 = arith.constant 0 : i32
          %dma_start3A_323 = arith.constant 0 : i32
          %dma_start3A_324 = tpu.memref_slice %arg2[%dma_start3A_322, %dma_start3A_323] : memref<10000x128xf32, #tpu.memory_space<hbm>> -> memref<10000x128xf32, #tpu.memory_space<hbm>>
          tpu.enqueue_indirect_dma source(%dma_start3A_324 : memref<10000x128xf32, #tpu.memory_space<hbm>>) target(%dma_start3A_318 : memref<128x128xf32, #tpu.memory_space<vmem>>) offsets(%dma_start3A_321 : memref<128xi32, #tpu.memory_space<vmem>>) semaphore(%arg11 : memref<!tpu.dma_semaphore, #tpu.memory_space<semaphore_mem>>)
        } else {
        }
      } else {
      }
    }
    %sub3A = arith.constant 1 : i32
    %sub3A_40 = arith.subi %select_n3A_8, %sub3A : i32
    %jit3A_41 = arith.constant 2 : i32
    %eq3A_42 = arith.constant 0 : i32
    %eq3A_43 = arith.cmpi eq, %jit3A_41, %eq3A_42 : i32
    %jit3A_44 = arith.constant 1 : i32
    %select_n3A_45 = arith.select %eq3A_43, %jit3A_44, %jit3A_41 : i32
    %rem3A = arith.remsi %sub3A_40, %select_n3A_45 : i32
    %ne3A = arith.constant 0 : i32
    %ne3A_46 = arith.cmpi ne, %rem3A, %ne3A : i32
    %lt3A = arith.constant 0 : i32
    %lt3A_47 = arith.cmpi slt, %rem3A, %lt3A : i32
    %lt3A_48 = arith.constant 0 : i32
    %lt3A_49 = arith.cmpi slt, %select_n3A_45, %lt3A_48 : i32
    %ne3A_50 = arith.xori %lt3A_47, %lt3A_49 : i1
    %and3A = arith.andi %ne3A_50, %ne3A_46 : i1
    %add3A_51 = arith.addi %rem3A, %select_n3A_45 : i32
    %select_n3A_52 = arith.select %and3A, %add3A_51, %rem3A : i32
    %eq3A_53 = arith.constant 0 : i32
    %eq3A_54 = arith.cmpi eq, %select_n3A_52, %eq3A_53 : i32
    %convert_element_type3A_55 = arith.extui %eq3A_54 : i1 to i32
    %cond3A_56 = arith.constant 0 : i32
    %cond3A_57 = arith.cmpi ne, %convert_element_type3A_55, %cond3A_56 : i32
    scf.if %cond3A_57 {
      %dma_wait3A = arith.constant 0 : i32
      %dma_wait3A_86 = arith.constant 0 : i32
      %dma_wait3A_87 = arith.constant 0 : i32
      %dma_wait3A_88 = arith.constant 0 : i32
      %dma_wait3A_89 = arith.constant 0 : i32
      %dma_wait3A_90 = tpu.memref_slice %arg9[%dma_wait3A, %dma_wait3A_88, %dma_wait3A_89] : memref<2x128x128xf32, #tpu.memory_space<vmem>> -> memref<1x128x128xf32, #tpu.memory_space<vmem>>
      %dma_wait3A_91 = tpu.memref_squeeze %dma_wait3A_90 : memref<1x128x128xf32, #tpu.memory_space<vmem>> -> memref<128x128xf32, #tpu.memory_space<vmem>>
      %dma_wait3A_92 = arith.constant 0 : i32
      %dma_wait3A_93 = tpu.memref_slice %arg8[%dma_wait3A_86, %dma_wait3A_87, %dma_wait3A_92] : memref<2x8x128xi32, #tpu.memory_space<vmem>> -> memref<1x1x128xi32, #tpu.memory_space<vmem>>
      %dma_wait3A_94 = tpu.memref_squeeze %dma_wait3A_93 : memref<1x1x128xi32, #tpu.memory_space<vmem>> -> memref<128xi32, #tpu.memory_space<vmem>>
      %dma_wait3A_95 = arith.constant 0 : i32
      %dma_wait3A_96 = arith.constant 0 : i32
      %dma_wait3A_97 = tpu.memref_slice %arg10[%dma_wait3A_95, %dma_wait3A_96] : memref<10112x128xf32, #tpu.memory_space<vmem_shared>> -> memref<10112x128xf32, #tpu.memory_space<vmem_shared>>
      tpu.wait_indirect_dma semaphore(%arg13 : memref<!tpu.dma_semaphore, #tpu.memory_space<semaphore_mem>>) src(%dma_wait3A_91 : memref<128x128xf32, #tpu.memory_space<vmem>>) dst(%dma_wait3A_97 : memref<10112x128xf32, #tpu.memory_space<vmem_shared>>)
    } else {
    }
    %sub3A_58 = arith.constant 1 : i32
    %sub3A_59 = arith.subi %select_n3A_8, %sub3A_58 : i32
    %jit3A_60 = arith.constant 2 : i32
    %eq3A_61 = arith.constant 0 : i32
    %eq3A_62 = arith.cmpi eq, %jit3A_60, %eq3A_61 : i32
    %jit3A_63 = arith.constant 1 : i32
    %select_n3A_64 = arith.select %eq3A_62, %jit3A_63, %jit3A_60 : i32
    %rem3A_65 = arith.remsi %sub3A_59, %select_n3A_64 : i32
    %ne3A_66 = arith.constant 0 : i32
    %ne3A_67 = arith.cmpi ne, %rem3A_65, %ne3A_66 : i32
    %lt3A_68 = arith.constant 0 : i32
    %lt3A_69 = arith.cmpi slt, %rem3A_65, %lt3A_68 : i32
    %lt3A_70 = arith.constant 0 : i32
    %lt3A_71 = arith.cmpi slt, %select_n3A_64, %lt3A_70 : i32
    %ne3A_72 = arith.xori %lt3A_69, %lt3A_71 : i1
    %and3A_73 = arith.andi %ne3A_72, %ne3A_67 : i1
    %add3A_74 = arith.addi %rem3A_65, %select_n3A_64 : i32
    %select_n3A_75 = arith.select %and3A_73, %add3A_74, %rem3A_65 : i32
    %eq3A_76 = arith.constant 1 : i32
    %eq3A_77 = arith.cmpi eq, %select_n3A_75, %eq3A_76 : i32
    %convert_element_type3A_78 = arith.extui %eq3A_77 : i1 to i32
    %cond3A_79 = arith.constant 0 : i32
    %cond3A_80 = arith.cmpi ne, %convert_element_type3A_78, %cond3A_79 : i32
    scf.if %cond3A_80 {
      %dma_wait3A = arith.constant 1 : i32
      %dma_wait3A_86 = arith.constant 0 : i32
      %dma_wait3A_87 = arith.constant 0 : i32
      %dma_wait3A_88 = arith.constant 0 : i32
      %dma_wait3A_89 = arith.constant 0 : i32
      %dma_wait3A_90 = tpu.memref_slice %arg9[%dma_wait3A, %dma_wait3A_88, %dma_wait3A_89] : memref<2x128x128xf32, #tpu.memory_space<vmem>> -> memref<1x128x128xf32, #tpu.memory_space<vmem>>
      %dma_wait3A_91 = tpu.memref_squeeze %dma_wait3A_90 : memref<1x128x128xf32, #tpu.memory_space<vmem>> -> memref<128x128xf32, #tpu.memory_space<vmem>>
      %dma_wait3A_92 = arith.constant 0 : i32
      %dma_wait3A_93 = tpu.memref_slice %arg8[%dma_wait3A_86, %dma_wait3A_87, %dma_wait3A_92] : memref<2x8x128xi32, #tpu.memory_space<vmem>> -> memref<1x1x128xi32, #tpu.memory_space<vmem>>
      %dma_wait3A_94 = tpu.memref_squeeze %dma_wait3A_93 : memref<1x1x128xi32, #tpu.memory_space<vmem>> -> memref<128xi32, #tpu.memory_space<vmem>>
      %dma_wait3A_95 = arith.constant 0 : i32
      %dma_wait3A_96 = arith.constant 0 : i32
      %dma_wait3A_97 = tpu.memref_slice %arg10[%dma_wait3A_95, %dma_wait3A_96] : memref<10112x128xf32, #tpu.memory_space<vmem_shared>> -> memref<10112x128xf32, #tpu.memory_space<vmem_shared>>
      tpu.wait_indirect_dma semaphore(%arg14 : memref<!tpu.dma_semaphore, #tpu.memory_space<semaphore_mem>>) src(%dma_wait3A_91 : memref<128x128xf32, #tpu.memory_space<vmem>>) dst(%dma_wait3A_97 : memref<10112x128xf32, #tpu.memory_space<vmem_shared>>)
    } else {
    }
    %barrier3A_81 = arith.constant 0 : index
    tpu.barrier barrier_id(%barrier3A_81)
    %mul3A_82 = arith.constant 632 : i32
    %mul3A_83 = arith.muli %arg1, %mul3A_82 : i32
    %mul3A_84 = arith.constant 632 : i32
    %mul3A_85 = arith.muli %arg1, %mul3A_84 : i32
    "tpu.region"() ({
      %run_scoped3A_86 = tpu.sem_alloc : memref<!tpu.dma_semaphore, #tpu.memory_space<semaphore_mem>>
      %dma_start3A_87 = arith.constant 0 : i32
      %dma_start3A_88 = tpu.memref_slice %arg6[%arg0, %mul3A_85, %dma_start3A_87] : memref<2x10112x128xf32, #tpu.memory_space<hbm>> -> memref<1x632x128xf32, #tpu.memory_space<hbm>>
      %dma_start3A_89 = tpu.memref_squeeze %dma_start3A_88 : memref<1x632x128xf32, #tpu.memory_space<hbm>> -> memref<632x128xf32, #tpu.memory_space<hbm>>
      %dma_start3A_90 = arith.constant 0 : i32
      %dma_start3A_91 = tpu.memref_slice %arg10[%mul3A_83, %dma_start3A_90] : memref<10112x128xf32, #tpu.memory_space<vmem_shared>> -> memref<632x128xf32, #tpu.memory_space<vmem_shared>>
      tpu.enqueue_dma source(%dma_start3A_91 : memref<632x128xf32, #tpu.memory_space<vmem_shared>>) target(%dma_start3A_89 : memref<632x128xf32, #tpu.memory_space<hbm>>) target_semaphore(%run_scoped3A_86 : memref<!tpu.dma_semaphore, #tpu.memory_space<semaphore_mem>>)
      %dma_wait3A = arith.constant 0 : i32
      %dma_wait3A_92 = tpu.memref_slice %arg6[%arg0, %mul3A_85, %dma_wait3A] : memref<2x10112x128xf32, #tpu.memory_space<hbm>> -> memref<1x632x128xf32, #tpu.memory_space<hbm>>
      %dma_wait3A_93 = tpu.memref_squeeze %dma_wait3A_92 : memref<1x632x128xf32, #tpu.memory_space<hbm>> -> memref<632x128xf32, #tpu.memory_space<hbm>>
      %dma_wait3A_94 = arith.constant 0 : i32
      %dma_wait3A_95 = tpu.memref_slice %arg10[%mul3A_83, %dma_wait3A_94] : memref<10112x128xf32, #tpu.memory_space<vmem_shared>> -> memref<632x128xf32, #tpu.memory_space<vmem_shared>>
      tpu.wait_dma2 semaphore(%run_scoped3A_86 : memref<!tpu.dma_semaphore, #tpu.memory_space<semaphore_mem>>) src(%dma_wait3A_95 : memref<632x128xf32, #tpu.memory_space<vmem_shared>>) dst(%dma_wait3A_93 : memref<632x128xf32, #tpu.memory_space<hbm>>)
      tpu.yield
    }) : () -> ()
    return
  }
}

#map = affine_map<(d0, d1) -> (0, 0)>
module attributes {stable_mosaic.version = 14 : i64} {
  func.func @_sc_count_body(%arg0: i32, %arg1: i32, %arg2: memref<2560x128xi32, #tpu.memory_space<hbm>>, %arg3: memref<32x10112xf32, #tpu.memory_space<hbm>>, %arg4: memref<80x128xi32, #tpu.memory_space<vmem>>, %arg5: memref<10112xf32, #tpu.memory_space<vmem>>, %arg6: memref<!tpu.dma_semaphore, #tpu.memory_space<semaphore_mem>>) attributes {dimension_semantics = [#tpu.dimension_semantics<core_parallel>, #tpu.dimension_semantics<subcore_parallel>], iteration_bounds = array<i64: 2, 16>, scalar_prefetch = 0 : i64, scratch_operands = 3 : i64, tpu.core_type = #tpu.core_type<sc_vector_subcore>, window_params = [{transform_indices = #map}, {transform_indices = #map}]} {
    %mul3A = arith.constant 16 : i32
    %mul3A_0 = arith.muli %arg0, %mul3A : i32
    %add3A = arith.addi %mul3A_0, %arg1 : i32
    %mul3A_1 = arith.constant 80 : i32
    %mul3A_2 = arith.muli %add3A, %mul3A_1 : i32
    "tpu.region"() ({
      %run_scoped3A = tpu.sem_alloc : memref<!tpu.dma_semaphore, #tpu.memory_space<semaphore_mem>>
      %dma_start3A = arith.constant 0 : i32
      %dma_start3A_17 = tpu.memref_slice %arg2[%mul3A_2, %dma_start3A] : memref<2560x128xi32, #tpu.memory_space<hbm>> -> memref<80x128xi32, #tpu.memory_space<hbm>>
      %dma_start3A_18 = arith.constant 0 : i32
      %dma_start3A_19 = tpu.memref_slice %arg2[%mul3A_2, %dma_start3A_18] : memref<2560x128xi32, #tpu.memory_space<hbm>> -> memref<80x128xi32, #tpu.memory_space<hbm>>
      tpu.enqueue_dma source(%dma_start3A_19 : memref<80x128xi32, #tpu.memory_space<hbm>>) target(%arg4 : memref<80x128xi32, #tpu.memory_space<vmem>>) target_semaphore(%run_scoped3A : memref<!tpu.dma_semaphore, #tpu.memory_space<semaphore_mem>>)
      %dma_wait3A = arith.constant 0 : i32
      %dma_wait3A_20 = tpu.memref_slice %arg2[%mul3A_2, %dma_wait3A] : memref<2560x128xi32, #tpu.memory_space<hbm>> -> memref<80x128xi32, #tpu.memory_space<hbm>>
      %dma_wait3A_21 = arith.constant 0 : i32
      %dma_wait3A_22 = tpu.memref_slice %arg2[%mul3A_2, %dma_wait3A_21] : memref<2560x128xi32, #tpu.memory_space<hbm>> -> memref<80x128xi32, #tpu.memory_space<hbm>>
      tpu.wait_dma2 semaphore(%run_scoped3A : memref<!tpu.dma_semaphore, #tpu.memory_space<semaphore_mem>>) src(%dma_wait3A_22 : memref<80x128xi32, #tpu.memory_space<hbm>>) dst(%arg4 : memref<80x128xi32, #tpu.memory_space<vmem>>)
      tpu.yield
    }) : () -> ()
    %broadcast_in_dim3A = arith.constant 0.000000e+00 : f32
    %broadcast_in_dim3A_3 = vector.broadcast %broadcast_in_dim3A : f32 to vector<16xf32>
    %broadcast_in_dim3A_4 = arith.constant 1.000000e+00 : f32
    %broadcast_in_dim3A_5 = vector.broadcast %broadcast_in_dim3A_4 : f32 to vector<16xf32>
    %scan3A = arith.constant 0 : i32
    %scan3A_6 = arith.constant 0 : i32
    %scan3A_7 = arith.constant 632 : i32
    %scan3A_8 = arith.addi %scan3A_6, %scan3A_7 : i32
    %scan3A_9 = arith.constant 1 : i32
    scf.for %scan3A_17 = %scan3A_6 to %scan3A_8 step %scan3A_9  : i32 {
      %mul3A_18 = arith.constant 16 : i32
      %mul3A_19 = arith.muli %scan3A_17, %mul3A_18 : i32
      %swap3A = arith.index_cast %mul3A_19 : i32 to index
      %swap3A_20 = tpu.vector_load %arg5[%swap3A] {strides = array<i32>} : memref<10112xf32, #tpu.memory_space<vmem>>, vector<16xf32>,
      tpu.vector_store %arg5[%swap3A], %broadcast_in_dim3A_3 {strides = array<i32>} : memref<10112xf32, #tpu.memory_space<vmem>>, vector<16xf32>,
    }
    %scan3A_10 = arith.constant 632 : i32
    %scan3A_11 = arith.constant 0 : i32
    %scan3A_12 = arith.constant 0 : i32
    %scan3A_13 = arith.constant 640 : i32
    %scan3A_14 = arith.addi %scan3A_12, %scan3A_13 : i32
    %scan3A_15 = arith.constant 1 : i32
    scf.for %scan3A_17 = %scan3A_12 to %scan3A_14 step %scan3A_15  : i32 {
      %jit3A = arith.constant 8 : i32
      %div3A = arith.divsi %scan3A_17, %jit3A : i32
      %sign3A = arith.constant 0 : i32
      %sign3A_18 = arith.cmpi sgt, %scan3A_17, %sign3A : i32
      %sign3A_19 = arith.extui %sign3A_18 : i1 to i32
      %sign3A_20 = arith.constant 0 : i32
      %sign3A_21 = arith.cmpi slt, %scan3A_17, %sign3A_20 : i32
      %sign3A_22 = arith.extui %sign3A_21 : i1 to i32
      %sign3A_23 = arith.subi %sign3A_19, %sign3A_22 : i32
      %sign3A_24 = arith.constant 0 : i32
      %sign3A_25 = arith.cmpi sgt, %jit3A, %sign3A_24 : i32
      %sign3A_26 = arith.extui %sign3A_25 : i1 to i32
      %sign3A_27 = arith.constant 0 : i32
      %sign3A_28 = arith.cmpi slt, %jit3A, %sign3A_27 : i32
      %sign3A_29 = arith.extui %sign3A_28 : i1 to i32
      %sign3A_30 = arith.subi %sign3A_26, %sign3A_29 : i32
      %ne3A = arith.cmpi ne, %sign3A_23, %sign3A_30 : i32
      %rem3A = arith.remsi %scan3A_17, %jit3A : i32
      %ne3A_31 = arith.constant 0 : i32
      %ne3A_32 = arith.cmpi ne, %rem3A, %ne3A_31 : i32
      %and3A = arith.andi %ne3A, %ne3A_32 : i1
      %sub3A = arith.constant 1 : i32
      %sub3A_33 = arith.subi %div3A, %sub3A : i32
      %select_n3A = arith.select %and3A, %sub3A_33, %div3A : i32
      %jit3A_34 = arith.constant 8 : i32
      %eq3A = arith.constant 0 : i32
      %eq3A_35 = arith.cmpi eq, %jit3A_34, %eq3A : i32
      %jit3A_36 = arith.constant 1 : i32
      %select_n3A_37 = arith.select %eq3A_35, %jit3A_36, %jit3A_34 : i32
      %rem3A_38 = arith.remsi %scan3A_17, %select_n3A_37 : i32
      %ne3A_39 = arith.constant 0 : i32
      %ne3A_40 = arith.cmpi ne, %rem3A_38, %ne3A_39 : i32
      %lt3A = arith.constant 0 : i32
      %lt3A_41 = arith.cmpi slt, %rem3A_38, %lt3A : i32
      %lt3A_42 = arith.constant 0 : i32
      %lt3A_43 = arith.cmpi slt, %select_n3A_37, %lt3A_42 : i32
      %ne3A_44 = arith.xori %lt3A_41, %lt3A_43 : i1
      %and3A_45 = arith.andi %ne3A_44, %ne3A_40 : i1
      %add3A_46 = arith.addi %rem3A_38, %select_n3A_37 : i32
      %select_n3A_47 = arith.select %and3A_45, %add3A_46, %rem3A_38 : i32
      %mul3A_48 = arith.constant 16 : i32
      %mul3A_49 = arith.muli %select_n3A_47, %mul3A_48 : i32
      %get3A = arith.index_cast %select_n3A : i32 to index
      %get3A_50 = arith.index_cast %mul3A_49 : i32 to index
      %get3A_51 = tpu.vector_load %arg4[%get3A, %get3A_50] {strides = array<i32>} : memref<80x128xi32, #tpu.memory_space<vmem>>, vector<16xi32>,
      tpu.vector_store_idx %arg5[%get3A_51], %broadcast_in_dim3A_5 {add = true} : memref<10112xf32, #tpu.memory_space<vmem>>[vector<16xi32>], vector<16xf32>,
    }
    %scan3A_16 = arith.constant 640 : i32
    "tpu.region"() ({
      %run_scoped3A = tpu.sem_alloc : memref<!tpu.dma_semaphore, #tpu.memory_space<semaphore_mem>>
      %dma_start3A = arith.constant 0 : i32
      %dma_start3A_17 = tpu.memref_slice %arg3[%add3A, %dma_start3A] : memref<32x10112xf32, #tpu.memory_space<hbm>> -> memref<1x10112xf32, #tpu.memory_space<hbm>>
      %dma_start3A_18 = tpu.memref_squeeze %dma_start3A_17 : memref<1x10112xf32, #tpu.memory_space<hbm>> -> memref<10112xf32, #tpu.memory_space<hbm>>
      %dma_start3A_19 = arith.constant 0 : i32
      %dma_start3A_20 = tpu.memref_slice %arg3[%add3A, %dma_start3A_19] : memref<32x10112xf32, #tpu.memory_space<hbm>> -> memref<1x10112xf32, #tpu.memory_space<hbm>>
      %dma_start3A_21 = tpu.memref_squeeze %dma_start3A_20 : memref<1x10112xf32, #tpu.memory_space<hbm>> -> memref<10112xf32, #tpu.memory_space<hbm>>
      tpu.enqueue_dma source(%arg5 : memref<10112xf32, #tpu.memory_space<vmem>>) target(%dma_start3A_21 : memref<10112xf32, #tpu.memory_space<hbm>>) target_semaphore(%run_scoped3A : memref<!tpu.dma_semaphore, #tpu.memory_space<semaphore_mem>>)
      %dma_wait3A = arith.constant 0 : i32
      %dma_wait3A_22 = tpu.memref_slice %arg3[%add3A, %dma_wait3A] : memref<32x10112xf32, #tpu.memory_space<hbm>> -> memref<1x10112xf32, #tpu.memory_space<hbm>>
      %dma_wait3A_23 = tpu.memref_squeeze %dma_wait3A_22 : memref<1x10112xf32, #tpu.memory_space<hbm>> -> memref<10112xf32, #tpu.memory_space<hbm>>
      %dma_wait3A_24 = arith.constant 0 : i32
      %dma_wait3A_25 = tpu.memref_slice %arg3[%add3A, %dma_wait3A_24] : memref<32x10112xf32, #tpu.memory_space<hbm>> -> memref<1x10112xf32, #tpu.memory_space<hbm>>
      %dma_wait3A_26 = tpu.memref_squeeze %dma_wait3A_25 : memref<1x10112xf32, #tpu.memory_space<hbm>> -> memref<10112xf32, #tpu.memory_space<hbm>>
      tpu.wait_dma2 semaphore(%run_scoped3A : memref<!tpu.dma_semaphore, #tpu.memory_space<semaphore_mem>>) src(%arg5 : memref<10112xf32, #tpu.memory_space<vmem>>) dst(%dma_wait3A_26 : memref<10112xf32, #tpu.memory_space<hbm>>)
      tpu.yield
    }) : () -> ()
    return
  }
}

#map = affine_map<(d0, d1) -> (0, 0)>
#map1 = affine_map<(d0, d1) -> (0, 0, 0)>
module attributes {stable_mosaic.version = 14 : i64} {
  func.func @_sc_agg_body(%arg0: i32, %arg1: i32, %arg2: memref<10000x128xf32, #tpu.memory_space<hbm>>, %arg3: memref<2560x128xi32, #tpu.memory_space<hbm>>, %arg4: memref<2560x128xi32, #tpu.memory_space<hbm>>, %arg5: memref<632x128xf32, #tpu.memory_space<hbm>>, %arg6: memref<2x10112x128xf32, #tpu.memory_space<hbm>>, %arg7: memref<2x8x128xi32, #tpu.memory_space<vmem>>, %arg8: memref<2x8x128xi32, #tpu.memory_space<vmem>>, %arg9: memref<2x128x128xf32, #tpu.memory_space<vmem>>, %arg10: memref<10112x128xf32, #tpu.memory_space<vmem_shared>>, %arg11: memref<!tpu.dma_semaphore, #tpu.memory_space<semaphore_mem>>, %arg12: memref<!tpu.dma_semaphore, #tpu.memory_space<semaphore_mem>>, %arg13: memref<!tpu.dma_semaphore, #tpu.memory_space<semaphore_mem>>, %arg14: memref<!tpu.dma_semaphore, #tpu.memory_space<semaphore_mem>>, %arg15: memref<!tpu.dma_semaphore, #tpu.memory_space<semaphore_mem>>) attributes {dimension_semantics = [#tpu.dimension_semantics<core_parallel>, #tpu.dimension_semantics<subcore_parallel>], iteration_bounds = array<i64: 2, 16>, scalar_prefetch = 0 : i64, scratch_operands = 9 : i64, tpu.core_type = #tpu.core_type<sc_vector_subcore>, window_params = [{transform_indices = #map}, {transform_indices = #map}, {transform_indices = #map}, {transform_indices = #map}, {transform_indices = #map1}]} {
    %eq3A = arith.constant 0 : i32
    %eq3A_0 = arith.cmpi eq, %arg0, %eq3A : i32
    %mul3A = arith.constant 152 : i32
    %mul3A_1 = arith.muli %arg1, %mul3A : i32
    %mul3A_2 = arith.constant 8 : i32
    %mul3A_3 = arith.muli %arg1, %mul3A_2 : i32
    %add3A = arith.constant 2432 : i32
    %add3A_4 = arith.addi %add3A, %mul3A_3 : i32
    %select_n3A = arith.select %eq3A_0, %mul3A_1, %add3A_4 : i32
    %multiple_of3A = tpu.assume_multiple %select_n3A, 8 : i32
    %eq3A_5 = arith.constant 0 : i32
    %eq3A_6 = arith.cmpi eq, %arg0, %eq3A_5 : i32
    %jit3A = arith.constant 152 : i32
    %jit3A_7 = arith.constant 8 : i32
    %select_n3A_8 = arith.select %eq3A_6, %jit3A, %jit3A_7 : i32
    %eq3A_9 = arith.constant 0 : i32
    %eq3A_10 = arith.cmpi eq, %arg0, %eq3A_9 : i32
    %jit3A_11 = arith.constant 19 : i32
    %jit3A_12 = arith.constant 1 : i32
    %select_n3A_13 = arith.select %eq3A_10, %jit3A_11, %jit3A_12 : i32
    %run_scoped3A = arith.constant 0 : i32
    "tpu.region"() ({
      %run_scoped3A_86 = tpu.sem_alloc : memref<!tpu.dma_semaphore, #tpu.memory_space<semaphore_mem>>
      %dma_start3A_87 = arith.constant 0 : i32
      %dma_start3A_88 = arith.constant 0 : i32
      %dma_start3A_89 = tpu.memref_slice %arg7[%run_scoped3A, %dma_start3A_87, %dma_start3A_88] : memref<2x8x128xi32, #tpu.memory_space<vmem>> -> memref<1x8x128xi32, #tpu.memory_space<vmem>>
      %dma_start3A_90 = tpu.memref_squeeze %dma_start3A_89 : memref<1x8x128xi32, #tpu.memory_space<vmem>> -> memref<8x128xi32, #tpu.memory_space<vmem>>
      %dma_start3A_91 = arith.constant 0 : i32
      %dma_start3A_92 = tpu.memref_slice %arg3[%multiple_of3A, %dma_start3A_91] : memref<2560x128xi32, #tpu.memory_space<hbm>> -> memref<8x128xi32, #tpu.memory_space<hbm>>
      %dma_start3A_93 = arith.constant 0 : i32
      %dma_start3A_94 = arith.constant 0 : i32
      %dma_start3A_95 = tpu.memref_slice %arg7[%run_scoped3A, %dma_start3A_93, %dma_start3A_94] : memref<2x8x128xi32, #tpu.memory_space<vmem>> -> memref<1x8x128xi32, #tpu.memory_space<vmem>>
      %dma_start3A_96 = tpu.memref_squeeze %dma_start3A_95 : memref<1x8x128xi32, #tpu.memory_space<vmem>> -> memref<8x128xi32, #tpu.memory_space<vmem>>
      %dma_start3A_97 = arith.constant 0 : i32
      %dma_start3A_98 = tpu.memref_slice %arg3[%multiple_of3A, %dma_start3A_97] : memref<2560x128xi32, #tpu.memory_space<hbm>> -> memref<8x128xi32, #tpu.memory_space<hbm>>
      tpu.enqueue_dma source(%dma_start3A_98 : memref<8x128xi32, #tpu.memory_space<hbm>>) target(%dma_start3A_96 : memref<8x128xi32, #tpu.memory_space<vmem>>) target_semaphore(%run_scoped3A_86 : memref<!tpu.dma_semaphore, #tpu.memory_space<semaphore_mem>>)
      %dma_wait3A = arith.constant 0 : i32
      %dma_wait3A_99 = arith.constant 0 : i32
      %dma_wait3A_100 = tpu.memref_slice %arg7[%run_scoped3A, %dma_wait3A, %dma_wait3A_99] : memref<2x8x128xi32, #tpu.memory_space<vmem>> -> memref<1x8x128xi32, #tpu.memory_space<vmem>>
      %dma_wait3A_101 = tpu.memref_squeeze %dma_wait3A_100 : memref<1x8x128xi32, #tpu.memory_space<vmem>> -> memref<8x128xi32, #tpu.memory_space<vmem>>
      %dma_wait3A_102 = arith.constant 0 : i32
      %dma_wait3A_103 = tpu.memref_slice %arg3[%multiple_of3A, %dma_wait3A_102] : memref<2560x128xi32, #tpu.memory_space<hbm>> -> memref<8x128xi32, #tpu.memory_space<hbm>>
      %dma_wait3A_104 = arith.constant 0 : i32
      %dma_wait3A_105 = arith.constant 0 : i32
      %dma_wait3A_106 = tpu.memref_slice %arg7[%run_scoped3A, %dma_wait3A_104, %dma_wait3A_105] : memref<2x8x128xi32, #tpu.memory_space<vmem>> -> memref<1x8x128xi32, #tpu.memory_space<vmem>>
      %dma_wait3A_107 = tpu.memref_squeeze %dma_wait3A_106 : memref<1x8x128xi32, #tpu.memory_space<vmem>> -> memref<8x128xi32, #tpu.memory_space<vmem>>
      %dma_wait3A_108 = arith.constant 0 : i32
      %dma_wait3A_109 = tpu.memref_slice %arg3[%multiple_of3A, %dma_wait3A_108] : memref<2560x128xi32, #tpu.memory_space<hbm>> -> memref<8x128xi32, #tpu.memory_space<hbm>>
      tpu.wait_dma2 semaphore(%run_scoped3A_86 : memref<!tpu.dma_semaphore, #tpu.memory_space<semaphore_mem>>) src(%dma_wait3A_109 : memref<8x128xi32, #tpu.memory_space<hbm>>) dst(%dma_wait3A_107 : memref<8x128xi32, #tpu.memory_space<vmem>>)
      tpu.yield
    }) : () -> ()
    %run_scoped3A_14 = arith.constant 0 : i32
    "tpu.region"() ({
      %run_scoped3A_86 = tpu.sem_alloc : memref<!tpu.dma_semaphore, #tpu.memory_space<semaphore_mem>>
      %dma_start3A_87 = arith.constant 0 : i32
      %dma_start3A_88 = arith.constant 0 : i32
      %dma_start3A_89 = tpu.memref_slice %arg8[%run_scoped3A_14, %dma_start3A_87, %dma_start3A_88] : memref<2x8x128xi32, #tpu.memory_space<vmem>> -> memref<1x8x128xi32, #tpu.memory_space<vmem>>
      %dma_start3A_90 = tpu.memref_squeeze %dma_start3A_89 : memref<1x8x128xi32, #tpu.memory_space<vmem>> -> memref<8x128xi32, #tpu.memory_space<vmem>>
      %dma_start3A_91 = arith.constant 0 : i32
      %dma_start3A_92 = tpu.memref_slice %arg4[%multiple_of3A, %dma_start3A_91] : memref<2560x128xi32, #tpu.memory_space<hbm>> -> memref<8x128xi32, #tpu.memory_space<hbm>>
      %dma_start3A_93 = arith.constant 0 : i32
      %dma_start3A_94 = arith.constant 0 : i32
      %dma_start3A_95 = tpu.memref_slice %arg8[%run_scoped3A_14, %dma_start3A_93, %dma_start3A_94] : memref<2x8x128xi32, #tpu.memory_space<vmem>> -> memref<1x8x128xi32, #tpu.memory_space<vmem>>
      %dma_start3A_96 = tpu.memref_squeeze %dma_start3A_95 : memref<1x8x128xi32, #tpu.memory_space<vmem>> -> memref<8x128xi32, #tpu.memory_space<vmem>>
      %dma_start3A_97 = arith.constant 0 : i32
      %dma_start3A_98 = tpu.memref_slice %arg4[%multiple_of3A, %dma_start3A_97] : memref<2560x128xi32, #tpu.memory_space<hbm>> -> memref<8x128xi32, #tpu.memory_space<hbm>>
      tpu.enqueue_dma source(%dma_start3A_98 : memref<8x128xi32, #tpu.memory_space<hbm>>) target(%dma_start3A_96 : memref<8x128xi32, #tpu.memory_space<vmem>>) target_semaphore(%run_scoped3A_86 : memref<!tpu.dma_semaphore, #tpu.memory_space<semaphore_mem>>)
      %dma_wait3A = arith.constant 0 : i32
      %dma_wait3A_99 = arith.constant 0 : i32
      %dma_wait3A_100 = tpu.memref_slice %arg8[%run_scoped3A_14, %dma_wait3A, %dma_wait3A_99] : memref<2x8x128xi32, #tpu.memory_space<vmem>> -> memref<1x8x128xi32, #tpu.memory_space<vmem>>
      %dma_wait3A_101 = tpu.memref_squeeze %dma_wait3A_100 : memref<1x8x128xi32, #tpu.memory_space<vmem>> -> memref<8x128xi32, #tpu.memory_space<vmem>>
      %dma_wait3A_102 = arith.constant 0 : i32
      %dma_wait3A_103 = tpu.memref_slice %arg4[%multiple_of3A, %dma_wait3A_102] : memref<2560x128xi32, #tpu.memory_space<hbm>> -> memref<8x128xi32, #tpu.memory_space<hbm>>
      %dma_wait3A_104 = arith.constant 0 : i32
      %dma_wait3A_105 = arith.constant 0 : i32
      %dma_wait3A_106 = tpu.memref_slice %arg8[%run_scoped3A_14, %dma_wait3A_104, %dma_wait3A_105] : memref<2x8x128xi32, #tpu.memory_space<vmem>> -> memref<1x8x128xi32, #tpu.memory_space<vmem>>
      %dma_wait3A_107 = tpu.memref_squeeze %dma_wait3A_106 : memref<1x8x128xi32, #tpu.memory_space<vmem>> -> memref<8x128xi32, #tpu.memory_space<vmem>>
      %dma_wait3A_108 = arith.constant 0 : i32
      %dma_wait3A_109 = tpu.memref_slice %arg4[%multiple_of3A, %dma_wait3A_108] : memref<2560x128xi32, #tpu.memory_space<hbm>> -> memref<8x128xi32, #tpu.memory_space<hbm>>
      tpu.wait_dma2 semaphore(%run_scoped3A_86 : memref<!tpu.dma_semaphore, #tpu.memory_space<semaphore_mem>>) src(%dma_wait3A_109 : memref<8x128xi32, #tpu.memory_space<hbm>>) dst(%dma_wait3A_107 : memref<8x128xi32, #tpu.memory_space<vmem>>)
      tpu.yield
    }) : () -> ()
    %gt3A = arith.constant 1 : i32
    %gt3A_15 = arith.cmpi sgt, %select_n3A_13, %gt3A : i32
    %convert_element_type3A = arith.extui %gt3A_15 : i1 to i32
    %cond3A = arith.constant 0 : i32
    %cond3A_16 = arith.cmpi ne, %convert_element_type3A, %cond3A : i32
    scf.if %cond3A_16 {
      %add3A_86 = arith.constant 8 : i32
      %add3A_87 = arith.addi %multiple_of3A, %add3A_86 : i32
      %multiple_of3A_88 = tpu.assume_multiple %add3A_87, 8 : i32
      %dma_start3A_89 = arith.constant 1 : i32
      %dma_start3A_90 = arith.constant 0 : i32
      %dma_start3A_91 = arith.constant 0 : i32
      %dma_start3A_92 = tpu.memref_slice %arg7[%dma_start3A_89, %dma_start3A_90, %dma_start3A_91] : memref<2x8x128xi32, #tpu.memory_space<vmem>> -> memref<1x8x128xi32, #tpu.memory_space<vmem>>
      %dma_start3A_93 = tpu.memref_squeeze %dma_start3A_92 : memref<1x8x128xi32, #tpu.memory_space<vmem>> -> memref<8x128xi32, #tpu.memory_space<vmem>>
      %dma_start3A_94 = arith.constant 0 : i32
      %dma_start3A_95 = tpu.memref_slice %arg3[%multiple_of3A_88, %dma_start3A_94] : memref<2560x128xi32, #tpu.memory_space<hbm>> -> memref<8x128xi32, #tpu.memory_space<hbm>>
      %dma_start3A_96 = arith.constant 0 : i32
      %dma_start3A_97 = arith.constant 0 : i32
      %dma_start3A_98 = tpu.memref_slice %arg7[%dma_start3A_89, %dma_start3A_96, %dma_start3A_97] : memref<2x8x128xi32, #tpu.memory_space<vmem>> -> memref<1x8x128xi32, #tpu.memory_space<vmem>>
      %dma_start3A_99 = tpu.memref_squeeze %dma_start3A_98 : memref<1x8x128xi32, #tpu.memory_space<vmem>> -> memref<8x128xi32, #tpu.memory_space<vmem>>
      %dma_start3A_100 = arith.constant 0 : i32
      %dma_start3A_101 = tpu.memref_slice %arg3[%multiple_of3A_88, %dma_start3A_100] : memref<2560x128xi32, #tpu.memory_space<hbm>> -> memref<8x128xi32, #tpu.memory_space<hbm>>
      tpu.enqueue_dma source(%dma_start3A_101 : memref<8x128xi32, #tpu.memory_space<hbm>>) target(%dma_start3A_99 : memref<8x128xi32, #tpu.memory_space<vmem>>) target_semaphore(%arg15 : memref<!tpu.dma_semaphore, #tpu.memory_space<semaphore_mem>>)
      %dma_start3A_102 = arith.constant 1 : i32
      %dma_start3A_103 = arith.constant 0 : i32
      %dma_start3A_104 = arith.constant 0 : i32
      %dma_start3A_105 = tpu.memref_slice %arg8[%dma_start3A_102, %dma_start3A_103, %dma_start3A_104] : memref<2x8x128xi32, #tpu.memory_space<vmem>> -> memref<1x8x128xi32, #tpu.memory_space<vmem>>
      %dma_start3A_106 = tpu.memref_squeeze %dma_start3A_105 : memref<1x8x128xi32, #tpu.memory_space<vmem>> -> memref<8x128xi32, #tpu.memory_space<vmem>>
      %dma_start3A_107 = arith.constant 0 : i32
      %dma_start3A_108 = tpu.memref_slice %arg4[%multiple_of3A_88, %dma_start3A_107] : memref<2560x128xi32, #tpu.memory_space<hbm>> -> memref<8x128xi32, #tpu.memory_space<hbm>>
      %dma_start3A_109 = arith.constant 0 : i32
      %dma_start3A_110 = arith.constant 0 : i32
      %dma_start3A_111 = tpu.memref_slice %arg8[%dma_start3A_102, %dma_start3A_109, %dma_start3A_110] : memref<2x8x128xi32, #tpu.memory_space<vmem>> -> memref<1x8x128xi32, #tpu.memory_space<vmem>>
      %dma_start3A_112 = tpu.memref_squeeze %dma_start3A_111 : memref<1x8x128xi32, #tpu.memory_space<vmem>> -> memref<8x128xi32, #tpu.memory_space<vmem>>
      %dma_start3A_113 = arith.constant 0 : i32
      %dma_start3A_114 = tpu.memref_slice %arg4[%multiple_of3A_88, %dma_start3A_113] : memref<2560x128xi32, #tpu.memory_space<hbm>> -> memref<8x128xi32, #tpu.memory_space<hbm>>
      tpu.enqueue_dma source(%dma_start3A_114 : memref<8x128xi32, #tpu.memory_space<hbm>>) target(%dma_start3A_112 : memref<8x128xi32, #tpu.memory_space<vmem>>) target_semaphore(%arg15 : memref<!tpu.dma_semaphore, #tpu.memory_space<semaphore_mem>>)
    } else {
    }
    %mul3A_17 = arith.constant 632 : i32
    %mul3A_18 = arith.muli %arg1, %mul3A_17 : i32
    "tpu.region"() ({
      %run_scoped3A_86 = tpu.sem_alloc : memref<!tpu.dma_semaphore, #tpu.memory_space<semaphore_mem>>
      %dma_start3A_87 = arith.constant 0 : i32
      %dma_start3A_88 = tpu.memref_slice %arg10[%mul3A_18, %dma_start3A_87] : memref<10112x128xf32, #tpu.memory_space<vmem_shared>> -> memref<632x128xf32, #tpu.memory_space<vmem_shared>>
      tpu.enqueue_dma source(%arg5 : memref<632x128xf32, #tpu.memory_space<hbm>>) target(%dma_start3A_88 : memref<632x128xf32, #tpu.memory_space<vmem_shared>>) target_semaphore(%run_scoped3A_86 : memref<!tpu.dma_semaphore, #tpu.memory_space<semaphore_mem>>)
      %dma_wait3A = arith.constant 0 : i32
      %dma_wait3A_89 = tpu.memref_slice %arg10[%mul3A_18, %dma_wait3A] : memref<10112x128xf32, #tpu.memory_space<vmem_shared>> -> memref<632x128xf32, #tpu.memory_space<vmem_shared>>
      tpu.wait_dma2 semaphore(%run_scoped3A_86 : memref<!tpu.dma_semaphore, #tpu.memory_space<semaphore_mem>>) src(%arg5 : memref<632x128xf32, #tpu.memory_space<hbm>>) dst(%dma_wait3A_89 : memref<632x128xf32, #tpu.memory_space<vmem_shared>>)
      tpu.yield
    }) : () -> ()
    %barrier3A = arith.constant 0 : index
    tpu.barrier barrier_id(%barrier3A)
    %dma_start3A = arith.constant 0 : i32
    %dma_start3A_19 = arith.constant 0 : i32
    %dma_start3A_20 = arith.constant 0 : i32
    %dma_start3A_21 = arith.constant 0 : i32
    %dma_start3A_22 = arith.constant 0 : i32
    %dma_start3A_23 = tpu.memref_slice %arg9[%dma_start3A_20, %dma_start3A_21, %dma_start3A_22] : memref<2x128x128xf32, #tpu.memory_space<vmem>> -> memref<1x128x128xf32, #tpu.memory_space<vmem>>
    %dma_start3A_24 = tpu.memref_squeeze %dma_start3A_23 : memref<1x128x128xf32, #tpu.memory_space<vmem>> -> memref<128x128xf32, #tpu.memory_space<vmem>>
    %dma_start3A_25 = arith.constant 0 : i32
    %dma_start3A_26 = tpu.memref_slice %arg7[%dma_start3A, %dma_start3A_19, %dma_start3A_25] : memref<2x8x128xi32, #tpu.memory_space<vmem>> -> memref<1x1x128xi32, #tpu.memory_space<vmem>>
    %dma_start3A_27 = tpu.memref_squeeze %dma_start3A_26 : memref<1x1x128xi32, #tpu.memory_space<vmem>> -> memref<128xi32, #tpu.memory_space<vmem>>
    %dma_start3A_28 = arith.constant 0 : i32
    %dma_start3A_29 = arith.constant 0 : i32
    %dma_start3A_30 = tpu.memref_slice %arg2[%dma_start3A_28, %dma_start3A_29] : memref<10000x128xf32, #tpu.memory_space<hbm>> -> memref<10000x128xf32, #tpu.memory_space<hbm>>
    tpu.enqueue_indirect_dma source(%dma_start3A_30 : memref<10000x128xf32, #tpu.memory_space<hbm>>) target(%dma_start3A_24 : memref<128x128xf32, #tpu.memory_space<vmem>>) offsets(%dma_start3A_27 : memref<128xi32, #tpu.memory_space<vmem>>) semaphore(%arg11 : memref<!tpu.dma_semaphore, #tpu.memory_space<semaphore_mem>>)
    %while3A = arith.constant 0 : i32
    %while3A_31 = arith.constant 0 : i32
    %while3A_32 = arith.subi %select_n3A_8, %while3A_31 : i32
    %while3A_33 = arith.addi %while3A_31, %while3A_32 : i32
    %while3A_34 = arith.constant 1 : i32
    %while3A_35 = arith.divsi %while3A_32, %while3A_34 : i32
    %while3A_36 = arith.muli %while3A_35, %while3A_34 : i32
    %while3A_37 = arith.addi %while3A_31, %while3A_36 : i32
    %while3A_38 = arith.constant 1 : i32
    scf.for %while3A_86 = %while3A_31 to %while3A_37 step %while3A_38  : i32 {
      %jit3A_87 = arith.constant 8 : i32
      %div3A = arith.divsi %while3A_86, %jit3A_87 : i32
      %sign3A = arith.constant 0 : i32
      %sign3A_88 = arith.cmpi sgt, %while3A_86, %sign3A : i32
      %sign3A_89 = arith.extui %sign3A_88 : i1 to i32
      %sign3A_90 = arith.constant 0 : i32
      %sign3A_91 = arith.cmpi slt, %while3A_86, %sign3A_90 : i32
      %sign3A_92 = arith.extui %sign3A_91 : i1 to i32
      %sign3A_93 = arith.subi %sign3A_89, %sign3A_92 : i32
      %sign3A_94 = arith.constant 0 : i32
      %sign3A_95 = arith.cmpi sgt, %jit3A_87, %sign3A_94 : i32
      %sign3A_96 = arith.extui %sign3A_95 : i1 to i32
      %sign3A_97 = arith.constant 0 : i32
      %sign3A_98 = arith.cmpi slt, %jit3A_87, %sign3A_97 : i32
      %sign3A_99 = arith.extui %sign3A_98 : i1 to i32
      %sign3A_100 = arith.subi %sign3A_96, %sign3A_99 : i32
      %ne3A_101 = arith.cmpi ne, %sign3A_93, %sign3A_100 : i32
      %rem3A_102 = arith.remsi %while3A_86, %jit3A_87 : i32
      %ne3A_103 = arith.constant 0 : i32
      %ne3A_104 = arith.cmpi ne, %rem3A_102, %ne3A_103 : i32
      %and3A_105 = arith.andi %ne3A_101, %ne3A_104 : i1
      %sub3A_106 = arith.constant 1 : i32
      %sub3A_107 = arith.subi %div3A, %sub3A_106 : i32
      %select_n3A_108 = arith.select %and3A_105, %sub3A_107, %div3A : i32
      %jit3A_109 = arith.constant 2 : i32
      %eq3A_110 = arith.constant 0 : i32
      %eq3A_111 = arith.cmpi eq, %jit3A_109, %eq3A_110 : i32
      %jit3A_112 = arith.constant 1 : i32
      %select_n3A_113 = arith.select %eq3A_111, %jit3A_112, %jit3A_109 : i32
      %rem3A_114 = arith.remsi %select_n3A_108, %select_n3A_113 : i32
      %ne3A_115 = arith.constant 0 : i32
      %ne3A_116 = arith.cmpi ne, %rem3A_114, %ne3A_115 : i32
      %lt3A_117 = arith.constant 0 : i32
      %lt3A_118 = arith.cmpi slt, %rem3A_114, %lt3A_117 : i32
      %lt3A_119 = arith.constant 0 : i32
      %lt3A_120 = arith.cmpi slt, %select_n3A_113, %lt3A_119 : i32
      %ne3A_121 = arith.xori %lt3A_118, %lt3A_120 : i1
      %and3A_122 = arith.andi %ne3A_121, %ne3A_116 : i1
      %add3A_123 = arith.addi %rem3A_114, %select_n3A_113 : i32
      %select_n3A_124 = arith.select %and3A_122, %add3A_123, %rem3A_114 : i32
      %add3A_125 = arith.constant 1 : i32
      %add3A_126 = arith.addi %select_n3A_108, %add3A_125 : i32
      %jit3A_127 = arith.constant 2 : i32
      %eq3A_128 = arith.constant 0 : i32
      %eq3A_129 = arith.cmpi eq, %jit3A_127, %eq3A_128 : i32
      %jit3A_130 = arith.constant 1 : i32
      %select_n3A_131 = arith.select %eq3A_129, %jit3A_130, %jit3A_127 : i32
      %rem3A_132 = arith.remsi %add3A_126, %select_n3A_131 : i32
      %ne3A_133 = arith.constant 0 : i32
      %ne3A_134 = arith.cmpi ne, %rem3A_132, %ne3A_133 : i32
      %lt3A_135 = arith.constant 0 : i32
      %lt3A_136 = arith.cmpi slt, %rem3A_132, %lt3A_135 : i32
      %lt3A_137 = arith.constant 0 : i32
      %lt3A_138 = arith.cmpi slt, %select_n3A_131, %lt3A_137 : i32
      %ne3A_139 = arith.xori %lt3A_136, %lt3A_138 : i1
      %and3A_140 = arith.andi %ne3A_139, %ne3A_134 : i1
      %add3A_141 = arith.addi %rem3A_132, %select_n3A_131 : i32
      %select_n3A_142 = arith.select %and3A_140, %add3A_141, %rem3A_132 : i32
      %jit3A_143 = arith.constant 8 : i32
      %eq3A_144 = arith.constant 0 : i32
      %eq3A_145 = arith.cmpi eq, %jit3A_143, %eq3A_144 : i32
      %jit3A_146 = arith.constant 1 : i32
      %select_n3A_147 = arith.select %eq3A_145, %jit3A_146, %jit3A_143 : i32
      %rem3A_148 = arith.remsi %while3A_86, %select_n3A_147 : i32
      %ne3A_149 = arith.constant 0 : i32
      %ne3A_150 = arith.cmpi ne, %rem3A_148, %ne3A_149 : i32
      %lt3A_151 = arith.constant 0 : i32
      %lt3A_152 = arith.cmpi slt, %rem3A_148, %lt3A_151 : i32
      %lt3A_153 = arith.constant 0 : i32
      %lt3A_154 = arith.cmpi slt, %select_n3A_147, %lt3A_153 : i32
      %ne3A_155 = arith.xori %lt3A_152, %lt3A_154 : i1
      %and3A_156 = arith.andi %ne3A_155, %ne3A_150 : i1
      %add3A_157 = arith.addi %rem3A_148, %select_n3A_147 : i32
      %select_n3A_158 = arith.select %and3A_156, %add3A_157, %rem3A_148 : i32
      %jit3A_159 = arith.constant 2 : i32
      %eq3A_160 = arith.constant 0 : i32
      %eq3A_161 = arith.cmpi eq, %jit3A_159, %eq3A_160 : i32
      %jit3A_162 = arith.constant 1 : i32
      %select_n3A_163 = arith.select %eq3A_161, %jit3A_162, %jit3A_159 : i32
      %rem3A_164 = arith.remsi %while3A_86, %select_n3A_163 : i32
      %ne3A_165 = arith.constant 0 : i32
      %ne3A_166 = arith.cmpi ne, %rem3A_164, %ne3A_165 : i32
      %lt3A_167 = arith.constant 0 : i32
      %lt3A_168 = arith.cmpi slt, %rem3A_164, %lt3A_167 : i32
      %lt3A_169 = arith.constant 0 : i32
      %lt3A_170 = arith.cmpi slt, %select_n3A_163, %lt3A_169 : i32
      %ne3A_171 = arith.xori %lt3A_168, %lt3A_170 : i1
      %and3A_172 = arith.andi %ne3A_171, %ne3A_166 : i1
      %add3A_173 = arith.addi %rem3A_164, %select_n3A_163 : i32
      %select_n3A_174 = arith.select %and3A_172, %add3A_173, %rem3A_164 : i32
      %eq3A_175 = arith.constant 0 : i32
      %eq3A_176 = arith.cmpi eq, %select_n3A_174, %eq3A_175 : i32
      %convert_element_type3A_177 = arith.extui %eq3A_176 : i1 to i32
      %cond3A_178 = arith.constant 0 : i32
      %cond3A_179 = arith.cmpi ne, %convert_element_type3A_177, %cond3A_178 : i32
      scf.if %cond3A_179 {
        %dma_wait3A = arith.constant 0 : i32
        %dma_wait3A_201 = arith.constant 0 : i32
        %dma_wait3A_202 = arith.constant 0 : i32
        %dma_wait3A_203 = tpu.memref_slice %arg9[%dma_wait3A, %dma_wait3A_201, %dma_wait3A_202] : memref<2x128x128xf32, #tpu.memory_space<vmem>> -> memref<1x128x128xf32, #tpu.memory_space<vmem>>
        %dma_wait3A_204 = tpu.memref_squeeze %dma_wait3A_203 : memref<1x128x128xf32, #tpu.memory_space<vmem>> -> memref<128x128xf32, #tpu.memory_space<vmem>>
        %dma_wait3A_205 = arith.constant 0 : i32
        %dma_wait3A_206 = tpu.memref_slice %arg7[%select_n3A_124, %select_n3A_158, %dma_wait3A_205] : memref<2x8x128xi32, #tpu.memory_space<vmem>> -> memref<1x1x128xi32, #tpu.memory_space<vmem>>
        %dma_wait3A_207 = tpu.memref_squeeze %dma_wait3A_206 : memref<1x1x128xi32, #tpu.memory_space<vmem>> -> memref<128xi32, #tpu.memory_space<vmem>>
        %dma_wait3A_208 = arith.constant 0 : i32
        %dma_wait3A_209 = arith.constant 0 : i32
        %dma_wait3A_210 = tpu.memref_slice %arg2[%dma_wait3A_208, %dma_wait3A_209] : memref<10000x128xf32, #tpu.memory_space<hbm>> -> memref<10000x128xf32, #tpu.memory_space<hbm>>
        tpu.wait_indirect_dma semaphore(%arg11 : memref<!tpu.dma_semaphore, #tpu.memory_space<semaphore_mem>>) src(%dma_wait3A_210 : memref<10000x128xf32, #tpu.memory_space<hbm>>) dst(%dma_wait3A_204 : memref<128x128xf32, #tpu.memory_space<vmem>>)
        %dma_start3A_211 = arith.constant 0 : i32
        %dma_start3A_212 = arith.constant 0 : i32
        %dma_start3A_213 = arith.constant 0 : i32
        %dma_start3A_214 = tpu.memref_slice %arg9[%dma_start3A_211, %dma_start3A_212, %dma_start3A_213] : memref<2x128x128xf32, #tpu.memory_space<vmem>> -> memref<1x128x128xf32, #tpu.memory_space<vmem>>
        %dma_start3A_215 = tpu.memref_squeeze %dma_start3A_214 : memref<1x128x128xf32, #tpu.memory_space<vmem>> -> memref<128x128xf32, #tpu.memory_space<vmem>>
        %dma_start3A_216 = arith.constant 0 : i32
        %dma_start3A_217 = tpu.memref_slice %arg8[%select_n3A_124, %select_n3A_158, %dma_start3A_216] : memref<2x8x128xi32, #tpu.memory_space<vmem>> -> memref<1x1x128xi32, #tpu.memory_space<vmem>>
        %dma_start3A_218 = tpu.memref_squeeze %dma_start3A_217 : memref<1x1x128xi32, #tpu.memory_space<vmem>> -> memref<128xi32, #tpu.memory_space<vmem>>
        %dma_start3A_219 = arith.constant 0 : i32
        %dma_start3A_220 = arith.constant 0 : i32
        %dma_start3A_221 = tpu.memref_slice %arg10[%dma_start3A_219, %dma_start3A_220] : memref<10112x128xf32, #tpu.memory_space<vmem_shared>> -> memref<10112x128xf32, #tpu.memory_space<vmem_shared>>
        tpu.enqueue_indirect_dma source(%dma_start3A_215 : memref<128x128xf32, #tpu.memory_space<vmem>>) target(%dma_start3A_221 : memref<10112x128xf32, #tpu.memory_space<vmem_shared>>) offsets(%dma_start3A_218 : memref<128xi32, #tpu.memory_space<vmem>>) semaphore(%arg13 : memref<!tpu.dma_semaphore, #tpu.memory_space<semaphore_mem>>) {add = true}
        %gt3A_222 = arith.constant 0 : i32
        %gt3A_223 = arith.cmpi sgt, %while3A_86, %gt3A_222 : i32
        %convert_element_type3A_224 = arith.extui %gt3A_223 : i1 to i32
        %cond3A_225 = arith.constant 0 : i32
        %cond3A_226 = arith.cmpi ne, %convert_element_type3A_224, %cond3A_225 : i32
        scf.if %cond3A_226 {
          %dma_wait3A_254 = arith.constant 1 : i32
          %dma_wait3A_255 = arith.constant 0 : i32
          %dma_wait3A_256 = arith.constant 0 : i32
          %dma_wait3A_257 = tpu.memref_slice %arg9[%dma_wait3A_254, %dma_wait3A_255, %dma_wait3A_256] : memref<2x128x128xf32, #tpu.memory_space<vmem>> -> memref<1x128x128xf32, #tpu.memory_space<vmem>>
          %dma_wait3A_258 = tpu.memref_squeeze %dma_wait3A_257 : memref<1x128x128xf32, #tpu.memory_space<vmem>> -> memref<128x128xf32, #tpu.memory_space<vmem>>
          %dma_wait3A_259 = arith.constant 0 : i32
          %dma_wait3A_260 = tpu.memref_slice %arg8[%select_n3A_124, %select_n3A_158, %dma_wait3A_259] : memref<2x8x128xi32, #tpu.memory_space<vmem>> -> memref<1x1x128xi32, #tpu.memory_space<vmem>>
          %dma_wait3A_261 = tpu.memref_squeeze %dma_wait3A_260 : memref<1x1x128xi32, #tpu.memory_space<vmem>> -> memref<128xi32, #tpu.memory_space<vmem>>
          %dma_wait3A_262 = arith.constant 0 : i32
          %dma_wait3A_263 = arith.constant 0 : i32
          %dma_wait3A_264 = tpu.memref_slice %arg10[%dma_wait3A_262, %dma_wait3A_263] : memref<10112x128xf32, #tpu.memory_space<vmem_shared>> -> memref<10112x128xf32, #tpu.memory_space<vmem_shared>>
          tpu.wait_indirect_dma semaphore(%arg14 : memref<!tpu.dma_semaphore, #tpu.memory_space<semaphore_mem>>) src(%dma_wait3A_258 : memref<128x128xf32, #tpu.memory_space<vmem>>) dst(%dma_wait3A_264 : memref<10112x128xf32, #tpu.memory_space<vmem_shared>>)
        } else {
        }
        %eq3A_227 = arith.constant 0 : i32
        %eq3A_228 = arith.cmpi eq, %select_n3A_158, %eq3A_227 : i32
        %gt3A_229 = arith.constant 0 : i32
        %gt3A_230 = arith.cmpi sgt, %while3A_86, %gt3A_229 : i32
        %and3A_231 = arith.andi %eq3A_228, %gt3A_230 : i1
        %add3A_232 = arith.constant 1 : i32
        %add3A_233 = arith.addi %select_n3A_108, %add3A_232 : i32
        %lt3A_234 = arith.cmpi slt, %add3A_233, %select_n3A_13 : i32
        %and3A_235 = arith.andi %and3A_231, %lt3A_234 : i1
        %convert_element_type3A_236 = arith.extui %and3A_235 : i1 to i32
        %cond3A_237 = arith.constant 0 : i32
        %cond3A_238 = arith.cmpi ne, %convert_element_type3A_236, %cond3A_237 : i32
        scf.if %cond3A_238 {
          %add3A_254 = arith.constant 1 : i32
          %add3A_255 = arith.addi %select_n3A_108, %add3A_254 : i32
          %mul3A_256 = arith.constant 8 : i32
          %mul3A_257 = arith.muli %add3A_255, %mul3A_256 : i32
          %add3A_258 = arith.addi %multiple_of3A, %mul3A_257 : i32
          %multiple_of3A_259 = tpu.assume_multiple %add3A_258, 8 : i32
          %dma_start3A_260 = arith.constant 0 : i32
          %dma_start3A_261 = arith.constant 0 : i32
          %dma_start3A_262 = tpu.memref_slice %arg7[%select_n3A_142, %dma_start3A_260, %dma_start3A_261] : memref<2x8x128xi32, #tpu.memory_space<vmem>> -> memref<1x8x128xi32, #tpu.memory_space<vmem>>
          %dma_start3A_263 = tpu.memref_squeeze %dma_start3A_262 : memref<1x8x128xi32, #tpu.memory_space<vmem>> -> memref<8x128xi32, #tpu.memory_space<vmem>>
          %dma_start3A_264 = arith.constant 0 : i32
          %dma_start3A_265 = tpu.memref_slice %arg3[%multiple_of3A_259, %dma_start3A_264] : memref<2560x128xi32, #tpu.memory_space<hbm>> -> memref<8x128xi32, #tpu.memory_space<hbm>>
          %dma_start3A_266 = arith.constant 0 : i32
          %dma_start3A_267 = arith.constant 0 : i32
          %dma_start3A_268 = tpu.memref_slice %arg7[%select_n3A_142, %dma_start3A_266, %dma_start3A_267] : memref<2x8x128xi32, #tpu.memory_space<vmem>> -> memref<1x8x128xi32, #tpu.memory_space<vmem>>
          %dma_start3A_269 = tpu.memref_squeeze %dma_start3A_268 : memref<1x8x128xi32, #tpu.memory_space<vmem>> -> memref<8x128xi32, #tpu.memory_space<vmem>>
          %dma_start3A_270 = arith.constant 0 : i32
          %dma_start3A_271 = tpu.memref_slice %arg3[%multiple_of3A_259, %dma_start3A_270] : memref<2560x128xi32, #tpu.memory_space<hbm>> -> memref<8x128xi32, #tpu.memory_space<hbm>>
          tpu.enqueue_dma source(%dma_start3A_271 : memref<8x128xi32, #tpu.memory_space<hbm>>) target(%dma_start3A_269 : memref<8x128xi32, #tpu.memory_space<vmem>>) target_semaphore(%arg15 : memref<!tpu.dma_semaphore, #tpu.memory_space<semaphore_mem>>)
          %dma_start3A_272 = arith.constant 0 : i32
          %dma_start3A_273 = arith.constant 0 : i32
          %dma_start3A_274 = tpu.memref_slice %arg8[%select_n3A_142, %dma_start3A_272, %dma_start3A_273] : memref<2x8x128xi32, #tpu.memory_space<vmem>> -> memref<1x8x128xi32, #tpu.memory_space<vmem>>
          %dma_start3A_275 = tpu.memref_squeeze %dma_start3A_274 : memref<1x8x128xi32, #tpu.memory_space<vmem>> -> memref<8x128xi32, #tpu.memory_space<vmem>>
          %dma_start3A_276 = arith.constant 0 : i32
          %dma_start3A_277 = tpu.memref_slice %arg4[%multiple_of3A_259, %dma_start3A_276] : memref<2560x128xi32, #tpu.memory_space<hbm>> -> memref<8x128xi32, #tpu.memory_space<hbm>>
          %dma_start3A_278 = arith.constant 0 : i32
          %dma_start3A_279 = arith.constant 0 : i32
          %dma_start3A_280 = tpu.memref_slice %arg8[%select_n3A_142, %dma_start3A_278, %dma_start3A_279] : memref<2x8x128xi32, #tpu.memory_space<vmem>> -> memref<1x8x128xi32, #tpu.memory_space<vmem>>
          %dma_start3A_281 = tpu.memref_squeeze %dma_start3A_280 : memref<1x8x128xi32, #tpu.memory_space<vmem>> -> memref<8x128xi32, #tpu.memory_space<vmem>>
          %dma_start3A_282 = arith.constant 0 : i32
          %dma_start3A_283 = tpu.memref_slice %arg4[%multiple_of3A_259, %dma_start3A_282] : memref<2560x128xi32, #tpu.memory_space<hbm>> -> memref<8x128xi32, #tpu.memory_space<hbm>>
          tpu.enqueue_dma source(%dma_start3A_283 : memref<8x128xi32, #tpu.memory_space<hbm>>) target(%dma_start3A_281 : memref<8x128xi32, #tpu.memory_space<vmem>>) target_semaphore(%arg15 : memref<!tpu.dma_semaphore, #tpu.memory_space<semaphore_mem>>)
        } else {
        }
        %eq3A_239 = arith.constant 7 : i32
        %eq3A_240 = arith.cmpi eq, %select_n3A_158, %eq3A_239 : i32
        %add3A_241 = arith.constant 1 : i32
        %add3A_242 = arith.addi %select_n3A_108, %add3A_241 : i32
        %lt3A_243 = arith.cmpi slt, %add3A_242, %select_n3A_13 : i32
        %and3A_244 = arith.andi %eq3A_240, %lt3A_243 : i1
        %convert_element_type3A_245 = arith.extui %and3A_244 : i1 to i32
        %cond3A_246 = arith.constant 0 : i32
        %cond3A_247 = arith.cmpi ne, %convert_element_type3A_245, %cond3A_246 : i32
        scf.if %cond3A_247 {
          %dma_wait3A_254 = arith.constant 0 : i32
          %dma_wait3A_255 = arith.constant 0 : i32
          %dma_wait3A_256 = tpu.memref_slice %arg7[%select_n3A_142, %dma_wait3A_254, %dma_wait3A_255] : memref<2x8x128xi32, #tpu.memory_space<vmem>> -> memref<1x8x128xi32, #tpu.memory_space<vmem>>
          %dma_wait3A_257 = tpu.memref_squeeze %dma_wait3A_256 : memref<1x8x128xi32, #tpu.memory_space<vmem>> -> memref<8x128xi32, #tpu.memory_space<vmem>>
          %dma_wait3A_258 = arith.constant 0 : i32
          %dma_wait3A_259 = arith.constant 0 : i32
          %dma_wait3A_260 = tpu.memref_slice %arg3[%dma_wait3A_258, %dma_wait3A_259] : memref<2560x128xi32, #tpu.memory_space<hbm>> -> memref<8x128xi32, #tpu.memory_space<hbm>>
          %dma_wait3A_261 = arith.constant 0 : i32
          %dma_wait3A_262 = arith.constant 0 : i32
          %dma_wait3A_263 = tpu.memref_slice %arg7[%select_n3A_142, %dma_wait3A_261, %dma_wait3A_262] : memref<2x8x128xi32, #tpu.memory_space<vmem>> -> memref<1x8x128xi32, #tpu.memory_space<vmem>>
          %dma_wait3A_264 = tpu.memref_squeeze %dma_wait3A_263 : memref<1x8x128xi32, #tpu.memory_space<vmem>> -> memref<8x128xi32, #tpu.memory_space<vmem>>
          %dma_wait3A_265 = arith.constant 0 : i32
          %dma_wait3A_266 = arith.constant 0 : i32
          %dma_wait3A_267 = tpu.memref_slice %arg3[%dma_wait3A_265, %dma_wait3A_266] : memref<2560x128xi32, #tpu.memory_space<hbm>> -> memref<8x128xi32, #tpu.memory_space<hbm>>
          tpu.wait_dma2 semaphore(%arg15 : memref<!tpu.dma_semaphore, #tpu.memory_space<semaphore_mem>>) src(%dma_wait3A_267 : memref<8x128xi32, #tpu.memory_space<hbm>>) dst(%dma_wait3A_264 : memref<8x128xi32, #tpu.memory_space<vmem>>)
          %dma_wait3A_268 = arith.constant 0 : i32
          %dma_wait3A_269 = arith.constant 0 : i32
          %dma_wait3A_270 = tpu.memref_slice %arg8[%select_n3A_142, %dma_wait3A_268, %dma_wait3A_269] : memref<2x8x128xi32, #tpu.memory_space<vmem>> -> memref<1x8x128xi32, #tpu.memory_space<vmem>>
          %dma_wait3A_271 = tpu.memref_squeeze %dma_wait3A_270 : memref<1x8x128xi32, #tpu.memory_space<vmem>> -> memref<8x128xi32, #tpu.memory_space<vmem>>
          %dma_wait3A_272 = arith.constant 0 : i32
          %dma_wait3A_273 = arith.constant 0 : i32
          %dma_wait3A_274 = tpu.memref_slice %arg4[%dma_wait3A_272, %dma_wait3A_273] : memref<2560x128xi32, #tpu.memory_space<hbm>> -> memref<8x128xi32, #tpu.memory_space<hbm>>
          %dma_wait3A_275 = arith.constant 0 : i32
          %dma_wait3A_276 = arith.constant 0 : i32
          %dma_wait3A_277 = tpu.memref_slice %arg8[%select_n3A_142, %dma_wait3A_275, %dma_wait3A_276] : memref<2x8x128xi32, #tpu.memory_space<vmem>> -> memref<1x8x128xi32, #tpu.memory_space<vmem>>
          %dma_wait3A_278 = tpu.memref_squeeze %dma_wait3A_277 : memref<1x8x128xi32, #tpu.memory_space<vmem>> -> memref<8x128xi32, #tpu.memory_space<vmem>>
          %dma_wait3A_279 = arith.constant 0 : i32
          %dma_wait3A_280 = arith.constant 0 : i32
          %dma_wait3A_281 = tpu.memref_slice %arg4[%dma_wait3A_279, %dma_wait3A_280] : memref<2560x128xi32, #tpu.memory_space<hbm>> -> memref<8x128xi32, #tpu.memory_space<hbm>>
          tpu.wait_dma2 semaphore(%arg15 : memref<!tpu.dma_semaphore, #tpu.memory_space<semaphore_mem>>) src(%dma_wait3A_281 : memref<8x128xi32, #tpu.memory_space<hbm>>) dst(%dma_wait3A_278 : memref<8x128xi32, #tpu.memory_space<vmem>>)
        } else {
        }
        %add3A_248 = arith.constant 1 : i32
        %add3A_249 = arith.addi %while3A_86, %add3A_248 : i32
        %lt3A_250 = arith.cmpi slt, %add3A_249, %select_n3A_8 : i32
        %convert_element_type3A_251 = arith.extui %lt3A_250 : i1 to i32
        %cond3A_252 = arith.constant 0 : i32
        %cond3A_253 = arith.cmpi ne, %convert_element_type3A_251, %cond3A_252 : i32
        scf.if %cond3A_253 {
          %add3A_254 = arith.constant 1 : i32
          %add3A_255 = arith.addi %while3A_86, %add3A_254 : i32
          %jit3A_256 = arith.constant 8 : i32
          %div3A_257 = arith.divsi %add3A_255, %jit3A_256 : i32
          %sign3A_258 = arith.constant 0 : i32
          %sign3A_259 = arith.cmpi sgt, %add3A_255, %sign3A_258 : i32
          %sign3A_260 = arith.extui %sign3A_259 : i1 to i32
          %sign3A_261 = arith.constant 0 : i32
          %sign3A_262 = arith.cmpi slt, %add3A_255, %sign3A_261 : i32
          %sign3A_263 = arith.extui %sign3A_262 : i1 to i32
          %sign3A_264 = arith.subi %sign3A_260, %sign3A_263 : i32
          %sign3A_265 = arith.constant 0 : i32
          %sign3A_266 = arith.cmpi sgt, %jit3A_256, %sign3A_265 : i32
          %sign3A_267 = arith.extui %sign3A_266 : i1 to i32
          %sign3A_268 = arith.constant 0 : i32
          %sign3A_269 = arith.cmpi slt, %jit3A_256, %sign3A_268 : i32
          %sign3A_270 = arith.extui %sign3A_269 : i1 to i32
          %sign3A_271 = arith.subi %sign3A_267, %sign3A_270 : i32
          %ne3A_272 = arith.cmpi ne, %sign3A_264, %sign3A_271 : i32
          %rem3A_273 = arith.remsi %add3A_255, %jit3A_256 : i32
          %ne3A_274 = arith.constant 0 : i32
          %ne3A_275 = arith.cmpi ne, %rem3A_273, %ne3A_274 : i32
          %and3A_276 = arith.andi %ne3A_272, %ne3A_275 : i1
          %sub3A_277 = arith.constant 1 : i32
          %sub3A_278 = arith.subi %div3A_257, %sub3A_277 : i32
          %select_n3A_279 = arith.select %and3A_276, %sub3A_278, %div3A_257 : i32
          %add3A_280 = arith.constant 1 : i32
          %add3A_281 = arith.addi %while3A_86, %add3A_280 : i32
          %jit3A_282 = arith.constant 8 : i32
          %eq3A_283 = arith.constant 0 : i32
          %eq3A_284 = arith.cmpi eq, %jit3A_282, %eq3A_283 : i32
          %jit3A_285 = arith.constant 1 : i32
          %select_n3A_286 = arith.select %eq3A_284, %jit3A_285, %jit3A_282 : i32
          %rem3A_287 = arith.remsi %add3A_281, %select_n3A_286 : i32
          %ne3A_288 = arith.constant 0 : i32
          %ne3A_289 = arith.cmpi ne, %rem3A_287, %ne3A_288 : i32
          %lt3A_290 = arith.constant 0 : i32
          %lt3A_291 = arith.cmpi slt, %rem3A_287, %lt3A_290 : i32
          %lt3A_292 = arith.constant 0 : i32
          %lt3A_293 = arith.cmpi slt, %select_n3A_286, %lt3A_292 : i32
          %ne3A_294 = arith.xori %lt3A_291, %lt3A_293 : i1
          %and3A_295 = arith.andi %ne3A_294, %ne3A_289 : i1
          %add3A_296 = arith.addi %rem3A_287, %select_n3A_286 : i32
          %select_n3A_297 = arith.select %and3A_295, %add3A_296, %rem3A_287 : i32
          %jit3A_298 = arith.constant 2 : i32
          %eq3A_299 = arith.constant 0 : i32
          %eq3A_300 = arith.cmpi eq, %jit3A_298, %eq3A_299 : i32
          %jit3A_301 = arith.constant 1 : i32
          %select_n3A_302 = arith.select %eq3A_300, %jit3A_301, %jit3A_298 : i32
          %rem3A_303 = arith.remsi %select_n3A_279, %select_n3A_302 : i32
          %ne3A_304 = arith.constant 0 : i32
          %ne3A_305 = arith.cmpi ne, %rem3A_303, %ne3A_304 : i32
          %lt3A_306 = arith.constant 0 : i32
          %lt3A_307 = arith.cmpi slt, %rem3A_303, %lt3A_306 : i32
          %lt3A_308 = arith.constant 0 : i32
          %lt3A_309 = arith.cmpi slt, %select_n3A_302, %lt3A_308 : i32
          %ne3A_310 = arith.xori %lt3A_307, %lt3A_309 : i1
          %and3A_311 = arith.andi %ne3A_310, %ne3A_305 : i1
          %add3A_312 = arith.addi %rem3A_303, %select_n3A_302 : i32
          %select_n3A_313 = arith.select %and3A_311, %add3A_312, %rem3A_303 : i32
          %dma_start3A_314 = arith.constant 1 : i32
          %dma_start3A_315 = arith.constant 0 : i32
          %dma_start3A_316 = arith.constant 0 : i32
          %dma_start3A_317 = tpu.memref_slice %arg9[%dma_start3A_314, %dma_start3A_315, %dma_start3A_316] : memref<2x128x128xf32, #tpu.memory_space<vmem>> -> memref<1x128x128xf32, #tpu.memory_space<vmem>>
          %dma_start3A_318 = tpu.memref_squeeze %dma_start3A_317 : memref<1x128x128xf32, #tpu.memory_space<vmem>> -> memref<128x128xf32, #tpu.memory_space<vmem>>
          %dma_start3A_319 = arith.constant 0 : i32
          %dma_start3A_320 = tpu.memref_slice %arg7[%select_n3A_313, %select_n3A_297, %dma_start3A_319] : memref<2x8x128xi32, #tpu.memory_space<vmem>> -> memref<1x1x128xi32, #tpu.memory_space<vmem>>
          %dma_start3A_321 = tpu.memref_squeeze %dma_start3A_320 : memref<1x1x128xi32, #tpu.memory_space<vmem>> -> memref<128xi32, #tpu.memory_space<vmem>>
          %dma_start3A_322 = arith.constant 0 : i32
          %dma_start3A_323 = arith.constant 0 : i32
          %dma_start3A_324 = tpu.memref_slice %arg2[%dma_start3A_322, %dma_start3A_323] : memref<10000x128xf32, #tpu.memory_space<hbm>> -> memref<10000x128xf32, #tpu.memory_space<hbm>>
          tpu.enqueue_indirect_dma source(%dma_start3A_324 : memref<10000x128xf32, #tpu.memory_space<hbm>>) target(%dma_start3A_318 : memref<128x128xf32, #tpu.memory_space<vmem>>) offsets(%dma_start3A_321 : memref<128xi32, #tpu.memory_space<vmem>>) semaphore(%arg12 : memref<!tpu.dma_semaphore, #tpu.memory_space<semaphore_mem>>)
        } else {
        }
      } else {
      }
      %jit3A_180 = arith.constant 2 : i32
      %eq3A_181 = arith.constant 0 : i32
      %eq3A_182 = arith.cmpi eq, %jit3A_180, %eq3A_181 : i32
      %jit3A_183 = arith.constant 1 : i32
      %select_n3A_184 = arith.select %eq3A_182, %jit3A_183, %jit3A_180 : i32
      %rem3A_185 = arith.remsi %while3A_86, %select_n3A_184 : i32
      %ne3A_186 = arith.constant 0 : i32
      %ne3A_187 = arith.cmpi ne, %rem3A_185, %ne3A_186 : i32
      %lt3A_188 = arith.constant 0 : i32
      %lt3A_189 = arith.cmpi slt, %rem3A_185, %lt3A_188 : i32
      %lt3A_190 = arith.constant 0 : i32
      %lt3A_191 = arith.cmpi slt, %select_n3A_184, %lt3A_190 : i32
      %ne3A_192 = arith.xori %lt3A_189, %lt3A_191 : i1
      %and3A_193 = arith.andi %ne3A_192, %ne3A_187 : i1
      %add3A_194 = arith.addi %rem3A_185, %select_n3A_184 : i32
      %select_n3A_195 = arith.select %and3A_193, %add3A_194, %rem3A_185 : i32
      %eq3A_196 = arith.constant 1 : i32
      %eq3A_197 = arith.cmpi eq, %select_n3A_195, %eq3A_196 : i32
      %convert_element_type3A_198 = arith.extui %eq3A_197 : i1 to i32
      %cond3A_199 = arith.constant 0 : i32
      %cond3A_200 = arith.cmpi ne, %convert_element_type3A_198, %cond3A_199 : i32
      scf.if %cond3A_200 {
        %dma_wait3A = arith.constant 1 : i32
        %dma_wait3A_201 = arith.constant 0 : i32
        %dma_wait3A_202 = arith.constant 0 : i32
        %dma_wait3A_203 = tpu.memref_slice %arg9[%dma_wait3A, %dma_wait3A_201, %dma_wait3A_202] : memref<2x128x128xf32, #tpu.memory_space<vmem>> -> memref<1x128x128xf32, #tpu.memory_space<vmem>>
        %dma_wait3A_204 = tpu.memref_squeeze %dma_wait3A_203 : memref<1x128x128xf32, #tpu.memory_space<vmem>> -> memref<128x128xf32, #tpu.memory_space<vmem>>
        %dma_wait3A_205 = arith.constant 0 : i32
        %dma_wait3A_206 = tpu.memref_slice %arg7[%select_n3A_124, %select_n3A_158, %dma_wait3A_205] : memref<2x8x128xi32, #tpu.memory_space<vmem>> -> memref<1x1x128xi32, #tpu.memory_space<vmem>>
        %dma_wait3A_207 = tpu.memref_squeeze %dma_wait3A_206 : memref<1x1x128xi32, #tpu.memory_space<vmem>> -> memref<128xi32, #tpu.memory_space<vmem>>
        %dma_wait3A_208 = arith.constant 0 : i32
        %dma_wait3A_209 = arith.constant 0 : i32
        %dma_wait3A_210 = tpu.memref_slice %arg2[%dma_wait3A_208, %dma_wait3A_209] : memref<10000x128xf32, #tpu.memory_space<hbm>> -> memref<10000x128xf32, #tpu.memory_space<hbm>>
        tpu.wait_indirect_dma semaphore(%arg12 : memref<!tpu.dma_semaphore, #tpu.memory_space<semaphore_mem>>) src(%dma_wait3A_210 : memref<10000x128xf32, #tpu.memory_space<hbm>>) dst(%dma_wait3A_204 : memref<128x128xf32, #tpu.memory_space<vmem>>)
        %dma_start3A_211 = arith.constant 1 : i32
        %dma_start3A_212 = arith.constant 0 : i32
        %dma_start3A_213 = arith.constant 0 : i32
        %dma_start3A_214 = tpu.memref_slice %arg9[%dma_start3A_211, %dma_start3A_212, %dma_start3A_213] : memref<2x128x128xf32, #tpu.memory_space<vmem>> -> memref<1x128x128xf32, #tpu.memory_space<vmem>>
        %dma_start3A_215 = tpu.memref_squeeze %dma_start3A_214 : memref<1x128x128xf32, #tpu.memory_space<vmem>> -> memref<128x128xf32, #tpu.memory_space<vmem>>
        %dma_start3A_216 = arith.constant 0 : i32
        %dma_start3A_217 = tpu.memref_slice %arg8[%select_n3A_124, %select_n3A_158, %dma_start3A_216] : memref<2x8x128xi32, #tpu.memory_space<vmem>> -> memref<1x1x128xi32, #tpu.memory_space<vmem>>
        %dma_start3A_218 = tpu.memref_squeeze %dma_start3A_217 : memref<1x1x128xi32, #tpu.memory_space<vmem>> -> memref<128xi32, #tpu.memory_space<vmem>>
        %dma_start3A_219 = arith.constant 0 : i32
        %dma_start3A_220 = arith.constant 0 : i32
        %dma_start3A_221 = tpu.memref_slice %arg10[%dma_start3A_219, %dma_start3A_220] : memref<10112x128xf32, #tpu.memory_space<vmem_shared>> -> memref<10112x128xf32, #tpu.memory_space<vmem_shared>>
        tpu.enqueue_indirect_dma source(%dma_start3A_215 : memref<128x128xf32, #tpu.memory_space<vmem>>) target(%dma_start3A_221 : memref<10112x128xf32, #tpu.memory_space<vmem_shared>>) offsets(%dma_start3A_218 : memref<128xi32, #tpu.memory_space<vmem>>) semaphore(%arg14 : memref<!tpu.dma_semaphore, #tpu.memory_space<semaphore_mem>>) {add = true}
        %gt3A_222 = arith.constant 0 : i32
        %gt3A_223 = arith.cmpi sgt, %while3A_86, %gt3A_222 : i32
        %convert_element_type3A_224 = arith.extui %gt3A_223 : i1 to i32
        %cond3A_225 = arith.constant 0 : i32
        %cond3A_226 = arith.cmpi ne, %convert_element_type3A_224, %cond3A_225 : i32
        scf.if %cond3A_226 {
          %dma_wait3A_254 = arith.constant 0 : i32
          %dma_wait3A_255 = arith.constant 0 : i32
          %dma_wait3A_256 = arith.constant 0 : i32
          %dma_wait3A_257 = tpu.memref_slice %arg9[%dma_wait3A_254, %dma_wait3A_255, %dma_wait3A_256] : memref<2x128x128xf32, #tpu.memory_space<vmem>> -> memref<1x128x128xf32, #tpu.memory_space<vmem>>
          %dma_wait3A_258 = tpu.memref_squeeze %dma_wait3A_257 : memref<1x128x128xf32, #tpu.memory_space<vmem>> -> memref<128x128xf32, #tpu.memory_space<vmem>>
          %dma_wait3A_259 = arith.constant 0 : i32
          %dma_wait3A_260 = tpu.memref_slice %arg8[%select_n3A_124, %select_n3A_158, %dma_wait3A_259] : memref<2x8x128xi32, #tpu.memory_space<vmem>> -> memref<1x1x128xi32, #tpu.memory_space<vmem>>
          %dma_wait3A_261 = tpu.memref_squeeze %dma_wait3A_260 : memref<1x1x128xi32, #tpu.memory_space<vmem>> -> memref<128xi32, #tpu.memory_space<vmem>>
          %dma_wait3A_262 = arith.constant 0 : i32
          %dma_wait3A_263 = arith.constant 0 : i32
          %dma_wait3A_264 = tpu.memref_slice %arg10[%dma_wait3A_262, %dma_wait3A_263] : memref<10112x128xf32, #tpu.memory_space<vmem_shared>> -> memref<10112x128xf32, #tpu.memory_space<vmem_shared>>
          tpu.wait_indirect_dma semaphore(%arg13 : memref<!tpu.dma_semaphore, #tpu.memory_space<semaphore_mem>>) src(%dma_wait3A_258 : memref<128x128xf32, #tpu.memory_space<vmem>>) dst(%dma_wait3A_264 : memref<10112x128xf32, #tpu.memory_space<vmem_shared>>)
        } else {
        }
        %eq3A_227 = arith.constant 0 : i32
        %eq3A_228 = arith.cmpi eq, %select_n3A_158, %eq3A_227 : i32
        %gt3A_229 = arith.constant 0 : i32
        %gt3A_230 = arith.cmpi sgt, %while3A_86, %gt3A_229 : i32
        %and3A_231 = arith.andi %eq3A_228, %gt3A_230 : i1
        %add3A_232 = arith.constant 1 : i32
        %add3A_233 = arith.addi %select_n3A_108, %add3A_232 : i32
        %lt3A_234 = arith.cmpi slt, %add3A_233, %select_n3A_13 : i32
        %and3A_235 = arith.andi %and3A_231, %lt3A_234 : i1
        %convert_element_type3A_236 = arith.extui %and3A_235 : i1 to i32
        %cond3A_237 = arith.constant 0 : i32
        %cond3A_238 = arith.cmpi ne, %convert_element_type3A_236, %cond3A_237 : i32
        scf.if %cond3A_238 {
          %add3A_254 = arith.constant 1 : i32
          %add3A_255 = arith.addi %select_n3A_108, %add3A_254 : i32
          %mul3A_256 = arith.constant 8 : i32
          %mul3A_257 = arith.muli %add3A_255, %mul3A_256 : i32
          %add3A_258 = arith.addi %multiple_of3A, %mul3A_257 : i32
          %multiple_of3A_259 = tpu.assume_multiple %add3A_258, 8 : i32
          %dma_start3A_260 = arith.constant 0 : i32
          %dma_start3A_261 = arith.constant 0 : i32
          %dma_start3A_262 = tpu.memref_slice %arg7[%select_n3A_142, %dma_start3A_260, %dma_start3A_261] : memref<2x8x128xi32, #tpu.memory_space<vmem>> -> memref<1x8x128xi32, #tpu.memory_space<vmem>>
          %dma_start3A_263 = tpu.memref_squeeze %dma_start3A_262 : memref<1x8x128xi32, #tpu.memory_space<vmem>> -> memref<8x128xi32, #tpu.memory_space<vmem>>
          %dma_start3A_264 = arith.constant 0 : i32
          %dma_start3A_265 = tpu.memref_slice %arg3[%multiple_of3A_259, %dma_start3A_264] : memref<2560x128xi32, #tpu.memory_space<hbm>> -> memref<8x128xi32, #tpu.memory_space<hbm>>
          %dma_start3A_266 = arith.constant 0 : i32
          %dma_start3A_267 = arith.constant 0 : i32
          %dma_start3A_268 = tpu.memref_slice %arg7[%select_n3A_142, %dma_start3A_266, %dma_start3A_267] : memref<2x8x128xi32, #tpu.memory_space<vmem>> -> memref<1x8x128xi32, #tpu.memory_space<vmem>>
          %dma_start3A_269 = tpu.memref_squeeze %dma_start3A_268 : memref<1x8x128xi32, #tpu.memory_space<vmem>> -> memref<8x128xi32, #tpu.memory_space<vmem>>
          %dma_start3A_270 = arith.constant 0 : i32
          %dma_start3A_271 = tpu.memref_slice %arg3[%multiple_of3A_259, %dma_start3A_270] : memref<2560x128xi32, #tpu.memory_space<hbm>> -> memref<8x128xi32, #tpu.memory_space<hbm>>
          tpu.enqueue_dma source(%dma_start3A_271 : memref<8x128xi32, #tpu.memory_space<hbm>>) target(%dma_start3A_269 : memref<8x128xi32, #tpu.memory_space<vmem>>) target_semaphore(%arg15 : memref<!tpu.dma_semaphore, #tpu.memory_space<semaphore_mem>>)
          %dma_start3A_272 = arith.constant 0 : i32
          %dma_start3A_273 = arith.constant 0 : i32
          %dma_start3A_274 = tpu.memref_slice %arg8[%select_n3A_142, %dma_start3A_272, %dma_start3A_273] : memref<2x8x128xi32, #tpu.memory_space<vmem>> -> memref<1x8x128xi32, #tpu.memory_space<vmem>>
          %dma_start3A_275 = tpu.memref_squeeze %dma_start3A_274 : memref<1x8x128xi32, #tpu.memory_space<vmem>> -> memref<8x128xi32, #tpu.memory_space<vmem>>
          %dma_start3A_276 = arith.constant 0 : i32
          %dma_start3A_277 = tpu.memref_slice %arg4[%multiple_of3A_259, %dma_start3A_276] : memref<2560x128xi32, #tpu.memory_space<hbm>> -> memref<8x128xi32, #tpu.memory_space<hbm>>
          %dma_start3A_278 = arith.constant 0 : i32
          %dma_start3A_279 = arith.constant 0 : i32
          %dma_start3A_280 = tpu.memref_slice %arg8[%select_n3A_142, %dma_start3A_278, %dma_start3A_279] : memref<2x8x128xi32, #tpu.memory_space<vmem>> -> memref<1x8x128xi32, #tpu.memory_space<vmem>>
          %dma_start3A_281 = tpu.memref_squeeze %dma_start3A_280 : memref<1x8x128xi32, #tpu.memory_space<vmem>> -> memref<8x128xi32, #tpu.memory_space<vmem>>
          %dma_start3A_282 = arith.constant 0 : i32
          %dma_start3A_283 = tpu.memref_slice %arg4[%multiple_of3A_259, %dma_start3A_282] : memref<2560x128xi32, #tpu.memory_space<hbm>> -> memref<8x128xi32, #tpu.memory_space<hbm>>
          tpu.enqueue_dma source(%dma_start3A_283 : memref<8x128xi32, #tpu.memory_space<hbm>>) target(%dma_start3A_281 : memref<8x128xi32, #tpu.memory_space<vmem>>) target_semaphore(%arg15 : memref<!tpu.dma_semaphore, #tpu.memory_space<semaphore_mem>>)
        } else {
        }
        %eq3A_239 = arith.constant 7 : i32
        %eq3A_240 = arith.cmpi eq, %select_n3A_158, %eq3A_239 : i32
        %add3A_241 = arith.constant 1 : i32
        %add3A_242 = arith.addi %select_n3A_108, %add3A_241 : i32
        %lt3A_243 = arith.cmpi slt, %add3A_242, %select_n3A_13 : i32
        %and3A_244 = arith.andi %eq3A_240, %lt3A_243 : i1
        %convert_element_type3A_245 = arith.extui %and3A_244 : i1 to i32
        %cond3A_246 = arith.constant 0 : i32
        %cond3A_247 = arith.cmpi ne, %convert_element_type3A_245, %cond3A_246 : i32
        scf.if %cond3A_247 {
          %dma_wait3A_254 = arith.constant 0 : i32
          %dma_wait3A_255 = arith.constant 0 : i32
          %dma_wait3A_256 = tpu.memref_slice %arg7[%select_n3A_142, %dma_wait3A_254, %dma_wait3A_255] : memref<2x8x128xi32, #tpu.memory_space<vmem>> -> memref<1x8x128xi32, #tpu.memory_space<vmem>>
          %dma_wait3A_257 = tpu.memref_squeeze %dma_wait3A_256 : memref<1x8x128xi32, #tpu.memory_space<vmem>> -> memref<8x128xi32, #tpu.memory_space<vmem>>
          %dma_wait3A_258 = arith.constant 0 : i32
          %dma_wait3A_259 = arith.constant 0 : i32
          %dma_wait3A_260 = tpu.memref_slice %arg3[%dma_wait3A_258, %dma_wait3A_259] : memref<2560x128xi32, #tpu.memory_space<hbm>> -> memref<8x128xi32, #tpu.memory_space<hbm>>
          %dma_wait3A_261 = arith.constant 0 : i32
          %dma_wait3A_262 = arith.constant 0 : i32
          %dma_wait3A_263 = tpu.memref_slice %arg7[%select_n3A_142, %dma_wait3A_261, %dma_wait3A_262] : memref<2x8x128xi32, #tpu.memory_space<vmem>> -> memref<1x8x128xi32, #tpu.memory_space<vmem>>
          %dma_wait3A_264 = tpu.memref_squeeze %dma_wait3A_263 : memref<1x8x128xi32, #tpu.memory_space<vmem>> -> memref<8x128xi32, #tpu.memory_space<vmem>>
          %dma_wait3A_265 = arith.constant 0 : i32
          %dma_wait3A_266 = arith.constant 0 : i32
          %dma_wait3A_267 = tpu.memref_slice %arg3[%dma_wait3A_265, %dma_wait3A_266] : memref<2560x128xi32, #tpu.memory_space<hbm>> -> memref<8x128xi32, #tpu.memory_space<hbm>>
          tpu.wait_dma2 semaphore(%arg15 : memref<!tpu.dma_semaphore, #tpu.memory_space<semaphore_mem>>) src(%dma_wait3A_267 : memref<8x128xi32, #tpu.memory_space<hbm>>) dst(%dma_wait3A_264 : memref<8x128xi32, #tpu.memory_space<vmem>>)
          %dma_wait3A_268 = arith.constant 0 : i32
          %dma_wait3A_269 = arith.constant 0 : i32
          %dma_wait3A_270 = tpu.memref_slice %arg8[%select_n3A_142, %dma_wait3A_268, %dma_wait3A_269] : memref<2x8x128xi32, #tpu.memory_space<vmem>> -> memref<1x8x128xi32, #tpu.memory_space<vmem>>
          %dma_wait3A_271 = tpu.memref_squeeze %dma_wait3A_270 : memref<1x8x128xi32, #tpu.memory_space<vmem>> -> memref<8x128xi32, #tpu.memory_space<vmem>>
          %dma_wait3A_272 = arith.constant 0 : i32
          %dma_wait3A_273 = arith.constant 0 : i32
          %dma_wait3A_274 = tpu.memref_slice %arg4[%dma_wait3A_272, %dma_wait3A_273] : memref<2560x128xi32, #tpu.memory_space<hbm>> -> memref<8x128xi32, #tpu.memory_space<hbm>>
          %dma_wait3A_275 = arith.constant 0 : i32
          %dma_wait3A_276 = arith.constant 0 : i32
          %dma_wait3A_277 = tpu.memref_slice %arg8[%select_n3A_142, %dma_wait3A_275, %dma_wait3A_276] : memref<2x8x128xi32, #tpu.memory_space<vmem>> -> memref<1x8x128xi32, #tpu.memory_space<vmem>>
          %dma_wait3A_278 = tpu.memref_squeeze %dma_wait3A_277 : memref<1x8x128xi32, #tpu.memory_space<vmem>> -> memref<8x128xi32, #tpu.memory_space<vmem>>
          %dma_wait3A_279 = arith.constant 0 : i32
          %dma_wait3A_280 = arith.constant 0 : i32
          %dma_wait3A_281 = tpu.memref_slice %arg4[%dma_wait3A_279, %dma_wait3A_280] : memref<2560x128xi32, #tpu.memory_space<hbm>> -> memref<8x128xi32, #tpu.memory_space<hbm>>
          tpu.wait_dma2 semaphore(%arg15 : memref<!tpu.dma_semaphore, #tpu.memory_space<semaphore_mem>>) src(%dma_wait3A_281 : memref<8x128xi32, #tpu.memory_space<hbm>>) dst(%dma_wait3A_278 : memref<8x128xi32, #tpu.memory_space<vmem>>)
        } else {
        }
        %add3A_248 = arith.constant 1 : i32
        %add3A_249 = arith.addi %while3A_86, %add3A_248 : i32
        %lt3A_250 = arith.cmpi slt, %add3A_249, %select_n3A_8 : i32
        %convert_element_type3A_251 = arith.extui %lt3A_250 : i1 to i32
        %cond3A_252 = arith.constant 0 : i32
        %cond3A_253 = arith.cmpi ne, %convert_element_type3A_251, %cond3A_252 : i32
        scf.if %cond3A_253 {
          %add3A_254 = arith.constant 1 : i32
          %add3A_255 = arith.addi %while3A_86, %add3A_254 : i32
          %jit3A_256 = arith.constant 8 : i32
          %div3A_257 = arith.divsi %add3A_255, %jit3A_256 : i32
          %sign3A_258 = arith.constant 0 : i32
          %sign3A_259 = arith.cmpi sgt, %add3A_255, %sign3A_258 : i32
          %sign3A_260 = arith.extui %sign3A_259 : i1 to i32
          %sign3A_261 = arith.constant 0 : i32
          %sign3A_262 = arith.cmpi slt, %add3A_255, %sign3A_261 : i32
          %sign3A_263 = arith.extui %sign3A_262 : i1 to i32
          %sign3A_264 = arith.subi %sign3A_260, %sign3A_263 : i32
          %sign3A_265 = arith.constant 0 : i32
          %sign3A_266 = arith.cmpi sgt, %jit3A_256, %sign3A_265 : i32
          %sign3A_267 = arith.extui %sign3A_266 : i1 to i32
          %sign3A_268 = arith.constant 0 : i32
          %sign3A_269 = arith.cmpi slt, %jit3A_256, %sign3A_268 : i32
          %sign3A_270 = arith.extui %sign3A_269 : i1 to i32
          %sign3A_271 = arith.subi %sign3A_267, %sign3A_270 : i32
          %ne3A_272 = arith.cmpi ne, %sign3A_264, %sign3A_271 : i32
          %rem3A_273 = arith.remsi %add3A_255, %jit3A_256 : i32
          %ne3A_274 = arith.constant 0 : i32
          %ne3A_275 = arith.cmpi ne, %rem3A_273, %ne3A_274 : i32
          %and3A_276 = arith.andi %ne3A_272, %ne3A_275 : i1
          %sub3A_277 = arith.constant 1 : i32
          %sub3A_278 = arith.subi %div3A_257, %sub3A_277 : i32
          %select_n3A_279 = arith.select %and3A_276, %sub3A_278, %div3A_257 : i32
          %add3A_280 = arith.constant 1 : i32
          %add3A_281 = arith.addi %while3A_86, %add3A_280 : i32
          %jit3A_282 = arith.constant 8 : i32
          %eq3A_283 = arith.constant 0 : i32
          %eq3A_284 = arith.cmpi eq, %jit3A_282, %eq3A_283 : i32
          %jit3A_285 = arith.constant 1 : i32
          %select_n3A_286 = arith.select %eq3A_284, %jit3A_285, %jit3A_282 : i32
          %rem3A_287 = arith.remsi %add3A_281, %select_n3A_286 : i32
          %ne3A_288 = arith.constant 0 : i32
          %ne3A_289 = arith.cmpi ne, %rem3A_287, %ne3A_288 : i32
          %lt3A_290 = arith.constant 0 : i32
          %lt3A_291 = arith.cmpi slt, %rem3A_287, %lt3A_290 : i32
          %lt3A_292 = arith.constant 0 : i32
          %lt3A_293 = arith.cmpi slt, %select_n3A_286, %lt3A_292 : i32
          %ne3A_294 = arith.xori %lt3A_291, %lt3A_293 : i1
          %and3A_295 = arith.andi %ne3A_294, %ne3A_289 : i1
          %add3A_296 = arith.addi %rem3A_287, %select_n3A_286 : i32
          %select_n3A_297 = arith.select %and3A_295, %add3A_296, %rem3A_287 : i32
          %jit3A_298 = arith.constant 2 : i32
          %eq3A_299 = arith.constant 0 : i32
          %eq3A_300 = arith.cmpi eq, %jit3A_298, %eq3A_299 : i32
          %jit3A_301 = arith.constant 1 : i32
          %select_n3A_302 = arith.select %eq3A_300, %jit3A_301, %jit3A_298 : i32
          %rem3A_303 = arith.remsi %select_n3A_279, %select_n3A_302 : i32
          %ne3A_304 = arith.constant 0 : i32
          %ne3A_305 = arith.cmpi ne, %rem3A_303, %ne3A_304 : i32
          %lt3A_306 = arith.constant 0 : i32
          %lt3A_307 = arith.cmpi slt, %rem3A_303, %lt3A_306 : i32
          %lt3A_308 = arith.constant 0 : i32
          %lt3A_309 = arith.cmpi slt, %select_n3A_302, %lt3A_308 : i32
          %ne3A_310 = arith.xori %lt3A_307, %lt3A_309 : i1
          %and3A_311 = arith.andi %ne3A_310, %ne3A_305 : i1
          %add3A_312 = arith.addi %rem3A_303, %select_n3A_302 : i32
          %select_n3A_313 = arith.select %and3A_311, %add3A_312, %rem3A_303 : i32
          %dma_start3A_314 = arith.constant 0 : i32
          %dma_start3A_315 = arith.constant 0 : i32
          %dma_start3A_316 = arith.constant 0 : i32
          %dma_start3A_317 = tpu.memref_slice %arg9[%dma_start3A_314, %dma_start3A_315, %dma_start3A_316] : memref<2x128x128xf32, #tpu.memory_space<vmem>> -> memref<1x128x128xf32, #tpu.memory_space<vmem>>
          %dma_start3A_318 = tpu.memref_squeeze %dma_start3A_317 : memref<1x128x128xf32, #tpu.memory_space<vmem>> -> memref<128x128xf32, #tpu.memory_space<vmem>>
          %dma_start3A_319 = arith.constant 0 : i32
          %dma_start3A_320 = tpu.memref_slice %arg7[%select_n3A_313, %select_n3A_297, %dma_start3A_319] : memref<2x8x128xi32, #tpu.memory_space<vmem>> -> memref<1x1x128xi32, #tpu.memory_space<vmem>>
          %dma_start3A_321 = tpu.memref_squeeze %dma_start3A_320 : memref<1x1x128xi32, #tpu.memory_space<vmem>> -> memref<128xi32, #tpu.memory_space<vmem>>
          %dma_start3A_322 = arith.constant 0 : i32
          %dma_start3A_323 = arith.constant 0 : i32
          %dma_start3A_324 = tpu.memref_slice %arg2[%dma_start3A_322, %dma_start3A_323] : memref<10000x128xf32, #tpu.memory_space<hbm>> -> memref<10000x128xf32, #tpu.memory_space<hbm>>
          tpu.enqueue_indirect_dma source(%dma_start3A_324 : memref<10000x128xf32, #tpu.memory_space<hbm>>) target(%dma_start3A_318 : memref<128x128xf32, #tpu.memory_space<vmem>>) offsets(%dma_start3A_321 : memref<128xi32, #tpu.memory_space<vmem>>) semaphore(%arg11 : memref<!tpu.dma_semaphore, #tpu.memory_space<semaphore_mem>>)
        } else {
        }
      } else {
      }
    }
    %while3A_39 = arith.constant 1 : i32
    scf.for %while3A_86 = %while3A_37 to %while3A_33 step %while3A_39  : i32 {
      %jit3A_87 = arith.constant 8 : i32
      %div3A = arith.divsi %while3A_86, %jit3A_87 : i32
      %sign3A = arith.constant 0 : i32
      %sign3A_88 = arith.cmpi sgt, %while3A_86, %sign3A : i32
      %sign3A_89 = arith.extui %sign3A_88 : i1 to i32
      %sign3A_90 = arith.constant 0 : i32
      %sign3A_91 = arith.cmpi slt, %while3A_86, %sign3A_90 : i32
      %sign3A_92 = arith.extui %sign3A_91 : i1 to i32
      %sign3A_93 = arith.subi %sign3A_89, %sign3A_92 : i32
      %sign3A_94 = arith.constant 0 : i32
      %sign3A_95 = arith.cmpi sgt, %jit3A_87, %sign3A_94 : i32
      %sign3A_96 = arith.extui %sign3A_95 : i1 to i32
      %sign3A_97 = arith.constant 0 : i32
      %sign3A_98 = arith.cmpi slt, %jit3A_87, %sign3A_97 : i32
      %sign3A_99 = arith.extui %sign3A_98 : i1 to i32
      %sign3A_100 = arith.subi %sign3A_96, %sign3A_99 : i32
      %ne3A_101 = arith.cmpi ne, %sign3A_93, %sign3A_100 : i32
      %rem3A_102 = arith.remsi %while3A_86, %jit3A_87 : i32
      %ne3A_103 = arith.constant 0 : i32
      %ne3A_104 = arith.cmpi ne, %rem3A_102, %ne3A_103 : i32
      %and3A_105 = arith.andi %ne3A_101, %ne3A_104 : i1
      %sub3A_106 = arith.constant 1 : i32
      %sub3A_107 = arith.subi %div3A, %sub3A_106 : i32
      %select_n3A_108 = arith.select %and3A_105, %sub3A_107, %div3A : i32
      %jit3A_109 = arith.constant 2 : i32
      %eq3A_110 = arith.constant 0 : i32
      %eq3A_111 = arith.cmpi eq, %jit3A_109, %eq3A_110 : i32
      %jit3A_112 = arith.constant 1 : i32
      %select_n3A_113 = arith.select %eq3A_111, %jit3A_112, %jit3A_109 : i32
      %rem3A_114 = arith.remsi %select_n3A_108, %select_n3A_113 : i32
      %ne3A_115 = arith.constant 0 : i32
      %ne3A_116 = arith.cmpi ne, %rem3A_114, %ne3A_115 : i32
      %lt3A_117 = arith.constant 0 : i32
      %lt3A_118 = arith.cmpi slt, %rem3A_114, %lt3A_117 : i32
      %lt3A_119 = arith.constant 0 : i32
      %lt3A_120 = arith.cmpi slt, %select_n3A_113, %lt3A_119 : i32
      %ne3A_121 = arith.xori %lt3A_118, %lt3A_120 : i1
      %and3A_122 = arith.andi %ne3A_121, %ne3A_116 : i1
      %add3A_123 = arith.addi %rem3A_114, %select_n3A_113 : i32
      %select_n3A_124 = arith.select %and3A_122, %add3A_123, %rem3A_114 : i32
      %add3A_125 = arith.constant 1 : i32
      %add3A_126 = arith.addi %select_n3A_108, %add3A_125 : i32
      %jit3A_127 = arith.constant 2 : i32
      %eq3A_128 = arith.constant 0 : i32
      %eq3A_129 = arith.cmpi eq, %jit3A_127, %eq3A_128 : i32
      %jit3A_130 = arith.constant 1 : i32
      %select_n3A_131 = arith.select %eq3A_129, %jit3A_130, %jit3A_127 : i32
      %rem3A_132 = arith.remsi %add3A_126, %select_n3A_131 : i32
      %ne3A_133 = arith.constant 0 : i32
      %ne3A_134 = arith.cmpi ne, %rem3A_132, %ne3A_133 : i32
      %lt3A_135 = arith.constant 0 : i32
      %lt3A_136 = arith.cmpi slt, %rem3A_132, %lt3A_135 : i32
      %lt3A_137 = arith.constant 0 : i32
      %lt3A_138 = arith.cmpi slt, %select_n3A_131, %lt3A_137 : i32
      %ne3A_139 = arith.xori %lt3A_136, %lt3A_138 : i1
      %and3A_140 = arith.andi %ne3A_139, %ne3A_134 : i1
      %add3A_141 = arith.addi %rem3A_132, %select_n3A_131 : i32
      %select_n3A_142 = arith.select %and3A_140, %add3A_141, %rem3A_132 : i32
      %jit3A_143 = arith.constant 8 : i32
      %eq3A_144 = arith.constant 0 : i32
      %eq3A_145 = arith.cmpi eq, %jit3A_143, %eq3A_144 : i32
      %jit3A_146 = arith.constant 1 : i32
      %select_n3A_147 = arith.select %eq3A_145, %jit3A_146, %jit3A_143 : i32
      %rem3A_148 = arith.remsi %while3A_86, %select_n3A_147 : i32
      %ne3A_149 = arith.constant 0 : i32
      %ne3A_150 = arith.cmpi ne, %rem3A_148, %ne3A_149 : i32
      %lt3A_151 = arith.constant 0 : i32
      %lt3A_152 = arith.cmpi slt, %rem3A_148, %lt3A_151 : i32
      %lt3A_153 = arith.constant 0 : i32
      %lt3A_154 = arith.cmpi slt, %select_n3A_147, %lt3A_153 : i32
      %ne3A_155 = arith.xori %lt3A_152, %lt3A_154 : i1
      %and3A_156 = arith.andi %ne3A_155, %ne3A_150 : i1
      %add3A_157 = arith.addi %rem3A_148, %select_n3A_147 : i32
      %select_n3A_158 = arith.select %and3A_156, %add3A_157, %rem3A_148 : i32
      %jit3A_159 = arith.constant 2 : i32
      %eq3A_160 = arith.constant 0 : i32
      %eq3A_161 = arith.cmpi eq, %jit3A_159, %eq3A_160 : i32
      %jit3A_162 = arith.constant 1 : i32
      %select_n3A_163 = arith.select %eq3A_161, %jit3A_162, %jit3A_159 : i32
      %rem3A_164 = arith.remsi %while3A_86, %select_n3A_163 : i32
      %ne3A_165 = arith.constant 0 : i32
      %ne3A_166 = arith.cmpi ne, %rem3A_164, %ne3A_165 : i32
      %lt3A_167 = arith.constant 0 : i32
      %lt3A_168 = arith.cmpi slt, %rem3A_164, %lt3A_167 : i32
      %lt3A_169 = arith.constant 0 : i32
      %lt3A_170 = arith.cmpi slt, %select_n3A_163, %lt3A_169 : i32
      %ne3A_171 = arith.xori %lt3A_168, %lt3A_170 : i1
      %and3A_172 = arith.andi %ne3A_171, %ne3A_166 : i1
      %add3A_173 = arith.addi %rem3A_164, %select_n3A_163 : i32
      %select_n3A_174 = arith.select %and3A_172, %add3A_173, %rem3A_164 : i32
      %eq3A_175 = arith.constant 0 : i32
      %eq3A_176 = arith.cmpi eq, %select_n3A_174, %eq3A_175 : i32
      %convert_element_type3A_177 = arith.extui %eq3A_176 : i1 to i32
      %cond3A_178 = arith.constant 0 : i32
      %cond3A_179 = arith.cmpi ne, %convert_element_type3A_177, %cond3A_178 : i32
      scf.if %cond3A_179 {
        %dma_wait3A = arith.constant 0 : i32
        %dma_wait3A_201 = arith.constant 0 : i32
        %dma_wait3A_202 = arith.constant 0 : i32
        %dma_wait3A_203 = tpu.memref_slice %arg9[%dma_wait3A, %dma_wait3A_201, %dma_wait3A_202] : memref<2x128x128xf32, #tpu.memory_space<vmem>> -> memref<1x128x128xf32, #tpu.memory_space<vmem>>
        %dma_wait3A_204 = tpu.memref_squeeze %dma_wait3A_203 : memref<1x128x128xf32, #tpu.memory_space<vmem>> -> memref<128x128xf32, #tpu.memory_space<vmem>>
        %dma_wait3A_205 = arith.constant 0 : i32
        %dma_wait3A_206 = tpu.memref_slice %arg7[%select_n3A_124, %select_n3A_158, %dma_wait3A_205] : memref<2x8x128xi32, #tpu.memory_space<vmem>> -> memref<1x1x128xi32, #tpu.memory_space<vmem>>
        %dma_wait3A_207 = tpu.memref_squeeze %dma_wait3A_206 : memref<1x1x128xi32, #tpu.memory_space<vmem>> -> memref<128xi32, #tpu.memory_space<vmem>>
        %dma_wait3A_208 = arith.constant 0 : i32
        %dma_wait3A_209 = arith.constant 0 : i32
        %dma_wait3A_210 = tpu.memref_slice %arg2[%dma_wait3A_208, %dma_wait3A_209] : memref<10000x128xf32, #tpu.memory_space<hbm>> -> memref<10000x128xf32, #tpu.memory_space<hbm>>
        tpu.wait_indirect_dma semaphore(%arg11 : memref<!tpu.dma_semaphore, #tpu.memory_space<semaphore_mem>>) src(%dma_wait3A_210 : memref<10000x128xf32, #tpu.memory_space<hbm>>) dst(%dma_wait3A_204 : memref<128x128xf32, #tpu.memory_space<vmem>>)
        %dma_start3A_211 = arith.constant 0 : i32
        %dma_start3A_212 = arith.constant 0 : i32
        %dma_start3A_213 = arith.constant 0 : i32
        %dma_start3A_214 = tpu.memref_slice %arg9[%dma_start3A_211, %dma_start3A_212, %dma_start3A_213] : memref<2x128x128xf32, #tpu.memory_space<vmem>> -> memref<1x128x128xf32, #tpu.memory_space<vmem>>
        %dma_start3A_215 = tpu.memref_squeeze %dma_start3A_214 : memref<1x128x128xf32, #tpu.memory_space<vmem>> -> memref<128x128xf32, #tpu.memory_space<vmem>>
        %dma_start3A_216 = arith.constant 0 : i32
        %dma_start3A_217 = tpu.memref_slice %arg8[%select_n3A_124, %select_n3A_158, %dma_start3A_216] : memref<2x8x128xi32, #tpu.memory_space<vmem>> -> memref<1x1x128xi32, #tpu.memory_space<vmem>>
        %dma_start3A_218 = tpu.memref_squeeze %dma_start3A_217 : memref<1x1x128xi32, #tpu.memory_space<vmem>> -> memref<128xi32, #tpu.memory_space<vmem>>
        %dma_start3A_219 = arith.constant 0 : i32
        %dma_start3A_220 = arith.constant 0 : i32
        %dma_start3A_221 = tpu.memref_slice %arg10[%dma_start3A_219, %dma_start3A_220] : memref<10112x128xf32, #tpu.memory_space<vmem_shared>> -> memref<10112x128xf32, #tpu.memory_space<vmem_shared>>
        tpu.enqueue_indirect_dma source(%dma_start3A_215 : memref<128x128xf32, #tpu.memory_space<vmem>>) target(%dma_start3A_221 : memref<10112x128xf32, #tpu.memory_space<vmem_shared>>) offsets(%dma_start3A_218 : memref<128xi32, #tpu.memory_space<vmem>>) semaphore(%arg13 : memref<!tpu.dma_semaphore, #tpu.memory_space<semaphore_mem>>) {add = true}
        %gt3A_222 = arith.constant 0 : i32
        %gt3A_223 = arith.cmpi sgt, %while3A_86, %gt3A_222 : i32
        %convert_element_type3A_224 = arith.extui %gt3A_223 : i1 to i32
        %cond3A_225 = arith.constant 0 : i32
        %cond3A_226 = arith.cmpi ne, %convert_element_type3A_224, %cond3A_225 : i32
        scf.if %cond3A_226 {
          %dma_wait3A_254 = arith.constant 1 : i32
          %dma_wait3A_255 = arith.constant 0 : i32
          %dma_wait3A_256 = arith.constant 0 : i32
          %dma_wait3A_257 = tpu.memref_slice %arg9[%dma_wait3A_254, %dma_wait3A_255, %dma_wait3A_256] : memref<2x128x128xf32, #tpu.memory_space<vmem>> -> memref<1x128x128xf32, #tpu.memory_space<vmem>>
          %dma_wait3A_258 = tpu.memref_squeeze %dma_wait3A_257 : memref<1x128x128xf32, #tpu.memory_space<vmem>> -> memref<128x128xf32, #tpu.memory_space<vmem>>
          %dma_wait3A_259 = arith.constant 0 : i32
          %dma_wait3A_260 = tpu.memref_slice %arg8[%select_n3A_124, %select_n3A_158, %dma_wait3A_259] : memref<2x8x128xi32, #tpu.memory_space<vmem>> -> memref<1x1x128xi32, #tpu.memory_space<vmem>>
          %dma_wait3A_261 = tpu.memref_squeeze %dma_wait3A_260 : memref<1x1x128xi32, #tpu.memory_space<vmem>> -> memref<128xi32, #tpu.memory_space<vmem>>
          %dma_wait3A_262 = arith.constant 0 : i32
          %dma_wait3A_263 = arith.constant 0 : i32
          %dma_wait3A_264 = tpu.memref_slice %arg10[%dma_wait3A_262, %dma_wait3A_263] : memref<10112x128xf32, #tpu.memory_space<vmem_shared>> -> memref<10112x128xf32, #tpu.memory_space<vmem_shared>>
          tpu.wait_indirect_dma semaphore(%arg14 : memref<!tpu.dma_semaphore, #tpu.memory_space<semaphore_mem>>) src(%dma_wait3A_258 : memref<128x128xf32, #tpu.memory_space<vmem>>) dst(%dma_wait3A_264 : memref<10112x128xf32, #tpu.memory_space<vmem_shared>>)
        } else {
        }
        %eq3A_227 = arith.constant 0 : i32
        %eq3A_228 = arith.cmpi eq, %select_n3A_158, %eq3A_227 : i32
        %gt3A_229 = arith.constant 0 : i32
        %gt3A_230 = arith.cmpi sgt, %while3A_86, %gt3A_229 : i32
        %and3A_231 = arith.andi %eq3A_228, %gt3A_230 : i1
        %add3A_232 = arith.constant 1 : i32
        %add3A_233 = arith.addi %select_n3A_108, %add3A_232 : i32
        %lt3A_234 = arith.cmpi slt, %add3A_233, %select_n3A_13 : i32
        %and3A_235 = arith.andi %and3A_231, %lt3A_234 : i1
        %convert_element_type3A_236 = arith.extui %and3A_235 : i1 to i32
        %cond3A_237 = arith.constant 0 : i32
        %cond3A_238 = arith.cmpi ne, %convert_element_type3A_236, %cond3A_237 : i32
        scf.if %cond3A_238 {
          %add3A_254 = arith.constant 1 : i32
          %add3A_255 = arith.addi %select_n3A_108, %add3A_254 : i32
          %mul3A_256 = arith.constant 8 : i32
          %mul3A_257 = arith.muli %add3A_255, %mul3A_256 : i32
          %add3A_258 = arith.addi %multiple_of3A, %mul3A_257 : i32
          %multiple_of3A_259 = tpu.assume_multiple %add3A_258, 8 : i32
          %dma_start3A_260 = arith.constant 0 : i32
          %dma_start3A_261 = arith.constant 0 : i32
          %dma_start3A_262 = tpu.memref_slice %arg7[%select_n3A_142, %dma_start3A_260, %dma_start3A_261] : memref<2x8x128xi32, #tpu.memory_space<vmem>> -> memref<1x8x128xi32, #tpu.memory_space<vmem>>
          %dma_start3A_263 = tpu.memref_squeeze %dma_start3A_262 : memref<1x8x128xi32, #tpu.memory_space<vmem>> -> memref<8x128xi32, #tpu.memory_space<vmem>>
          %dma_start3A_264 = arith.constant 0 : i32
          %dma_start3A_265 = tpu.memref_slice %arg3[%multiple_of3A_259, %dma_start3A_264] : memref<2560x128xi32, #tpu.memory_space<hbm>> -> memref<8x128xi32, #tpu.memory_space<hbm>>
          %dma_start3A_266 = arith.constant 0 : i32
          %dma_start3A_267 = arith.constant 0 : i32
          %dma_start3A_268 = tpu.memref_slice %arg7[%select_n3A_142, %dma_start3A_266, %dma_start3A_267] : memref<2x8x128xi32, #tpu.memory_space<vmem>> -> memref<1x8x128xi32, #tpu.memory_space<vmem>>
          %dma_start3A_269 = tpu.memref_squeeze %dma_start3A_268 : memref<1x8x128xi32, #tpu.memory_space<vmem>> -> memref<8x128xi32, #tpu.memory_space<vmem>>
          %dma_start3A_270 = arith.constant 0 : i32
          %dma_start3A_271 = tpu.memref_slice %arg3[%multiple_of3A_259, %dma_start3A_270] : memref<2560x128xi32, #tpu.memory_space<hbm>> -> memref<8x128xi32, #tpu.memory_space<hbm>>
          tpu.enqueue_dma source(%dma_start3A_271 : memref<8x128xi32, #tpu.memory_space<hbm>>) target(%dma_start3A_269 : memref<8x128xi32, #tpu.memory_space<vmem>>) target_semaphore(%arg15 : memref<!tpu.dma_semaphore, #tpu.memory_space<semaphore_mem>>)
          %dma_start3A_272 = arith.constant 0 : i32
          %dma_start3A_273 = arith.constant 0 : i32
          %dma_start3A_274 = tpu.memref_slice %arg8[%select_n3A_142, %dma_start3A_272, %dma_start3A_273] : memref<2x8x128xi32, #tpu.memory_space<vmem>> -> memref<1x8x128xi32, #tpu.memory_space<vmem>>
          %dma_start3A_275 = tpu.memref_squeeze %dma_start3A_274 : memref<1x8x128xi32, #tpu.memory_space<vmem>> -> memref<8x128xi32, #tpu.memory_space<vmem>>
          %dma_start3A_276 = arith.constant 0 : i32
          %dma_start3A_277 = tpu.memref_slice %arg4[%multiple_of3A_259, %dma_start3A_276] : memref<2560x128xi32, #tpu.memory_space<hbm>> -> memref<8x128xi32, #tpu.memory_space<hbm>>
          %dma_start3A_278 = arith.constant 0 : i32
          %dma_start3A_279 = arith.constant 0 : i32
          %dma_start3A_280 = tpu.memref_slice %arg8[%select_n3A_142, %dma_start3A_278, %dma_start3A_279] : memref<2x8x128xi32, #tpu.memory_space<vmem>> -> memref<1x8x128xi32, #tpu.memory_space<vmem>>
          %dma_start3A_281 = tpu.memref_squeeze %dma_start3A_280 : memref<1x8x128xi32, #tpu.memory_space<vmem>> -> memref<8x128xi32, #tpu.memory_space<vmem>>
          %dma_start3A_282 = arith.constant 0 : i32
          %dma_start3A_283 = tpu.memref_slice %arg4[%multiple_of3A_259, %dma_start3A_282] : memref<2560x128xi32, #tpu.memory_space<hbm>> -> memref<8x128xi32, #tpu.memory_space<hbm>>
          tpu.enqueue_dma source(%dma_start3A_283 : memref<8x128xi32, #tpu.memory_space<hbm>>) target(%dma_start3A_281 : memref<8x128xi32, #tpu.memory_space<vmem>>) target_semaphore(%arg15 : memref<!tpu.dma_semaphore, #tpu.memory_space<semaphore_mem>>)
        } else {
        }
        %eq3A_239 = arith.constant 7 : i32
        %eq3A_240 = arith.cmpi eq, %select_n3A_158, %eq3A_239 : i32
        %add3A_241 = arith.constant 1 : i32
        %add3A_242 = arith.addi %select_n3A_108, %add3A_241 : i32
        %lt3A_243 = arith.cmpi slt, %add3A_242, %select_n3A_13 : i32
        %and3A_244 = arith.andi %eq3A_240, %lt3A_243 : i1
        %convert_element_type3A_245 = arith.extui %and3A_244 : i1 to i32
        %cond3A_246 = arith.constant 0 : i32
        %cond3A_247 = arith.cmpi ne, %convert_element_type3A_245, %cond3A_246 : i32
        scf.if %cond3A_247 {
          %dma_wait3A_254 = arith.constant 0 : i32
          %dma_wait3A_255 = arith.constant 0 : i32
          %dma_wait3A_256 = tpu.memref_slice %arg7[%select_n3A_142, %dma_wait3A_254, %dma_wait3A_255] : memref<2x8x128xi32, #tpu.memory_space<vmem>> -> memref<1x8x128xi32, #tpu.memory_space<vmem>>
          %dma_wait3A_257 = tpu.memref_squeeze %dma_wait3A_256 : memref<1x8x128xi32, #tpu.memory_space<vmem>> -> memref<8x128xi32, #tpu.memory_space<vmem>>
          %dma_wait3A_258 = arith.constant 0 : i32
          %dma_wait3A_259 = arith.constant 0 : i32
          %dma_wait3A_260 = tpu.memref_slice %arg3[%dma_wait3A_258, %dma_wait3A_259] : memref<2560x128xi32, #tpu.memory_space<hbm>> -> memref<8x128xi32, #tpu.memory_space<hbm>>
          %dma_wait3A_261 = arith.constant 0 : i32
          %dma_wait3A_262 = arith.constant 0 : i32
          %dma_wait3A_263 = tpu.memref_slice %arg7[%select_n3A_142, %dma_wait3A_261, %dma_wait3A_262] : memref<2x8x128xi32, #tpu.memory_space<vmem>> -> memref<1x8x128xi32, #tpu.memory_space<vmem>>
          %dma_wait3A_264 = tpu.memref_squeeze %dma_wait3A_263 : memref<1x8x128xi32, #tpu.memory_space<vmem>> -> memref<8x128xi32, #tpu.memory_space<vmem>>
          %dma_wait3A_265 = arith.constant 0 : i32
          %dma_wait3A_266 = arith.constant 0 : i32
          %dma_wait3A_267 = tpu.memref_slice %arg3[%dma_wait3A_265, %dma_wait3A_266] : memref<2560x128xi32, #tpu.memory_space<hbm>> -> memref<8x128xi32, #tpu.memory_space<hbm>>
          tpu.wait_dma2 semaphore(%arg15 : memref<!tpu.dma_semaphore, #tpu.memory_space<semaphore_mem>>) src(%dma_wait3A_267 : memref<8x128xi32, #tpu.memory_space<hbm>>) dst(%dma_wait3A_264 : memref<8x128xi32, #tpu.memory_space<vmem>>)
          %dma_wait3A_268 = arith.constant 0 : i32
          %dma_wait3A_269 = arith.constant 0 : i32
          %dma_wait3A_270 = tpu.memref_slice %arg8[%select_n3A_142, %dma_wait3A_268, %dma_wait3A_269] : memref<2x8x128xi32, #tpu.memory_space<vmem>> -> memref<1x8x128xi32, #tpu.memory_space<vmem>>
          %dma_wait3A_271 = tpu.memref_squeeze %dma_wait3A_270 : memref<1x8x128xi32, #tpu.memory_space<vmem>> -> memref<8x128xi32, #tpu.memory_space<vmem>>
          %dma_wait3A_272 = arith.constant 0 : i32
          %dma_wait3A_273 = arith.constant 0 : i32
          %dma_wait3A_274 = tpu.memref_slice %arg4[%dma_wait3A_272, %dma_wait3A_273] : memref<2560x128xi32, #tpu.memory_space<hbm>> -> memref<8x128xi32, #tpu.memory_space<hbm>>
          %dma_wait3A_275 = arith.constant 0 : i32
          %dma_wait3A_276 = arith.constant 0 : i32
          %dma_wait3A_277 = tpu.memref_slice %arg8[%select_n3A_142, %dma_wait3A_275, %dma_wait3A_276] : memref<2x8x128xi32, #tpu.memory_space<vmem>> -> memref<1x8x128xi32, #tpu.memory_space<vmem>>
          %dma_wait3A_278 = tpu.memref_squeeze %dma_wait3A_277 : memref<1x8x128xi32, #tpu.memory_space<vmem>> -> memref<8x128xi32, #tpu.memory_space<vmem>>
          %dma_wait3A_279 = arith.constant 0 : i32
          %dma_wait3A_280 = arith.constant 0 : i32
          %dma_wait3A_281 = tpu.memref_slice %arg4[%dma_wait3A_279, %dma_wait3A_280] : memref<2560x128xi32, #tpu.memory_space<hbm>> -> memref<8x128xi32, #tpu.memory_space<hbm>>
          tpu.wait_dma2 semaphore(%arg15 : memref<!tpu.dma_semaphore, #tpu.memory_space<semaphore_mem>>) src(%dma_wait3A_281 : memref<8x128xi32, #tpu.memory_space<hbm>>) dst(%dma_wait3A_278 : memref<8x128xi32, #tpu.memory_space<vmem>>)
        } else {
        }
        %add3A_248 = arith.constant 1 : i32
        %add3A_249 = arith.addi %while3A_86, %add3A_248 : i32
        %lt3A_250 = arith.cmpi slt, %add3A_249, %select_n3A_8 : i32
        %convert_element_type3A_251 = arith.extui %lt3A_250 : i1 to i32
        %cond3A_252 = arith.constant 0 : i32
        %cond3A_253 = arith.cmpi ne, %convert_element_type3A_251, %cond3A_252 : i32
        scf.if %cond3A_253 {
          %add3A_254 = arith.constant 1 : i32
          %add3A_255 = arith.addi %while3A_86, %add3A_254 : i32
          %jit3A_256 = arith.constant 8 : i32
          %div3A_257 = arith.divsi %add3A_255, %jit3A_256 : i32
          %sign3A_258 = arith.constant 0 : i32
          %sign3A_259 = arith.cmpi sgt, %add3A_255, %sign3A_258 : i32
          %sign3A_260 = arith.extui %sign3A_259 : i1 to i32
          %sign3A_261 = arith.constant 0 : i32
          %sign3A_262 = arith.cmpi slt, %add3A_255, %sign3A_261 : i32
          %sign3A_263 = arith.extui %sign3A_262 : i1 to i32
          %sign3A_264 = arith.subi %sign3A_260, %sign3A_263 : i32
          %sign3A_265 = arith.constant 0 : i32
          %sign3A_266 = arith.cmpi sgt, %jit3A_256, %sign3A_265 : i32
          %sign3A_267 = arith.extui %sign3A_266 : i1 to i32
          %sign3A_268 = arith.constant 0 : i32
          %sign3A_269 = arith.cmpi slt, %jit3A_256, %sign3A_268 : i32
          %sign3A_270 = arith.extui %sign3A_269 : i1 to i32
          %sign3A_271 = arith.subi %sign3A_267, %sign3A_270 : i32
          %ne3A_272 = arith.cmpi ne, %sign3A_264, %sign3A_271 : i32
          %rem3A_273 = arith.remsi %add3A_255, %jit3A_256 : i32
          %ne3A_274 = arith.constant 0 : i32
          %ne3A_275 = arith.cmpi ne, %rem3A_273, %ne3A_274 : i32
          %and3A_276 = arith.andi %ne3A_272, %ne3A_275 : i1
          %sub3A_277 = arith.constant 1 : i32
          %sub3A_278 = arith.subi %div3A_257, %sub3A_277 : i32
          %select_n3A_279 = arith.select %and3A_276, %sub3A_278, %div3A_257 : i32
          %add3A_280 = arith.constant 1 : i32
          %add3A_281 = arith.addi %while3A_86, %add3A_280 : i32
          %jit3A_282 = arith.constant 8 : i32
          %eq3A_283 = arith.constant 0 : i32
          %eq3A_284 = arith.cmpi eq, %jit3A_282, %eq3A_283 : i32
          %jit3A_285 = arith.constant 1 : i32
          %select_n3A_286 = arith.select %eq3A_284, %jit3A_285, %jit3A_282 : i32
          %rem3A_287 = arith.remsi %add3A_281, %select_n3A_286 : i32
          %ne3A_288 = arith.constant 0 : i32
          %ne3A_289 = arith.cmpi ne, %rem3A_287, %ne3A_288 : i32
          %lt3A_290 = arith.constant 0 : i32
          %lt3A_291 = arith.cmpi slt, %rem3A_287, %lt3A_290 : i32
          %lt3A_292 = arith.constant 0 : i32
          %lt3A_293 = arith.cmpi slt, %select_n3A_286, %lt3A_292 : i32
          %ne3A_294 = arith.xori %lt3A_291, %lt3A_293 : i1
          %and3A_295 = arith.andi %ne3A_294, %ne3A_289 : i1
          %add3A_296 = arith.addi %rem3A_287, %select_n3A_286 : i32
          %select_n3A_297 = arith.select %and3A_295, %add3A_296, %rem3A_287 : i32
          %jit3A_298 = arith.constant 2 : i32
          %eq3A_299 = arith.constant 0 : i32
          %eq3A_300 = arith.cmpi eq, %jit3A_298, %eq3A_299 : i32
          %jit3A_301 = arith.constant 1 : i32
          %select_n3A_302 = arith.select %eq3A_300, %jit3A_301, %jit3A_298 : i32
          %rem3A_303 = arith.remsi %select_n3A_279, %select_n3A_302 : i32
          %ne3A_304 = arith.constant 0 : i32
          %ne3A_305 = arith.cmpi ne, %rem3A_303, %ne3A_304 : i32
          %lt3A_306 = arith.constant 0 : i32
          %lt3A_307 = arith.cmpi slt, %rem3A_303, %lt3A_306 : i32
          %lt3A_308 = arith.constant 0 : i32
          %lt3A_309 = arith.cmpi slt, %select_n3A_302, %lt3A_308 : i32
          %ne3A_310 = arith.xori %lt3A_307, %lt3A_309 : i1
          %and3A_311 = arith.andi %ne3A_310, %ne3A_305 : i1
          %add3A_312 = arith.addi %rem3A_303, %select_n3A_302 : i32
          %select_n3A_313 = arith.select %and3A_311, %add3A_312, %rem3A_303 : i32
          %dma_start3A_314 = arith.constant 1 : i32
          %dma_start3A_315 = arith.constant 0 : i32
          %dma_start3A_316 = arith.constant 0 : i32
          %dma_start3A_317 = tpu.memref_slice %arg9[%dma_start3A_314, %dma_start3A_315, %dma_start3A_316] : memref<2x128x128xf32, #tpu.memory_space<vmem>> -> memref<1x128x128xf32, #tpu.memory_space<vmem>>
          %dma_start3A_318 = tpu.memref_squeeze %dma_start3A_317 : memref<1x128x128xf32, #tpu.memory_space<vmem>> -> memref<128x128xf32, #tpu.memory_space<vmem>>
          %dma_start3A_319 = arith.constant 0 : i32
          %dma_start3A_320 = tpu.memref_slice %arg7[%select_n3A_313, %select_n3A_297, %dma_start3A_319] : memref<2x8x128xi32, #tpu.memory_space<vmem>> -> memref<1x1x128xi32, #tpu.memory_space<vmem>>
          %dma_start3A_321 = tpu.memref_squeeze %dma_start3A_320 : memref<1x1x128xi32, #tpu.memory_space<vmem>> -> memref<128xi32, #tpu.memory_space<vmem>>
          %dma_start3A_322 = arith.constant 0 : i32
          %dma_start3A_323 = arith.constant 0 : i32
          %dma_start3A_324 = tpu.memref_slice %arg2[%dma_start3A_322, %dma_start3A_323] : memref<10000x128xf32, #tpu.memory_space<hbm>> -> memref<10000x128xf32, #tpu.memory_space<hbm>>
          tpu.enqueue_indirect_dma source(%dma_start3A_324 : memref<10000x128xf32, #tpu.memory_space<hbm>>) target(%dma_start3A_318 : memref<128x128xf32, #tpu.memory_space<vmem>>) offsets(%dma_start3A_321 : memref<128xi32, #tpu.memory_space<vmem>>) semaphore(%arg12 : memref<!tpu.dma_semaphore, #tpu.memory_space<semaphore_mem>>)
        } else {
        }
      } else {
      }
      %jit3A_180 = arith.constant 2 : i32
      %eq3A_181 = arith.constant 0 : i32
      %eq3A_182 = arith.cmpi eq, %jit3A_180, %eq3A_181 : i32
      %jit3A_183 = arith.constant 1 : i32
      %select_n3A_184 = arith.select %eq3A_182, %jit3A_183, %jit3A_180 : i32
      %rem3A_185 = arith.remsi %while3A_86, %select_n3A_184 : i32
      %ne3A_186 = arith.constant 0 : i32
      %ne3A_187 = arith.cmpi ne, %rem3A_185, %ne3A_186 : i32
      %lt3A_188 = arith.constant 0 : i32
      %lt3A_189 = arith.cmpi slt, %rem3A_185, %lt3A_188 : i32
      %lt3A_190 = arith.constant 0 : i32
      %lt3A_191 = arith.cmpi slt, %select_n3A_184, %lt3A_190 : i32
      %ne3A_192 = arith.xori %lt3A_189, %lt3A_191 : i1
      %and3A_193 = arith.andi %ne3A_192, %ne3A_187 : i1
      %add3A_194 = arith.addi %rem3A_185, %select_n3A_184 : i32
      %select_n3A_195 = arith.select %and3A_193, %add3A_194, %rem3A_185 : i32
      %eq3A_196 = arith.constant 1 : i32
      %eq3A_197 = arith.cmpi eq, %select_n3A_195, %eq3A_196 : i32
      %convert_element_type3A_198 = arith.extui %eq3A_197 : i1 to i32
      %cond3A_199 = arith.constant 0 : i32
      %cond3A_200 = arith.cmpi ne, %convert_element_type3A_198, %cond3A_199 : i32
      scf.if %cond3A_200 {
        %dma_wait3A = arith.constant 1 : i32
        %dma_wait3A_201 = arith.constant 0 : i32
        %dma_wait3A_202 = arith.constant 0 : i32
        %dma_wait3A_203 = tpu.memref_slice %arg9[%dma_wait3A, %dma_wait3A_201, %dma_wait3A_202] : memref<2x128x128xf32, #tpu.memory_space<vmem>> -> memref<1x128x128xf32, #tpu.memory_space<vmem>>
        %dma_wait3A_204 = tpu.memref_squeeze %dma_wait3A_203 : memref<1x128x128xf32, #tpu.memory_space<vmem>> -> memref<128x128xf32, #tpu.memory_space<vmem>>
        %dma_wait3A_205 = arith.constant 0 : i32
        %dma_wait3A_206 = tpu.memref_slice %arg7[%select_n3A_124, %select_n3A_158, %dma_wait3A_205] : memref<2x8x128xi32, #tpu.memory_space<vmem>> -> memref<1x1x128xi32, #tpu.memory_space<vmem>>
        %dma_wait3A_207 = tpu.memref_squeeze %dma_wait3A_206 : memref<1x1x128xi32, #tpu.memory_space<vmem>> -> memref<128xi32, #tpu.memory_space<vmem>>
        %dma_wait3A_208 = arith.constant 0 : i32
        %dma_wait3A_209 = arith.constant 0 : i32
        %dma_wait3A_210 = tpu.memref_slice %arg2[%dma_wait3A_208, %dma_wait3A_209] : memref<10000x128xf32, #tpu.memory_space<hbm>> -> memref<10000x128xf32, #tpu.memory_space<hbm>>
        tpu.wait_indirect_dma semaphore(%arg12 : memref<!tpu.dma_semaphore, #tpu.memory_space<semaphore_mem>>) src(%dma_wait3A_210 : memref<10000x128xf32, #tpu.memory_space<hbm>>) dst(%dma_wait3A_204 : memref<128x128xf32, #tpu.memory_space<vmem>>)
        %dma_start3A_211 = arith.constant 1 : i32
        %dma_start3A_212 = arith.constant 0 : i32
        %dma_start3A_213 = arith.constant 0 : i32
        %dma_start3A_214 = tpu.memref_slice %arg9[%dma_start3A_211, %dma_start3A_212, %dma_start3A_213] : memref<2x128x128xf32, #tpu.memory_space<vmem>> -> memref<1x128x128xf32, #tpu.memory_space<vmem>>
        %dma_start3A_215 = tpu.memref_squeeze %dma_start3A_214 : memref<1x128x128xf32, #tpu.memory_space<vmem>> -> memref<128x128xf32, #tpu.memory_space<vmem>>
        %dma_start3A_216 = arith.constant 0 : i32
        %dma_start3A_217 = tpu.memref_slice %arg8[%select_n3A_124, %select_n3A_158, %dma_start3A_216] : memref<2x8x128xi32, #tpu.memory_space<vmem>> -> memref<1x1x128xi32, #tpu.memory_space<vmem>>
        %dma_start3A_218 = tpu.memref_squeeze %dma_start3A_217 : memref<1x1x128xi32, #tpu.memory_space<vmem>> -> memref<128xi32, #tpu.memory_space<vmem>>
        %dma_start3A_219 = arith.constant 0 : i32
        %dma_start3A_220 = arith.constant 0 : i32
        %dma_start3A_221 = tpu.memref_slice %arg10[%dma_start3A_219, %dma_start3A_220] : memref<10112x128xf32, #tpu.memory_space<vmem_shared>> -> memref<10112x128xf32, #tpu.memory_space<vmem_shared>>
        tpu.enqueue_indirect_dma source(%dma_start3A_215 : memref<128x128xf32, #tpu.memory_space<vmem>>) target(%dma_start3A_221 : memref<10112x128xf32, #tpu.memory_space<vmem_shared>>) offsets(%dma_start3A_218 : memref<128xi32, #tpu.memory_space<vmem>>) semaphore(%arg14 : memref<!tpu.dma_semaphore, #tpu.memory_space<semaphore_mem>>) {add = true}
        %gt3A_222 = arith.constant 0 : i32
        %gt3A_223 = arith.cmpi sgt, %while3A_86, %gt3A_222 : i32
        %convert_element_type3A_224 = arith.extui %gt3A_223 : i1 to i32
        %cond3A_225 = arith.constant 0 : i32
        %cond3A_226 = arith.cmpi ne, %convert_element_type3A_224, %cond3A_225 : i32
        scf.if %cond3A_226 {
          %dma_wait3A_254 = arith.constant 0 : i32
          %dma_wait3A_255 = arith.constant 0 : i32
          %dma_wait3A_256 = arith.constant 0 : i32
          %dma_wait3A_257 = tpu.memref_slice %arg9[%dma_wait3A_254, %dma_wait3A_255, %dma_wait3A_256] : memref<2x128x128xf32, #tpu.memory_space<vmem>> -> memref<1x128x128xf32, #tpu.memory_space<vmem>>
          %dma_wait3A_258 = tpu.memref_squeeze %dma_wait3A_257 : memref<1x128x128xf32, #tpu.memory_space<vmem>> -> memref<128x128xf32, #tpu.memory_space<vmem>>
          %dma_wait3A_259 = arith.constant 0 : i32
          %dma_wait3A_260 = tpu.memref_slice %arg8[%select_n3A_124, %select_n3A_158, %dma_wait3A_259] : memref<2x8x128xi32, #tpu.memory_space<vmem>> -> memref<1x1x128xi32, #tpu.memory_space<vmem>>
          %dma_wait3A_261 = tpu.memref_squeeze %dma_wait3A_260 : memref<1x1x128xi32, #tpu.memory_space<vmem>> -> memref<128xi32, #tpu.memory_space<vmem>>
          %dma_wait3A_262 = arith.constant 0 : i32
          %dma_wait3A_263 = arith.constant 0 : i32
          %dma_wait3A_264 = tpu.memref_slice %arg10[%dma_wait3A_262, %dma_wait3A_263] : memref<10112x128xf32, #tpu.memory_space<vmem_shared>> -> memref<10112x128xf32, #tpu.memory_space<vmem_shared>>
          tpu.wait_indirect_dma semaphore(%arg13 : memref<!tpu.dma_semaphore, #tpu.memory_space<semaphore_mem>>) src(%dma_wait3A_258 : memref<128x128xf32, #tpu.memory_space<vmem>>) dst(%dma_wait3A_264 : memref<10112x128xf32, #tpu.memory_space<vmem_shared>>)
        } else {
        }
        %eq3A_227 = arith.constant 0 : i32
        %eq3A_228 = arith.cmpi eq, %select_n3A_158, %eq3A_227 : i32
        %gt3A_229 = arith.constant 0 : i32
        %gt3A_230 = arith.cmpi sgt, %while3A_86, %gt3A_229 : i32
        %and3A_231 = arith.andi %eq3A_228, %gt3A_230 : i1
        %add3A_232 = arith.constant 1 : i32
        %add3A_233 = arith.addi %select_n3A_108, %add3A_232 : i32
        %lt3A_234 = arith.cmpi slt, %add3A_233, %select_n3A_13 : i32
        %and3A_235 = arith.andi %and3A_231, %lt3A_234 : i1
        %convert_element_type3A_236 = arith.extui %and3A_235 : i1 to i32
        %cond3A_237 = arith.constant 0 : i32
        %cond3A_238 = arith.cmpi ne, %convert_element_type3A_236, %cond3A_237 : i32
        scf.if %cond3A_238 {
          %add3A_254 = arith.constant 1 : i32
          %add3A_255 = arith.addi %select_n3A_108, %add3A_254 : i32
          %mul3A_256 = arith.constant 8 : i32
          %mul3A_257 = arith.muli %add3A_255, %mul3A_256 : i32
          %add3A_258 = arith.addi %multiple_of3A, %mul3A_257 : i32
          %multiple_of3A_259 = tpu.assume_multiple %add3A_258, 8 : i32
          %dma_start3A_260 = arith.constant 0 : i32
          %dma_start3A_261 = arith.constant 0 : i32
          %dma_start3A_262 = tpu.memref_slice %arg7[%select_n3A_142, %dma_start3A_260, %dma_start3A_261] : memref<2x8x128xi32, #tpu.memory_space<vmem>> -> memref<1x8x128xi32, #tpu.memory_space<vmem>>
          %dma_start3A_263 = tpu.memref_squeeze %dma_start3A_262 : memref<1x8x128xi32, #tpu.memory_space<vmem>> -> memref<8x128xi32, #tpu.memory_space<vmem>>
          %dma_start3A_264 = arith.constant 0 : i32
          %dma_start3A_265 = tpu.memref_slice %arg3[%multiple_of3A_259, %dma_start3A_264] : memref<2560x128xi32, #tpu.memory_space<hbm>> -> memref<8x128xi32, #tpu.memory_space<hbm>>
          %dma_start3A_266 = arith.constant 0 : i32
          %dma_start3A_267 = arith.constant 0 : i32
          %dma_start3A_268 = tpu.memref_slice %arg7[%select_n3A_142, %dma_start3A_266, %dma_start3A_267] : memref<2x8x128xi32, #tpu.memory_space<vmem>> -> memref<1x8x128xi32, #tpu.memory_space<vmem>>
          %dma_start3A_269 = tpu.memref_squeeze %dma_start3A_268 : memref<1x8x128xi32, #tpu.memory_space<vmem>> -> memref<8x128xi32, #tpu.memory_space<vmem>>
          %dma_start3A_270 = arith.constant 0 : i32
          %dma_start3A_271 = tpu.memref_slice %arg3[%multiple_of3A_259, %dma_start3A_270] : memref<2560x128xi32, #tpu.memory_space<hbm>> -> memref<8x128xi32, #tpu.memory_space<hbm>>
          tpu.enqueue_dma source(%dma_start3A_271 : memref<8x128xi32, #tpu.memory_space<hbm>>) target(%dma_start3A_269 : memref<8x128xi32, #tpu.memory_space<vmem>>) target_semaphore(%arg15 : memref<!tpu.dma_semaphore, #tpu.memory_space<semaphore_mem>>)
          %dma_start3A_272 = arith.constant 0 : i32
          %dma_start3A_273 = arith.constant 0 : i32
          %dma_start3A_274 = tpu.memref_slice %arg8[%select_n3A_142, %dma_start3A_272, %dma_start3A_273] : memref<2x8x128xi32, #tpu.memory_space<vmem>> -> memref<1x8x128xi32, #tpu.memory_space<vmem>>
          %dma_start3A_275 = tpu.memref_squeeze %dma_start3A_274 : memref<1x8x128xi32, #tpu.memory_space<vmem>> -> memref<8x128xi32, #tpu.memory_space<vmem>>
          %dma_start3A_276 = arith.constant 0 : i32
          %dma_start3A_277 = tpu.memref_slice %arg4[%multiple_of3A_259, %dma_start3A_276] : memref<2560x128xi32, #tpu.memory_space<hbm>> -> memref<8x128xi32, #tpu.memory_space<hbm>>
          %dma_start3A_278 = arith.constant 0 : i32
          %dma_start3A_279 = arith.constant 0 : i32
          %dma_start3A_280 = tpu.memref_slice %arg8[%select_n3A_142, %dma_start3A_278, %dma_start3A_279] : memref<2x8x128xi32, #tpu.memory_space<vmem>> -> memref<1x8x128xi32, #tpu.memory_space<vmem>>
          %dma_start3A_281 = tpu.memref_squeeze %dma_start3A_280 : memref<1x8x128xi32, #tpu.memory_space<vmem>> -> memref<8x128xi32, #tpu.memory_space<vmem>>
          %dma_start3A_282 = arith.constant 0 : i32
          %dma_start3A_283 = tpu.memref_slice %arg4[%multiple_of3A_259, %dma_start3A_282] : memref<2560x128xi32, #tpu.memory_space<hbm>> -> memref<8x128xi32, #tpu.memory_space<hbm>>
          tpu.enqueue_dma source(%dma_start3A_283 : memref<8x128xi32, #tpu.memory_space<hbm>>) target(%dma_start3A_281 : memref<8x128xi32, #tpu.memory_space<vmem>>) target_semaphore(%arg15 : memref<!tpu.dma_semaphore, #tpu.memory_space<semaphore_mem>>)
        } else {
        }
        %eq3A_239 = arith.constant 7 : i32
        %eq3A_240 = arith.cmpi eq, %select_n3A_158, %eq3A_239 : i32
        %add3A_241 = arith.constant 1 : i32
        %add3A_242 = arith.addi %select_n3A_108, %add3A_241 : i32
        %lt3A_243 = arith.cmpi slt, %add3A_242, %select_n3A_13 : i32
        %and3A_244 = arith.andi %eq3A_240, %lt3A_243 : i1
        %convert_element_type3A_245 = arith.extui %and3A_244 : i1 to i32
        %cond3A_246 = arith.constant 0 : i32
        %cond3A_247 = arith.cmpi ne, %convert_element_type3A_245, %cond3A_246 : i32
        scf.if %cond3A_247 {
          %dma_wait3A_254 = arith.constant 0 : i32
          %dma_wait3A_255 = arith.constant 0 : i32
          %dma_wait3A_256 = tpu.memref_slice %arg7[%select_n3A_142, %dma_wait3A_254, %dma_wait3A_255] : memref<2x8x128xi32, #tpu.memory_space<vmem>> -> memref<1x8x128xi32, #tpu.memory_space<vmem>>
          %dma_wait3A_257 = tpu.memref_squeeze %dma_wait3A_256 : memref<1x8x128xi32, #tpu.memory_space<vmem>> -> memref<8x128xi32, #tpu.memory_space<vmem>>
          %dma_wait3A_258 = arith.constant 0 : i32
          %dma_wait3A_259 = arith.constant 0 : i32
          %dma_wait3A_260 = tpu.memref_slice %arg3[%dma_wait3A_258, %dma_wait3A_259] : memref<2560x128xi32, #tpu.memory_space<hbm>> -> memref<8x128xi32, #tpu.memory_space<hbm>>
          %dma_wait3A_261 = arith.constant 0 : i32
          %dma_wait3A_262 = arith.constant 0 : i32
          %dma_wait3A_263 = tpu.memref_slice %arg7[%select_n3A_142, %dma_wait3A_261, %dma_wait3A_262] : memref<2x8x128xi32, #tpu.memory_space<vmem>> -> memref<1x8x128xi32, #tpu.memory_space<vmem>>
          %dma_wait3A_264 = tpu.memref_squeeze %dma_wait3A_263 : memref<1x8x128xi32, #tpu.memory_space<vmem>> -> memref<8x128xi32, #tpu.memory_space<vmem>>
          %dma_wait3A_265 = arith.constant 0 : i32
          %dma_wait3A_266 = arith.constant 0 : i32
          %dma_wait3A_267 = tpu.memref_slice %arg3[%dma_wait3A_265, %dma_wait3A_266] : memref<2560x128xi32, #tpu.memory_space<hbm>> -> memref<8x128xi32, #tpu.memory_space<hbm>>
          tpu.wait_dma2 semaphore(%arg15 : memref<!tpu.dma_semaphore, #tpu.memory_space<semaphore_mem>>) src(%dma_wait3A_267 : memref<8x128xi32, #tpu.memory_space<hbm>>) dst(%dma_wait3A_264 : memref<8x128xi32, #tpu.memory_space<vmem>>)
          %dma_wait3A_268 = arith.constant 0 : i32
          %dma_wait3A_269 = arith.constant 0 : i32
          %dma_wait3A_270 = tpu.memref_slice %arg8[%select_n3A_142, %dma_wait3A_268, %dma_wait3A_269] : memref<2x8x128xi32, #tpu.memory_space<vmem>> -> memref<1x8x128xi32, #tpu.memory_space<vmem>>
          %dma_wait3A_271 = tpu.memref_squeeze %dma_wait3A_270 : memref<1x8x128xi32, #tpu.memory_space<vmem>> -> memref<8x128xi32, #tpu.memory_space<vmem>>
          %dma_wait3A_272 = arith.constant 0 : i32
          %dma_wait3A_273 = arith.constant 0 : i32
          %dma_wait3A_274 = tpu.memref_slice %arg4[%dma_wait3A_272, %dma_wait3A_273] : memref<2560x128xi32, #tpu.memory_space<hbm>> -> memref<8x128xi32, #tpu.memory_space<hbm>>
          %dma_wait3A_275 = arith.constant 0 : i32
          %dma_wait3A_276 = arith.constant 0 : i32
          %dma_wait3A_277 = tpu.memref_slice %arg8[%select_n3A_142, %dma_wait3A_275, %dma_wait3A_276] : memref<2x8x128xi32, #tpu.memory_space<vmem>> -> memref<1x8x128xi32, #tpu.memory_space<vmem>>
          %dma_wait3A_278 = tpu.memref_squeeze %dma_wait3A_277 : memref<1x8x128xi32, #tpu.memory_space<vmem>> -> memref<8x128xi32, #tpu.memory_space<vmem>>
          %dma_wait3A_279 = arith.constant 0 : i32
          %dma_wait3A_280 = arith.constant 0 : i32
          %dma_wait3A_281 = tpu.memref_slice %arg4[%dma_wait3A_279, %dma_wait3A_280] : memref<2560x128xi32, #tpu.memory_space<hbm>> -> memref<8x128xi32, #tpu.memory_space<hbm>>
          tpu.wait_dma2 semaphore(%arg15 : memref<!tpu.dma_semaphore, #tpu.memory_space<semaphore_mem>>) src(%dma_wait3A_281 : memref<8x128xi32, #tpu.memory_space<hbm>>) dst(%dma_wait3A_278 : memref<8x128xi32, #tpu.memory_space<vmem>>)
        } else {
        }
        %add3A_248 = arith.constant 1 : i32
        %add3A_249 = arith.addi %while3A_86, %add3A_248 : i32
        %lt3A_250 = arith.cmpi slt, %add3A_249, %select_n3A_8 : i32
        %convert_element_type3A_251 = arith.extui %lt3A_250 : i1 to i32
        %cond3A_252 = arith.constant 0 : i32
        %cond3A_253 = arith.cmpi ne, %convert_element_type3A_251, %cond3A_252 : i32
        scf.if %cond3A_253 {
          %add3A_254 = arith.constant 1 : i32
          %add3A_255 = arith.addi %while3A_86, %add3A_254 : i32
          %jit3A_256 = arith.constant 8 : i32
          %div3A_257 = arith.divsi %add3A_255, %jit3A_256 : i32
          %sign3A_258 = arith.constant 0 : i32
          %sign3A_259 = arith.cmpi sgt, %add3A_255, %sign3A_258 : i32
          %sign3A_260 = arith.extui %sign3A_259 : i1 to i32
          %sign3A_261 = arith.constant 0 : i32
          %sign3A_262 = arith.cmpi slt, %add3A_255, %sign3A_261 : i32
          %sign3A_263 = arith.extui %sign3A_262 : i1 to i32
          %sign3A_264 = arith.subi %sign3A_260, %sign3A_263 : i32
          %sign3A_265 = arith.constant 0 : i32
          %sign3A_266 = arith.cmpi sgt, %jit3A_256, %sign3A_265 : i32
          %sign3A_267 = arith.extui %sign3A_266 : i1 to i32
          %sign3A_268 = arith.constant 0 : i32
          %sign3A_269 = arith.cmpi slt, %jit3A_256, %sign3A_268 : i32
          %sign3A_270 = arith.extui %sign3A_269 : i1 to i32
          %sign3A_271 = arith.subi %sign3A_267, %sign3A_270 : i32
          %ne3A_272 = arith.cmpi ne, %sign3A_264, %sign3A_271 : i32
          %rem3A_273 = arith.remsi %add3A_255, %jit3A_256 : i32
          %ne3A_274 = arith.constant 0 : i32
          %ne3A_275 = arith.cmpi ne, %rem3A_273, %ne3A_274 : i32
          %and3A_276 = arith.andi %ne3A_272, %ne3A_275 : i1
          %sub3A_277 = arith.constant 1 : i32
          %sub3A_278 = arith.subi %div3A_257, %sub3A_277 : i32
          %select_n3A_279 = arith.select %and3A_276, %sub3A_278, %div3A_257 : i32
          %add3A_280 = arith.constant 1 : i32
          %add3A_281 = arith.addi %while3A_86, %add3A_280 : i32
          %jit3A_282 = arith.constant 8 : i32
          %eq3A_283 = arith.constant 0 : i32
          %eq3A_284 = arith.cmpi eq, %jit3A_282, %eq3A_283 : i32
          %jit3A_285 = arith.constant 1 : i32
          %select_n3A_286 = arith.select %eq3A_284, %jit3A_285, %jit3A_282 : i32
          %rem3A_287 = arith.remsi %add3A_281, %select_n3A_286 : i32
          %ne3A_288 = arith.constant 0 : i32
          %ne3A_289 = arith.cmpi ne, %rem3A_287, %ne3A_288 : i32
          %lt3A_290 = arith.constant 0 : i32
          %lt3A_291 = arith.cmpi slt, %rem3A_287, %lt3A_290 : i32
          %lt3A_292 = arith.constant 0 : i32
          %lt3A_293 = arith.cmpi slt, %select_n3A_286, %lt3A_292 : i32
          %ne3A_294 = arith.xori %lt3A_291, %lt3A_293 : i1
          %and3A_295 = arith.andi %ne3A_294, %ne3A_289 : i1
          %add3A_296 = arith.addi %rem3A_287, %select_n3A_286 : i32
          %select_n3A_297 = arith.select %and3A_295, %add3A_296, %rem3A_287 : i32
          %jit3A_298 = arith.constant 2 : i32
          %eq3A_299 = arith.constant 0 : i32
          %eq3A_300 = arith.cmpi eq, %jit3A_298, %eq3A_299 : i32
          %jit3A_301 = arith.constant 1 : i32
          %select_n3A_302 = arith.select %eq3A_300, %jit3A_301, %jit3A_298 : i32
          %rem3A_303 = arith.remsi %select_n3A_279, %select_n3A_302 : i32
          %ne3A_304 = arith.constant 0 : i32
          %ne3A_305 = arith.cmpi ne, %rem3A_303, %ne3A_304 : i32
          %lt3A_306 = arith.constant 0 : i32
          %lt3A_307 = arith.cmpi slt, %rem3A_303, %lt3A_306 : i32
          %lt3A_308 = arith.constant 0 : i32
          %lt3A_309 = arith.cmpi slt, %select_n3A_302, %lt3A_308 : i32
          %ne3A_310 = arith.xori %lt3A_307, %lt3A_309 : i1
          %and3A_311 = arith.andi %ne3A_310, %ne3A_305 : i1
          %add3A_312 = arith.addi %rem3A_303, %select_n3A_302 : i32
          %select_n3A_313 = arith.select %and3A_311, %add3A_312, %rem3A_303 : i32
          %dma_start3A_314 = arith.constant 0 : i32
          %dma_start3A_315 = arith.constant 0 : i32
          %dma_start3A_316 = arith.constant 0 : i32
          %dma_start3A_317 = tpu.memref_slice %arg9[%dma_start3A_314, %dma_start3A_315, %dma_start3A_316] : memref<2x128x128xf32, #tpu.memory_space<vmem>> -> memref<1x128x128xf32, #tpu.memory_space<vmem>>
          %dma_start3A_318 = tpu.memref_squeeze %dma_start3A_317 : memref<1x128x128xf32, #tpu.memory_space<vmem>> -> memref<128x128xf32, #tpu.memory_space<vmem>>
          %dma_start3A_319 = arith.constant 0 : i32
          %dma_start3A_320 = tpu.memref_slice %arg7[%select_n3A_313, %select_n3A_297, %dma_start3A_319] : memref<2x8x128xi32, #tpu.memory_space<vmem>> -> memref<1x1x128xi32, #tpu.memory_space<vmem>>
          %dma_start3A_321 = tpu.memref_squeeze %dma_start3A_320 : memref<1x1x128xi32, #tpu.memory_space<vmem>> -> memref<128xi32, #tpu.memory_space<vmem>>
          %dma_start3A_322 = arith.constant 0 : i32
          %dma_start3A_323 = arith.constant 0 : i32
          %dma_start3A_324 = tpu.memref_slice %arg2[%dma_start3A_322, %dma_start3A_323] : memref<10000x128xf32, #tpu.memory_space<hbm>> -> memref<10000x128xf32, #tpu.memory_space<hbm>>
          tpu.enqueue_indirect_dma source(%dma_start3A_324 : memref<10000x128xf32, #tpu.memory_space<hbm>>) target(%dma_start3A_318 : memref<128x128xf32, #tpu.memory_space<vmem>>) offsets(%dma_start3A_321 : memref<128xi32, #tpu.memory_space<vmem>>) semaphore(%arg11 : memref<!tpu.dma_semaphore, #tpu.memory_space<semaphore_mem>>)
        } else {
        }
      } else {
      }
    }
    %sub3A = arith.constant 1 : i32
    %sub3A_40 = arith.subi %select_n3A_8, %sub3A : i32
    %jit3A_41 = arith.constant 2 : i32
    %eq3A_42 = arith.constant 0 : i32
    %eq3A_43 = arith.cmpi eq, %jit3A_41, %eq3A_42 : i32
    %jit3A_44 = arith.constant 1 : i32
    %select_n3A_45 = arith.select %eq3A_43, %jit3A_44, %jit3A_41 : i32
    %rem3A = arith.remsi %sub3A_40, %select_n3A_45 : i32
    %ne3A = arith.constant 0 : i32
    %ne3A_46 = arith.cmpi ne, %rem3A, %ne3A : i32
    %lt3A = arith.constant 0 : i32
    %lt3A_47 = arith.cmpi slt, %rem3A, %lt3A : i32
    %lt3A_48 = arith.constant 0 : i32
    %lt3A_49 = arith.cmpi slt, %select_n3A_45, %lt3A_48 : i32
    %ne3A_50 = arith.xori %lt3A_47, %lt3A_49 : i1
    %and3A = arith.andi %ne3A_50, %ne3A_46 : i1
    %add3A_51 = arith.addi %rem3A, %select_n3A_45 : i32
    %select_n3A_52 = arith.select %and3A, %add3A_51, %rem3A : i32
    %eq3A_53 = arith.constant 0 : i32
    %eq3A_54 = arith.cmpi eq, %select_n3A_52, %eq3A_53 : i32
    %convert_element_type3A_55 = arith.extui %eq3A_54 : i1 to i32
    %cond3A_56 = arith.constant 0 : i32
    %cond3A_57 = arith.cmpi ne, %convert_element_type3A_55, %cond3A_56 : i32
    scf.if %cond3A_57 {
      %dma_wait3A = arith.constant 0 : i32
      %dma_wait3A_86 = arith.constant 0 : i32
      %dma_wait3A_87 = arith.constant 0 : i32
      %dma_wait3A_88 = arith.constant 0 : i32
      %dma_wait3A_89 = arith.constant 0 : i32
      %dma_wait3A_90 = tpu.memref_slice %arg9[%dma_wait3A, %dma_wait3A_88, %dma_wait3A_89] : memref<2x128x128xf32, #tpu.memory_space<vmem>> -> memref<1x128x128xf32, #tpu.memory_space<vmem>>
      %dma_wait3A_91 = tpu.memref_squeeze %dma_wait3A_90 : memref<1x128x128xf32, #tpu.memory_space<vmem>> -> memref<128x128xf32, #tpu.memory_space<vmem>>
      %dma_wait3A_92 = arith.constant 0 : i32
      %dma_wait3A_93 = tpu.memref_slice %arg8[%dma_wait3A_86, %dma_wait3A_87, %dma_wait3A_92] : memref<2x8x128xi32, #tpu.memory_space<vmem>> -> memref<1x1x128xi32, #tpu.memory_space<vmem>>
      %dma_wait3A_94 = tpu.memref_squeeze %dma_wait3A_93 : memref<1x1x128xi32, #tpu.memory_space<vmem>> -> memref<128xi32, #tpu.memory_space<vmem>>
      %dma_wait3A_95 = arith.constant 0 : i32
      %dma_wait3A_96 = arith.constant 0 : i32
      %dma_wait3A_97 = tpu.memref_slice %arg10[%dma_wait3A_95, %dma_wait3A_96] : memref<10112x128xf32, #tpu.memory_space<vmem_shared>> -> memref<10112x128xf32, #tpu.memory_space<vmem_shared>>
      tpu.wait_indirect_dma semaphore(%arg13 : memref<!tpu.dma_semaphore, #tpu.memory_space<semaphore_mem>>) src(%dma_wait3A_91 : memref<128x128xf32, #tpu.memory_space<vmem>>) dst(%dma_wait3A_97 : memref<10112x128xf32, #tpu.memory_space<vmem_shared>>)
    } else {
    }
    %sub3A_58 = arith.constant 1 : i32
    %sub3A_59 = arith.subi %select_n3A_8, %sub3A_58 : i32
    %jit3A_60 = arith.constant 2 : i32
    %eq3A_61 = arith.constant 0 : i32
    %eq3A_62 = arith.cmpi eq, %jit3A_60, %eq3A_61 : i32
    %jit3A_63 = arith.constant 1 : i32
    %select_n3A_64 = arith.select %eq3A_62, %jit3A_63, %jit3A_60 : i32
    %rem3A_65 = arith.remsi %sub3A_59, %select_n3A_64 : i32
    %ne3A_66 = arith.constant 0 : i32
    %ne3A_67 = arith.cmpi ne, %rem3A_65, %ne3A_66 : i32
    %lt3A_68 = arith.constant 0 : i32
    %lt3A_69 = arith.cmpi slt, %rem3A_65, %lt3A_68 : i32
    %lt3A_70 = arith.constant 0 : i32
    %lt3A_71 = arith.cmpi slt, %select_n3A_64, %lt3A_70 : i32
    %ne3A_72 = arith.xori %lt3A_69, %lt3A_71 : i1
    %and3A_73 = arith.andi %ne3A_72, %ne3A_67 : i1
    %add3A_74 = arith.addi %rem3A_65, %select_n3A_64 : i32
    %select_n3A_75 = arith.select %and3A_73, %add3A_74, %rem3A_65 : i32
    %eq3A_76 = arith.constant 1 : i32
    %eq3A_77 = arith.cmpi eq, %select_n3A_75, %eq3A_76 : i32
    %convert_element_type3A_78 = arith.extui %eq3A_77 : i1 to i32
    %cond3A_79 = arith.constant 0 : i32
    %cond3A_80 = arith.cmpi ne, %convert_element_type3A_78, %cond3A_79 : i32
    scf.if %cond3A_80 {
      %dma_wait3A = arith.constant 1 : i32
      %dma_wait3A_86 = arith.constant 0 : i32
      %dma_wait3A_87 = arith.constant 0 : i32
      %dma_wait3A_88 = arith.constant 0 : i32
      %dma_wait3A_89 = arith.constant 0 : i32
      %dma_wait3A_90 = tpu.memref_slice %arg9[%dma_wait3A, %dma_wait3A_88, %dma_wait3A_89] : memref<2x128x128xf32, #tpu.memory_space<vmem>> -> memref<1x128x128xf32, #tpu.memory_space<vmem>>
      %dma_wait3A_91 = tpu.memref_squeeze %dma_wait3A_90 : memref<1x128x128xf32, #tpu.memory_space<vmem>> -> memref<128x128xf32, #tpu.memory_space<vmem>>
      %dma_wait3A_92 = arith.constant 0 : i32
      %dma_wait3A_93 = tpu.memref_slice %arg8[%dma_wait3A_86, %dma_wait3A_87, %dma_wait3A_92] : memref<2x8x128xi32, #tpu.memory_space<vmem>> -> memref<1x1x128xi32, #tpu.memory_space<vmem>>
      %dma_wait3A_94 = tpu.memref_squeeze %dma_wait3A_93 : memref<1x1x128xi32, #tpu.memory_space<vmem>> -> memref<128xi32, #tpu.memory_space<vmem>>
      %dma_wait3A_95 = arith.constant 0 : i32
      %dma_wait3A_96 = arith.constant 0 : i32
      %dma_wait3A_97 = tpu.memref_slice %arg10[%dma_wait3A_95, %dma_wait3A_96] : memref<10112x128xf32, #tpu.memory_space<vmem_shared>> -> memref<10112x128xf32, #tpu.memory_space<vmem_shared>>
      tpu.wait_indirect_dma semaphore(%arg14 : memref<!tpu.dma_semaphore, #tpu.memory_space<semaphore_mem>>) src(%dma_wait3A_91 : memref<128x128xf32, #tpu.memory_space<vmem>>) dst(%dma_wait3A_97 : memref<10112x128xf32, #tpu.memory_space<vmem_shared>>)
    } else {
    }
    %barrier3A_81 = arith.constant 0 : index
    tpu.barrier barrier_id(%barrier3A_81)
    %mul3A_82 = arith.constant 632 : i32
    %mul3A_83 = arith.muli %arg1, %mul3A_82 : i32
    %mul3A_84 = arith.constant 632 : i32
    %mul3A_85 = arith.muli %arg1, %mul3A_84 : i32
    "tpu.region"() ({
      %run_scoped3A_86 = tpu.sem_alloc : memref<!tpu.dma_semaphore, #tpu.memory_space<semaphore_mem>>
      %dma_start3A_87 = arith.constant 0 : i32
      %dma_start3A_88 = tpu.memref_slice %arg6[%arg0, %mul3A_85, %dma_start3A_87] : memref<2x10112x128xf32, #tpu.memory_space<hbm>> -> memref<1x632x128xf32, #tpu.memory_space<hbm>>
      %dma_start3A_89 = tpu.memref_squeeze %dma_start3A_88 : memref<1x632x128xf32, #tpu.memory_space<hbm>> -> memref<632x128xf32, #tpu.memory_space<hbm>>
      %dma_start3A_90 = arith.constant 0 : i32
      %dma_start3A_91 = tpu.memref_slice %arg10[%mul3A_83, %dma_start3A_90] : memref<10112x128xf32, #tpu.memory_space<vmem_shared>> -> memref<632x128xf32, #tpu.memory_space<vmem_shared>>
      tpu.enqueue_dma source(%dma_start3A_91 : memref<632x128xf32, #tpu.memory_space<vmem_shared>>) target(%dma_start3A_89 : memref<632x128xf32, #tpu.memory_space<hbm>>) target_semaphore(%run_scoped3A_86 : memref<!tpu.dma_semaphore, #tpu.memory_space<semaphore_mem>>)
      %dma_wait3A = arith.constant 0 : i32
      %dma_wait3A_92 = tpu.memref_slice %arg6[%arg0, %mul3A_85, %dma_wait3A] : memref<2x10112x128xf32, #tpu.memory_space<hbm>> -> memref<1x632x128xf32, #tpu.memory_space<hbm>>
      %dma_wait3A_93 = tpu.memref_squeeze %dma_wait3A_92 : memref<1x632x128xf32, #tpu.memory_space<hbm>> -> memref<632x128xf32, #tpu.memory_space<hbm>>
      %dma_wait3A_94 = arith.constant 0 : i32
      %dma_wait3A_95 = tpu.memref_slice %arg10[%mul3A_83, %dma_wait3A_94] : memref<10112x128xf32, #tpu.memory_space<vmem_shared>> -> memref<632x128xf32, #tpu.memory_space<vmem_shared>>
      tpu.wait_dma2 semaphore(%run_scoped3A_86 : memref<!tpu.dma_semaphore, #tpu.memory_space<semaphore_mem>>) src(%dma_wait3A_95 : memref<632x128xf32, #tpu.memory_space<vmem_shared>>) dst(%dma_wait3A_93 : memref<632x128xf32, #tpu.memory_space<hbm>>)
      tpu.yield
    }) : () -> ()
    return
  }
}

module attributes {stable_mosaic.version = 14 : i64} {
  func.func @_tc_prep_body(%arg0: memref<10000x128xf32, #tpu.memory_space<vmem>>, %arg1: memref<128x128xf32, #tpu.memory_space<vmem>>, %arg2: memref<32x10112xf32, #tpu.memory_space<vmem>>, %arg3: memref<10000x128xf32, #tpu.memory_space<vmem>>, %arg4: memref<10000x128xf32, #tpu.memory_space<vmem>>, %arg5: memref<10000x1xf32, #tpu.memory_space<vmem>>) attributes {dimension_semantics = [], scalar_prefetch = 0 : i64, scratch_operands = 0 : i64, tpu.core_type = #tpu.core_type<tc>} {
    %get3A = arith.constant 0 : index
    %get3A_0 = arith.constant 0 : index
    %get3A_1 = vector.load %arg2[%get3A, %get3A_0] : memref<32x10112xf32, #tpu.memory_space<vmem>>, vector<32x10112xf32>
    %reduce_sum3A = arith.constant dense<0.000000e+00> : vector<10112xf32>
    %reduce_sum3A_2 = vector.multi_reduction <add>, %get3A_1, %reduce_sum3A [0] : vector<32x10112xf32> to vector<10112xf32>
    %slice3A = vector.extract_strided_slice %reduce_sum3A_2 {offsets = [0], sizes = [10000], strides = [1]} : vector<10112xf32> to vector<10000xf32>
    %reshape3A = vector.shape_cast %slice3A : vector<10000xf32> to vector<10000x1xf32>
    %add3A = arith.constant 1.000000e+00 : f32
    %add3A_3 = vector.broadcast %add3A : f32 to vector<10000x1xf32>
    %add3A_4 = arith.addf %reshape3A, %add3A_3 : vector<10000x1xf32>
    %rsqrt3A = math.rsqrt %add3A_4 : vector<10000x1xf32>
    %get3A_5 = arith.constant 0 : index
    %get3A_6 = arith.constant 0 : index
    %get3A_7 = vector.load %arg0[%get3A_5, %get3A_6] : memref<10000x128xf32, #tpu.memory_space<vmem>>, vector<10000x128xf32>
    %get3A_8 = arith.constant 0 : index
    %get3A_9 = arith.constant 0 : index
    %get3A_10 = vector.load %arg1[%get3A_8, %get3A_9] : memref<128x128xf32, #tpu.memory_space<vmem>>, vector<128x128xf32>
    %dot_general3A = arith.constant dense<0.000000e+00> : vector<10000x128xf32>
    %dot_general3A_11 = tpu.matmul %get3A_7, %get3A_10, %dot_general3A {dimension_numbers = #tpu.dot_dimension_numbers<[1], [0], [0], [1], [0, 0, 1, 1], [], []>, transpose_lhs_hint = false} : vector<10000x128xf32>, vector<128x128xf32>, vector<10000x128xf32> -> vector<10000x128xf32>
    %swap3A = arith.constant 0 : index
    %swap3A_12 = arith.constant 0 : index
    %swap3A_13 = vector.load %arg5[%swap3A, %swap3A_12] : memref<10000x1xf32, #tpu.memory_space<vmem>>, vector<10000x1xf32>
    tpu.vector_store %arg5[%swap3A, %swap3A_12], %rsqrt3A {strides = array<i32>} : memref<10000x1xf32, #tpu.memory_space<vmem>>, vector<10000x1xf32>,
    %swap3A_14 = arith.constant 0 : index
    %swap3A_15 = arith.constant 0 : index
    %swap3A_16 = vector.load %arg3[%swap3A_14, %swap3A_15] : memref<10000x128xf32, #tpu.memory_space<vmem>>, vector<10000x128xf32>
    tpu.vector_store %arg3[%swap3A_14, %swap3A_15], %dot_general3A_11 {strides = array<i32>} : memref<10000x128xf32, #tpu.memory_space<vmem>>, vector<10000x128xf32>,
    %mul3A = vector.broadcast %rsqrt3A : vector<10000x1xf32> to vector<10000x128xf32>
    %mul3A_17 = arith.mulf %dot_general3A_11, %mul3A : vector<10000x128xf32>
    %swap3A_18 = arith.constant 0 : index
    %swap3A_19 = arith.constant 0 : index
    %swap3A_20 = vector.load %arg4[%swap3A_18, %swap3A_19] : memref<10000x128xf32, #tpu.memory_space<vmem>>, vector<10000x128xf32>
    tpu.vector_store %arg4[%swap3A_18, %swap3A_19], %mul3A_17 {strides = array<i32>} : memref<10000x128xf32, #tpu.memory_space<vmem>>, vector<10000x128xf32>,
    return
  }
}

module attributes {stable_mosaic.version = 14 : i64} {
  func.func @_tc_mid_body(%arg0: memref<2x10112x128xf32, #tpu.memory_space<vmem>>, %arg1: memref<10000x128xf32, #tpu.memory_space<vmem>>, %arg2: memref<10000x1xf32, #tpu.memory_space<vmem>>, %arg3: memref<1x128xf32, #tpu.memory_space<vmem>>, %arg4: memref<128x128xf32, #tpu.memory_space<vmem>>, %arg5: memref<10000x128xf32, #tpu.memory_space<vmem>>, %arg6: memref<10000x128xf32, #tpu.memory_space<vmem>>) attributes {dimension_semantics = [], scalar_prefetch = 0 : i64, scratch_operands = 0 : i64, tpu.core_type = #tpu.core_type<tc>} {
    %get3A = arith.constant 0 : index
    %get3A_0 = arith.constant 0 : index
    %get3A_1 = vector.load %arg2[%get3A, %get3A_0] : memref<10000x1xf32, #tpu.memory_space<vmem>>, vector<10000x1xf32>
    %get3A_2 = arith.constant 0 : index
    %get3A_3 = arith.constant 0 : index
    %get3A_4 = arith.constant 0 : index
    %get3A_5 = vector.load %arg0[%get3A_2, %get3A_3, %get3A_4] : memref<2x10112x128xf32, #tpu.memory_space<vmem>>, vector<1x10000x128xf32>
    %get3A_6 = vector.shape_cast %get3A_5 : vector<1x10000x128xf32> to vector<10000x128xf32>
    %get3A_7 = arith.constant 1 : index
    %get3A_8 = arith.constant 0 : index
    %get3A_9 = arith.constant 0 : index
    %get3A_10 = vector.load %arg0[%get3A_7, %get3A_8, %get3A_9] : memref<2x10112x128xf32, #tpu.memory_space<vmem>>, vector<1x10000x128xf32>
    %get3A_11 = vector.shape_cast %get3A_10 : vector<1x10000x128xf32> to vector<10000x128xf32>
    %add3A = arith.addf %get3A_6, %get3A_11 : vector<10000x128xf32>
    %get3A_12 = arith.constant 0 : index
    %get3A_13 = arith.constant 0 : index
    %get3A_14 = vector.load %arg1[%get3A_12, %get3A_13] : memref<10000x128xf32, #tpu.memory_space<vmem>>, vector<10000x128xf32>
    %mul3A = vector.broadcast %get3A_1 : vector<10000x1xf32> to vector<10000x128xf32>
    %mul3A_15 = arith.mulf %mul3A, %add3A : vector<10000x128xf32>
    %mul3A_16 = arith.mulf %get3A_1, %get3A_1 : vector<10000x1xf32>
    %mul3A_17 = vector.broadcast %mul3A_16 : vector<10000x1xf32> to vector<10000x128xf32>
    %mul3A_18 = arith.mulf %mul3A_17, %get3A_14 : vector<10000x128xf32>
    %add3A_19 = arith.addf %mul3A_15, %mul3A_18 : vector<10000x128xf32>
    %get3A_20 = arith.constant 0 : index
    %get3A_21 = arith.constant 0 : index
    %get3A_22 = vector.load %arg3[%get3A_20, %get3A_21] : memref<1x128xf32, #tpu.memory_space<vmem>>, vector<1x128xf32>
    %add3A_23 = vector.broadcast %get3A_22 : vector<1x128xf32> to vector<10000x128xf32>
    %add3A_24 = arith.addf %add3A_19, %add3A_23 : vector<10000x128xf32>
    %max3A = arith.constant 0.000000e+00 : f32
    %max3A_25 = vector.broadcast %max3A : f32 to vector<10000x128xf32>
    %max3A_26 = arith.maximumf %add3A_24, %max3A_25 : vector<10000x128xf32>
    %get3A_27 = arith.constant 0 : index
    %get3A_28 = arith.constant 0 : index
    %get3A_29 = vector.load %arg4[%get3A_27, %get3A_28] : memref<128x128xf32, #tpu.memory_space<vmem>>, vector<128x128xf32>
    %dot_general3A = arith.constant dense<0.000000e+00> : vector<10000x128xf32>
    %dot_general3A_30 = tpu.matmul %max3A_26, %get3A_29, %dot_general3A {dimension_numbers = #tpu.dot_dimension_numbers<[1], [0], [0], [1], [0, 0, 1, 1], [], []>, transpose_lhs_hint = false} : vector<10000x128xf32>, vector<128x128xf32>, vector<10000x128xf32> -> vector<10000x128xf32>
    %swap3A = arith.constant 0 : index
    %swap3A_31 = arith.constant 0 : index
    %swap3A_32 = vector.load %arg5[%swap3A, %swap3A_31] : memref<10000x128xf32, #tpu.memory_space<vmem>>, vector<10000x128xf32>
    tpu.vector_store %arg5[%swap3A, %swap3A_31], %dot_general3A_30 {strides = array<i32>} : memref<10000x128xf32, #tpu.memory_space<vmem>>, vector<10000x128xf32>,
    %mul3A_33 = vector.broadcast %get3A_1 : vector<10000x1xf32> to vector<10000x128xf32>
    %mul3A_34 = arith.mulf %dot_general3A_30, %mul3A_33 : vector<10000x128xf32>
    %swap3A_35 = arith.constant 0 : index
    %swap3A_36 = arith.constant 0 : index
    %swap3A_37 = vector.load %arg6[%swap3A_35, %swap3A_36] : memref<10000x128xf32, #tpu.memory_space<vmem>>, vector<10000x128xf32>
    tpu.vector_store %arg6[%swap3A_35, %swap3A_36], %mul3A_34 {strides = array<i32>} : memref<10000x128xf32, #tpu.memory_space<vmem>>, vector<10000x128xf32>,
    return
  }
}

module attributes {stable_mosaic.version = 14 : i64} {
  func.func @_tc_fin_body(%arg0: memref<2x10112x128xf32, #tpu.memory_space<vmem>>, %arg1: memref<10000x128xf32, #tpu.memory_space<vmem>>, %arg2: memref<10000x1xf32, #tpu.memory_space<vmem>>, %arg3: memref<1x128xf32, #tpu.memory_space<vmem>>, %arg4: memref<1x10000xi32, #tpu.memory_space<vmem>>, %arg5: memref<128x64xf32, #tpu.memory_space<vmem>>, %arg6: memref<1x64xf32, #tpu.memory_space<vmem>>, %arg7: memref<64x64xf32, #tpu.memory_space<vmem>>) attributes {dimension_semantics = [], scalar_prefetch = 0 : i64, scratch_operands = 0 : i64, tpu.core_type = #tpu.core_type<tc>} {
    %get3A = arith.constant 0 : index
    %get3A_0 = arith.constant 0 : index
    %get3A_1 = vector.load %arg2[%get3A, %get3A_0] : memref<10000x1xf32, #tpu.memory_space<vmem>>, vector<10000x1xf32>
    %get3A_2 = arith.constant 0 : index
    %get3A_3 = arith.constant 0 : index
    %get3A_4 = arith.constant 0 : index
    %get3A_5 = vector.load %arg0[%get3A_2, %get3A_3, %get3A_4] : memref<2x10112x128xf32, #tpu.memory_space<vmem>>, vector<1x10000x128xf32>
    %get3A_6 = vector.shape_cast %get3A_5 : vector<1x10000x128xf32> to vector<10000x128xf32>
    %get3A_7 = arith.constant 1 : index
    %get3A_8 = arith.constant 0 : index
    %get3A_9 = arith.constant 0 : index
    %get3A_10 = vector.load %arg0[%get3A_7, %get3A_8, %get3A_9] : memref<2x10112x128xf32, #tpu.memory_space<vmem>>, vector<1x10000x128xf32>
    %get3A_11 = vector.shape_cast %get3A_10 : vector<1x10000x128xf32> to vector<10000x128xf32>
    %add3A = arith.addf %get3A_6, %get3A_11 : vector<10000x128xf32>
    %get3A_12 = arith.constant 0 : index
    %get3A_13 = arith.constant 0 : index
    %get3A_14 = vector.load %arg1[%get3A_12, %get3A_13] : memref<10000x128xf32, #tpu.memory_space<vmem>>, vector<10000x128xf32>
    %mul3A = vector.broadcast %get3A_1 : vector<10000x1xf32> to vector<10000x128xf32>
    %mul3A_15 = arith.mulf %mul3A, %add3A : vector<10000x128xf32>
    %mul3A_16 = arith.mulf %get3A_1, %get3A_1 : vector<10000x1xf32>
    %mul3A_17 = vector.broadcast %mul3A_16 : vector<10000x1xf32> to vector<10000x128xf32>
    %mul3A_18 = arith.mulf %mul3A_17, %get3A_14 : vector<10000x128xf32>
    %add3A_19 = arith.addf %mul3A_15, %mul3A_18 : vector<10000x128xf32>
    %get3A_20 = arith.constant 0 : index
    %get3A_21 = arith.constant 0 : index
    %get3A_22 = vector.load %arg3[%get3A_20, %get3A_21] : memref<1x128xf32, #tpu.memory_space<vmem>>, vector<1x128xf32>
    %add3A_23 = vector.broadcast %get3A_22 : vector<1x128xf32> to vector<10000x128xf32>
    %add3A_24 = arith.addf %add3A_19, %add3A_23 : vector<10000x128xf32>
    %max3A = arith.constant 0.000000e+00 : f32
    %max3A_25 = vector.broadcast %max3A : f32 to vector<10000x128xf32>
    %max3A_26 = arith.maximumf %add3A_24, %max3A_25 : vector<10000x128xf32>
    %iota3A = tpu.iota {dimensions = array<i32: 0>} : vector<64x10000xi32>
    %get3A_27 = arith.constant 0 : index
    %get3A_28 = arith.constant 0 : index
    %get3A_29 = vector.load %arg4[%get3A_27, %get3A_28] : memref<1x10000xi32, #tpu.memory_space<vmem>>, vector<1x10000xi32>
    %eq3A = vector.broadcast %get3A_29 : vector<1x10000xi32> to vector<64x10000xi32>
    %eq3A_30 = arith.cmpi eq, %eq3A, %iota3A : vector<64x10000xi32>
    %convert_element_type3A = arith.extui %eq3A_30 : vector<64x10000xi1> to vector<64x10000xi32>
    %convert_element_type3A_31 = arith.sitofp %convert_element_type3A : vector<64x10000xi32> to vector<64x10000xf32>
    %dot_general3A = arith.constant dense<0.000000e+00> : vector<64x128xf32>
    %dot_general3A_32 = tpu.matmul %convert_element_type3A_31, %max3A_26, %dot_general3A {dimension_numbers = #tpu.dot_dimension_numbers<[1], [0], [0], [1], [0, 0, 1, 1], [], []>, transpose_lhs_hint = false} : vector<64x10000xf32>, vector<10000x128xf32>, vector<64x128xf32> -> vector<64x128xf32>
    %reduce_sum3A = arith.constant dense<0.000000e+00> : vector<64xf32>
    %reduce_sum3A_33 = vector.multi_reduction <add>, %convert_element_type3A_31, %reduce_sum3A [1] : vector<64x10000xf32> to vector<64xf32>
    %broadcast_in_dim3A = vector.shape_cast %reduce_sum3A_33 : vector<64xf32> to vector<64x1xf32>
    %max3A_34 = arith.constant 1.000000e+00 : f32
    %max3A_35 = vector.broadcast %max3A_34 : f32 to vector<64x1xf32>
    %max3A_36 = arith.maximumf %broadcast_in_dim3A, %max3A_35 : vector<64x1xf32>
    %div3A = vector.broadcast %max3A_36 : vector<64x1xf32> to vector<64x128xf32>
    %div3A_37 = arith.divf %dot_general3A_32, %div3A : vector<64x128xf32>
    %get3A_38 = arith.constant 0 : index
    %get3A_39 = arith.constant 0 : index
    %get3A_40 = vector.load %arg5[%get3A_38, %get3A_39] : memref<128x64xf32, #tpu.memory_space<vmem>>, vector<128x64xf32>
    %dot_general3A_41 = arith.constant dense<0.000000e+00> : vector<64x64xf32>
    %dot_general3A_42 = tpu.matmul %div3A_37, %get3A_40, %dot_general3A_41 {dimension_numbers = #tpu.dot_dimension_numbers<[1], [0], [0], [1], [0, 0, 1, 1], [], []>, transpose_lhs_hint = false} : vector<64x128xf32>, vector<128x64xf32>, vector<64x64xf32> -> vector<64x64xf32>
    %get3A_43 = arith.constant 0 : index
    %get3A_44 = arith.constant 0 : index
    %get3A_45 = vector.load %arg6[%get3A_43, %get3A_44] : memref<1x64xf32, #tpu.memory_space<vmem>>, vector<1x64xf32>
    %add3A_46 = vector.broadcast %get3A_45 : vector<1x64xf32> to vector<64x64xf32>
    %add3A_47 = arith.addf %dot_general3A_42, %add3A_46 : vector<64x64xf32>
    %reduce_max3A = arith.constant dense<0xFF800000> : vector<64xf32>
    %reduce_max3A_48 = vector.multi_reduction <maximumf>, %add3A_47, %reduce_max3A [1] : vector<64x64xf32> to vector<64xf32>
    %broadcast_in_dim3A_49 = vector.shape_cast %reduce_max3A_48 : vector<64xf32> to vector<64x1xf32>
    %sub3A = vector.broadcast %broadcast_in_dim3A_49 : vector<64x1xf32> to vector<64x64xf32>
    %sub3A_50 = arith.subf %add3A_47, %sub3A : vector<64x64xf32>
    %exp3A = math.exp %sub3A_50 : vector<64x64xf32>
    %reduce_sum3A_51 = arith.constant dense<0.000000e+00> : vector<64xf32>
    %reduce_sum3A_52 = vector.multi_reduction <add>, %exp3A, %reduce_sum3A_51 [1] : vector<64x64xf32> to vector<64xf32>
    %broadcast_in_dim3A_53 = vector.shape_cast %reduce_sum3A_52 : vector<64xf32> to vector<64x1xf32>
    %log3A = math.log %broadcast_in_dim3A_53 : vector<64x1xf32>
    %sub3A_54 = vector.broadcast %log3A : vector<64x1xf32> to vector<64x64xf32>
    %sub3A_55 = arith.subf %sub3A_50, %sub3A_54 : vector<64x64xf32>
    %swap3A = arith.constant 0 : index
    %swap3A_56 = arith.constant 0 : index
    %swap3A_57 = vector.load %arg7[%swap3A, %swap3A_56] : memref<64x64xf32, #tpu.memory_space<vmem>>, vector<64x64xf32>
    tpu.vector_store %arg7[%swap3A, %swap3A_56], %sub3A_55 {strides = array<i32>} : memref<64x64xf32, #tpu.memory_space<vmem>>, vector<64x64xf32>,
    return
  }
}

</mosaic_0001>

<sc_bundles>
// kernel: kernel.11.cloned.1.call-start
scs
__scs_entry_jumppad:
0x0: {  	(pc) =	sbr.rel $0x88, $3  }
0x1: {  	(tag) =	ssettag $0x0;
	lr =	simm.s32 $0x1  }
0x2: {  	[smem:$0x3F98] =	sst lr;
	_ =	strace $0xD0000000  }
0x3: {  	_ = 	snop  }
0x4: {  	_ = 	snop  }
0x5: {  	_ = 	snop  }
0x6: {  	_ = 	snop  }
0x7: {  	_ = 	snop  }
__scs_overlays_trampoline_lowered:
0x8: {  	[smem:$0x3FA7] =	sst s0  }
0x9: {  	[smem:$0x3FA8] =	sst s1  }
0xa: {  	[smem:$0x3FA9] =	sst s2  }
0xb: {  	[smem:$0x3FAA] =	sst s3  }
0xc: {  	[smem:$0x3FAB] =	sst s4  }
0xd: {  	[smem:$0x3FAC] =	sst s5  }
0xe: {  	[smem:$0x3FAD] =	sst s6  }
0xf: {  	[smem:$0x3FAE] =	sst s7  }
0x10: {  	[smem:$0x3FAF] =	sst s8  }
0x11: {  	[smem:$0x3FB0] =	sst s9;
	s0 =	simm.s32 @!p0 $0x0  }
0x12: {  	s1 =	sld [smem:$0x3F96];
	s0 =	simm.s32 @p0 $0x1  }
0x13: {  	[smem:$0x3FB1] =	sst s0;
	s0 =	simm.s32 @!p1 $0x0  }
0x14: {  	s2 =	sld [smem:$0x3F95];
	s0 =	simm.s32 @p1 $0x1  }
0x15: {  	[smem:$0x3FB2] =	sst s0;
	s0 =	simm.s32 @!p2 $0x0  }
0x16: {  	s3 =	sld [smem:$0x3FDB];
	s0 =	simm.s32 @p2 $0x1  }
0x17: {  	s4 =	simm.s32 $0x1BF5;
	[smem:$0x3FB4] =	sst s0  }
0x18: {  	s0 =	sld [smem:$0x3F97];
	_ =	swait.ge [sflag:s4], $0x0  }
0x19: {  	s7 =	sld [smem:$0x3F98]  }
0x1a: {  	s8 =	sadd.s32 $0xFFFFE003, lr  }
0x1b: {  	s9 =	sadd.s32 $0xFFFFFEF7, lr;
	s5 =	simm.s32 $0xFFFFFFFF;
	p2 =	slt.u32 s8, $0xFFFFF086  }
0x1c: {  	p1 =	slt.u32 s9, $0xF7A;
	s5 =	simm.s32 @!p2 $0x0  }
0x1d: {  	s5 =	simm.s32 @p1 $0x1;
	p0 =	seq.s32 s7, s2  }
0x1e: {  	s7 =	smul.u32 @!p0 $0xF7A, s2;
	p2 =	seq.s32 @!p0 s5, $0x0  }
0x1f: {  	s9 =	smul.u32 $0xF7A, s1;
	s8 =	simm.s32 @!p0 $0x1BF5;
	p2 =	por !p2, p0  }
0x20: {  	[sflag:s8] =	ssyncset.s32 @!p0 $0xFFFFF086;
	s6 =	sadd.s32 @!p0 s3, s7;
	s7 =	simm.s32 @!p0 $0x108  }
0x21: {  	s3 =	sadd.s32 s3, s9;
	s6 =	sadd.s32 @!p0 $0x88, s6;
	s7 =	simm.s32 @p2 $0x1082  }
0x22: {  	[simem:s7], [sflag:s8] =	dma.local @!p0 [hbm:s6], $0xF7A  }
0x23: {  	s9 =	sor.u32 $0xD0000000, s2;
	s6 =	simm.s32 $0x108;
	_ =	swait.ge @!p0 [sflag:s8], $0x0  }
0x24: {  	s3 =	sadd.s32 $0x88, s3;
	s6 =	simm.s32 @!p1 $0x1082;
	[sflag:s4] =	ssyncset.s32 $0xFFFFF086  }
0x25: {  	[simem:s6], [sflag:s4] =	dma.local [hbm:s3], $0xF7A  }
0x26: {  	[smem:$0x3F98] =	sst s1;
	(tag) =	ssettag s2;
	_ =	strace s9  }
0x27: {  	s1 =	sld [smem:$0x3FA8]  }
0x28: {  	s2 =	sld [smem:$0x3FA9]  }
0x29: {  	s4 =	sld [smem:$0x3FAB]  }
0x2a: {  	p0 =	seq.s32 s5, $0x0;
	s5 =	sld [smem:$0x3FAC]  }
0x2b: {  	s6 =	sld [smem:$0x3FAD]  }
0x2c: {  	s7 =	sld [smem:$0x3FAE]  }
0x2d: {  	s3 =	simm.s32 $0x108;
	s8 =	sld [smem:$0x3FAF]  }
0x2e: {  	s3 =	simm.s32 @!p0 $0x1082;
	s9 =	sld [smem:$0x3FB0]  }
0x2f: {  	lr =	sadd.s32 s0, s3;
	s0 =	sld [smem:$0x3FA7]  }
0x30: {  	s3 =	sld [smem:$0x3FAA]  }
0x31: {  	[smem:$0x3FB3] =	sst s10  }
0x32: {  	s10 =	sld [smem:$0x3FB1];
	_ =	sdelay $0x3  }
0x33: {  	p0 =	seq.s32 s10, $0x1;
	s10 =	sld [smem:$0x3FB3];
	_ =	sdelay $0x3  }
0x34: {  	[smem:$0x3FB3] =	sst s10  }
0x35: {  	s10 =	sld [smem:$0x3FB2];
	_ =	sdelay $0x3  }
0x36: {  	p1 =	seq.s32 s10, $0x1;
	s10 =	sld [smem:$0x3FB3];
	_ =	sdelay $0x3  }
0x37: {  	[smem:$0x3FB3] =	sst s10  }
0x38: {  	s10 =	sld [smem:$0x3FB4]  }
0x39: {  	_ = 	snop;
	(pc) =	sbr.ind lr, $3  }
0x3a: {  	_ = 	snop  }
0x3b: {  	_ = 	snop  }
0x3c: {  	p2 =	seq.s32 s10, $0x1;
	s10 =	sld [smem:$0x3FB3]  }
0x3d: {  	_ =	shalt  }
0x3e: {  	_ =	shalt  }
0x3f: {  	_ =	shalt  }
0x40: {  	_ =	shalt  }
0x41: {  	_ =	shalt  }
0x42: {  	_ =	shalt  }
0x43: {  	_ =	shalt  }
0x44: {  	_ =	shalt  }
0x45: {  	_ =	shalt  }
0x46: {  	_ =	shalt  }
0x47: {  	_ =	shalt  }
0x48: {  	_ =	shalt  }
0x49: {  	_ =	shalt  }
0x4a: {  	_ =	shalt  }
0x4b: {  	_ =	shalt  }
0x4c: {  	_ =	shalt  }
0x4d: {  	_ =	shalt  }
0x4e: {  	_ =	shalt  }
0x4f: {  	_ =	shalt  }
0x50: {  	_ =	shalt  }
0x51: {  	_ =	shalt  }
0x52: {  	_ =	shalt  }
0x53: {  	_ =	shalt  }
0x54: {  	_ =	shalt  }
0x55: {  	_ =	shalt  }
0x56: {  	_ =	shalt  }
0x57: {  	_ =	shalt  }
0x58: {  	_ =	shalt  }
0x59: {  	_ =	shalt  }
0x5a: {  	_ =	shalt  }
0x5b: {  	_ =	shalt  }
0x5c: {  	_ =	shalt  }
0x5d: {  	_ =	shalt  }
0x5e: {  	_ =	shalt  }
0x5f: {  	_ =	shalt  }
0x60: {  	_ =	shalt  }
0x61: {  	_ =	shalt  }
0x62: {  	_ =	shalt  }
0x63: {  	_ =	shalt  }
0x64: {  	_ =	shalt  }
0x65: {  	_ =	shalt  }
0x66: {  	_ =	shalt  }
0x67: {  	_ =	shalt  }
0x68: {  	_ =	shalt  }
0x69: {  	_ =	shalt  }
0x6a: {  	_ =	shalt  }
0x6b: {  	_ =	shalt  }
0x6c: {  	_ =	shalt  }
0x6d: {  	_ =	shalt  }
0x6e: {  	_ =	shalt  }
0x6f: {  	_ =	shalt  }
0x70: {  	_ =	shalt  }
0x71: {  	_ =	shalt  }
0x72: {  	_ =	shalt  }
0x73: {  	_ =	shalt  }
0x74: {  	_ =	shalt  }
0x75: {  	_ =	shalt  }
0x76: {  	_ =	shalt  }
0x77: {  	_ =	shalt  }
0x78: {  	_ =	shalt  }
0x79: {  	_ =	shalt  }
0x7a: {  	_ =	shalt  }
0x7b: {  	_ =	shalt  }
0x7c: {  	_ =	shalt  }
0x7d: {  	_ =	shalt  }
0x7e: {  	_ =	shalt  }
0x7f: {  	_ =	shalt  }
0x80: {  	_ =	shalt  }
0x81: {  	_ =	shalt  }
0x82: {  	_ =	shalt  }
0x83: {  	_ =	shalt  }
0x84: {  	_ =	shalt  }
0x85: {  	_ =	shalt  }
0x86: {  	_ =	shalt  }
0x87: {  	_ =	shalt  }
.Lfunc_end0:
.L_simem_size_0:
called_computation.1_lowered:
.L_overlay_start_0:
0x88: {  	s2 =	sld [smem:$0x3FD9]  }
0x89: {  	s3 =	sld [smem:$0x3FFE];
	_ =	sdelay $0x1  }
0x8a: {  	s1 =	srdreg.scid  }
0x8b: {  	s0 =	sand.u32 $0x1, s1  }
0x8c: {  	s16 =	sshll.u32 s0, $0xA;
	s2 =	sadd.s32 s3, s2  }
0x8d: {  	s2 =	sadd.s32 s2, s16  }
0x8e: {  	[smem:$0x3FBF] =	sst s2  }
0x8f: {  	_ = 	snop  }
0x90: {  	(tm) =	ssettm $0x1  }
0x91: {  	s17 =	sld [smem:$0x3FFB];
	_ =	sdelay $0x3  }
0x92: {  	_ =	strace s17  }
0x93: {  	s2 =	sld [smem:$0x3FFC];
	_ =	sdelay $0x3  }
0x94: {  	_ =	strace s2  }
0x95: {  	s2 =	sld [smem:$0x3FFD];
	_ =	sdelay $0x3  }
0x96: {  	_ =	strace s2  }
0x97: {  	_ =	strace $0x8FFFFFFF  }
0x98: {  	s18 =	sld [smem:$0x3FDB];
	_ =	sdelay $0x1  }
0x99: {  	s19 =	simm.s32 $_scs_section_size  }
0x9a: {  	s4 =	simm.s32 $_size__tile_overlayer_lowered;
	s5 =	simm.s32 $_tile_overlayer_lowered  }
0x9b: {  	s22 =	simm.s32 $0x1BFF;
	s21 =	sshll.u32 s5, $0x1;
	s2 =	sadd.s32 s19, s18  }
0x9c: {  	s6 =	simm.s32 $0x0;
	s20 =	sshll.u32 s4, $0x1;
	s4 =	sadd.s32 s21, s2  }
0x9d: {  	[timem:s6], [sflag:s22] =	dma.local [hbm:s4], s20  }
0x9e: {  	_ =	swait.ge [sflag:s22], s20  }
0x9f: {  	s3 =	ssub.s32 $0x0, s20;
	[sflag:s22] =	ssyncset.done $0x0  }
0xa0: {  	[sflag:s22] =	ssyncadd.s32 s3;
	_ =	sdelay $0x1  }
0xa1: {  	s23 =	simm.s32 $0x1B8B  }
0xa2: {  	_ =	swait.ge [sflag:s23], $0x1  }
0xa3: {  	[sflag:s23] =	ssyncset.done $0x0  }
0xa4: {  	s25 =	simm.s32 $0x1B8E;
	s24 =	sld [smem:$0x3FFE];
	[sflag:s23] =	ssyncadd.s32 $0xFFFFFFFF  }
0xa5: {  	s26 =	simm.s32 $execute0_lowered;
	[smem:$0x3FD2] =	sst s25  }
0xa6: {  	s4 =	sshll.u32 s26, $0x1;
	_ =	strace $0x80000049;
	[dreg:$0x1] =	wrdreg $0xFFFFFFFF  }
0xa7: {  	s28 =	simm.s32 $_size_execute0_lowered;
	s2 =	sadd.s32 s2, s4;
	[dreg:$0x0] =	wrdreg $0x0  }
0xa8: {  	s4 =	sshll.u32 s28, $0x1;
	[dreg:$0x2] =	wrdreg s2  }
0xa9: {  	[dreg:$0x3] =	wrdreg s4  }
0xaa: {  	[dreg:$0x4] =	wrdreg $0xC0  }
0xab: {  	_ =	task [dreg:s6], $0x5FFFF  }
0xac: {  	[dreg:$0x1] =	wrdreg $0xFFFFFFFF  }
0xad: {  	[dreg:$0x0] =	wrdreg $0x60  }
0xae: {  	[dreg:$0x2] =	wrdreg s24  }
0xaf: {  	[dreg:$0x3] =	wrdreg $0x90000  }
0xb0: {  	[dreg:$0x4] =	wrdreg $0x9  }
0xb1: {  	_ =	task.clear_ibuf [dreg:s6], $0x5FFFF;
	_ =	strace $0x90000049  }
0xb2: {  	s29 =	simm.s32 $0x9;
	_ =	strace $0x8000004B  }
0xb3: {  	_ =	swait.ge [sflag:s29], $0x1  }
0xb4: {  	[sflag:s29] =	ssyncadd.s32 $0xFFFFFFFF  }
0xb5: {  	_ =	strace $0x9000004B  }
0xb6: {  	_ =	sfence  }
0xb7: {  	s30 =	sld [smem:$0x0];
	_ =	sdelay $0x2  }
0xb8: {  	s31 =	sshll.u32 s1, $0xD;
	s1 =	sshrl.u32 s1, $0x2  }
0xb9: {  	s3 =	sand.u32 $0x4000, s31;
	s1 =	sadd.s32 s1, s30  }
0xba: {  	s0 =	sor.u32 s3, s0;
	s1 =	sshll.u32 s1, $0x11  }
0xbb: {  	s0 =	sor.u32 s1, s0  }
0xbc: {  	s0 =	sadd.s32 $0x8F2B, s0  }
0xbd: {  	[sflag:s0] =	ssyncadd.remote.s32 $0x1  }
0xbe: {  	_ =	sfence.sel $0xFFFF  }
0xbf: {  	[dreg:$0x0] =	wrdreg $0xFFFFFFFF;
	(pc) =	sbr.abs _section_cstart, $3  }
0xc0: {  	[dreg:$0x1] =	wrdreg $0xFFFFFFFF  }
0xc1: {  	_ =	task.clear_ibuf [dreg:s6], $0x2FFFF;
	_ =	strace $0x9FFFFFFF  }
0xc2: {  	(tm) =	ssettm $0x7FFFFFFF  }
0xc3: {  	_ =	shalt  }
tec
execute0_lowered:
.L_overlay_start_1:
0x0: {  	(tag) =	ssettag $0x1  }
0x1: {  	s0 =	rddreg [dreg:$0x0]  }
0x2: {  	s1 =	rddreg [dreg:$0x1]  }
0x3: {  	s2 =	srdreg.scid;
	s3 =	simm.s32 $0x0;
	s13 =	stileid.u32  }
0x4: {  	s17 =	simm.s32 $0x6;
	s28 =	simm.s32 $0x1;
	s29 =	simm.s32 $0x0  }
0x5: {  	s2 =	sand.u32 $0x1, s2;
	[smem:$0x7FF] =	sst s3;
	s8 =	smul.u32 $0x13C00, s13  }
0x6: {  	s4 =	sadd.s32 $0x16800, s0;
	s5 =	sadd.s32 $0x2800, s0;
	s11 =	smul.u32 $0x4C00, s13  }
0x7: {  	s6 =	sadd.s32 $0xC800, s0;
	s9 =	sadd.s32 $0x3DA00, s0;
	s15 =	smul.u32 $0x4F000, s13  }
0x8: {  	s21 =	sshll.u32 s13, $0x3;
	s31 =	sshll.u32 s13, $0x6;
	s7 =	smul.u32 $0x13C000, s2  }
0x9: {  	_ =	strace $0x8000004A;
	[dreg:$0x3] =	wrdreg s9;
	s10 =	ssub.s32 $0x2, s2  }
0xa: {  	p0 =	seq.s32 s2, $0x0;
	s14 =	sor.u32 $0x980, s21;
	s9 =	simm.s32 $0x13  }
0xb: {  	s19 =	sor.u32 $0x1C06, s31;
	s21 =	simm.s32 $0x80;
	s22 =	sshrl.u32 s10, $0x1  }
0xc: {  	s9 =	simm.s32 @!p0 $0x1;
	s12 =	sshrl.u32 s11, $0x3;
	s7 =	sadd.s32 s8, s7  }
0xd: {  	s8 =	smul.u32 $0x98, s13;
	s25 =	sadd.s32 $0x80, s12;
	s7 =	sshrl.u32 s7, $0x3  }
0xe: {  	s30 =	sshrl.u32 s15, $0x2;
	s26 =	sadd.s32 s5, s25;
	s0 =	sadd.s32 s7, s0  }
0xf: {  	s14 =	smov.u32 @p0 s8;
	s8 =	simm.s32 $0x98;
	s7 =	ssub.s32 s10, s22  }
0x10: {  	[dreg:$0x6] =	wrdreg s26;
	s22 =	simm.s32 $0x1000;
	s26 =	simm.s32 $0x4  }
0x11: {  	s8 =	simm.s32 @!p0 $0x8;
	s23 =	sshll.u32 s14, $0x4;
	s14 =	sshrl.u32 s14, $0x3  }
.Ltmp0:
0x12: {  	s15 =	sadd.s32 $0x40200, s0;
	s24 =	sadd.s32 s5, s23;
	(pc) =	sbr.rel .LBB2_1-.Ltmp0, $4  }
0x13: {  	s16 =	smax.u32 s7, $0x1;
	s10 =	sadd.s32 s6, s23;
	[dreg:$0x4] =	wrdreg s24  }
0x14: {  	p0 =	sne.s32 s2, $0x0;
	[dreg:$0x5] =	wrdreg s10;
	s10 =	sadd.s32 s6, s25  }
0x15: {  	s23 =	simm.s32 $0x2;
	[dreg:$0x7] =	wrdreg s10;
	s10 =	sadd.s32 s30, s1  }
0x16: {  	s24 =	simm.s32 $0x5000;
	s25 =	simm.s32 $0x3;
	s20 =	sshrl.u32 s10, $0x3  }
.LBB2_9:
0x17: {  	_ =	swait.ge [sflag:s26], $0x4000  }
0x18: {  	s29 =	sadd.s32 $0x1, s29;
	[sflag:s26] =	ssyncset.done $0x0  }
0x19: {  	p1 =	sne.s32 s29, s16;
	[sflag:s26] =	ssyncadd.s32 $0xFFFFC000  }
.Ltmp1:
0x1a: {  	[bflag:$0x0] =	sbarrier.arrive $0xFFFF;
	(pc) =	sbr.rel @!p1 .LBB2_10-.Ltmp1, $4  }
0x1b: {  	[hbm:s15], [sflag:s19] =	dma.local [spmem:s20], $0x2780  }
0x1c: {  	_ =	swait.ge [sflag:s17], $0x2780  }
0x1d: {  	[sflag:s17] =	ssyncset.done $0x0  }
0x1e: {  	[sflag:s17] =	ssyncadd.s32 $0xFFFFD880  }
.LBB2_1:
0x1f: {  	s0 =	rddreg [dreg:$0x4]  }
0x20: {  	[tilespmem:s3], [sflag:$0x6] =	stream.linear.gather [hbm4b:s0+s3], $0x400, $0x38;
	[tilespmem:$0x1CC00] =	vst v63  }
0x21: {  	_ =	swait.ge [sflag:s17], $0x400  }
0x22: {  	[sflag:s17] =	ssyncset.done $0x0  }
0x23: {  	s2 =	simm.s32 $0x800;
	s30 =	rddreg [dreg:$0x5];
	[sflag:s17] =	ssyncadd.s32 $0xFFFFFC00  }
0x24: {  	[tilespmem:s2], [sflag:$0x6] =	stream.linear.gather [hbm4b:s30+s3], $0x400, $0x38;
	[tilespmem:$0x1CC00] =	vst v63  }
0x25: {  	_ =	swait.ge [sflag:s17], $0x400  }
0x26: {  	s0 =	simm.s32 @!p0 $0x0;
	[sflag:s17] =	ssyncset.done $0x0;
	s7 =	rddreg [dreg:$0x6]  }
0x27: {  	s2 =	simm.s32 @!p0 $0x400;
	s31 =	rddreg [dreg:$0x3];
	[sflag:s17] =	ssyncadd.s32 $0xFFFFFC00  }
0x28: {  	[tilespmem:s2], [sflag:$0x5] =	stream.linear.gather @!p0 [hbm4b:s7+s0], $0x400, $0x38;
	[tilespmem:$0x1CC00] =	vst v63  }
0x29: {  	s2 =	simm.s32 @!p0 $0xC00;
	s7 =	rddreg [dreg:$0x7]  }
0x2a: {  	[tilespmem:s2], [sflag:$0x5] =	stream.linear.gather @!p0 [hbm4b:s7+s0], $0x400, $0x38;
	[tilespmem:$0x1CC00] =	vst v63  }
0x2b: {  	[spmem:s20], [sflag:s19] =	dma.local [hbm:s31], $0x2780  }
.Ltmp2:
0x2c: {  	_ =	swait.ge [sflag:s17], $0x2780;
	(pc) =	sbr.rel .LBB2_2-.Ltmp2, $4  }
0x2d: {  	[sflag:s17] =	ssyncset.done $0x0  }
0x2e: {  	[sflag:s17] =	ssyncadd.s32 $0xFFFFD880  }
0x2f: {  	s10 =	simm.s32 $0x0;
	[bflag:$0x0] =	sbarrier.arrive $0xFFFF  }
0x30: {  	[tilespmem:s22], [sflag:$0x1] =	stream.indirect.gather [hbm4b:s4+s21], $0x80, s3, s21, $0xb8;
	[tilespmem:$0x1CC00] =	vst v63  }
.LBB2_6:
0x31: {  	p1 =	sne.s32 s31, $0x7  }
0x32: {  	p2 =	sge.u32 @!p1 s0, s9  }
0x33: {  	p1 =	por p2, p1  }
0x34: {  	s0 =	simm.s32 @!p1 $0x5  }
0x35: {  	_ =	swait.ge @!p1 [sflag:s0], $0x400  }
0x36: {  	[sflag:s0] =	ssyncset.done @!p1 $0x0  }
0x37: {  	[sflag:s0] =	ssyncadd.s32 @!p1 $0xFFFFFC00  }
0x38: {  	_ =	swait.ge @!p1 [sflag:s0], $0x400  }
0x39: {  	[sflag:s0] =	ssyncset.done @!p1 $0x0  }
0x3a: {  	[sflag:s0] =	ssyncadd.s32 @!p1 $0xFFFFFC00  }
.LBB2_7:
0x3b: {  	s30 =	sadd.s32 $0x1, s10  }
0x3c: {  	p1 =	sge.u32 s30, s8  }
0x3d: {  	s0 =	sshll.u32 @!p1 s30, $0x7  }
0x3e: {  	s2 =	simm.s32 @!p1 $0x80;
	s7 =	simm.s32 @!p1 $0x1000;
	s0 =	sand.u32 @!p1 $0x780, s0  }
0x3f: {  	[tilespmem:s7], [sflag:$0x1] =	stream.indirect.gather @!p1 [hbm4b:s4+s2], $0x80, s0, s2, $0xb8;
	[tilespmem:$0x1CC00] =	vst v63  }
.LBB2_8:
0x40: {  	p1 =	sne.s32 s30, s8  }
.Ltmp3:
0x41: {  	_ = 	snop;
	(pc) =	sbr.rel @!p1 .LBB2_9-.Ltmp3, $2  }
0x42: {  	_ =	sdelay $0x2  }
0x43: {  	s10 =	smov.u32 s30  }
.LBB2_2:
0x44: {  	s2 =	sand.u32 $0x1, s10  }
0x45: {  	p1 =	seq.s32 s2, $0x0  }
.Ltmp4:
0x46: {  	_ = 	snop;
	(pc) =	sbr.rel @!p1 .LBB2_4-.Ltmp4, $4  }
0x47: {  	_ = 	snop  }
0x48: {  	s0 =	sshrl.u32 s10, $0x3  }
0x49: {  	s31 =	sand.u32 $0x7, s10;
	s7 =	sand.u32 $0x1, s0;
	s0 =	sadd.s32 $0x1, s0  }
0x4a: {  	s18 =	sshll.u32 s31, $0x9;
	s2 =	sand.u32 $0x1, s0;
	s7 =	sshll.u32 s7, $0xC  }
0x4b: {  	_ =	swait.ge [sflag:s28], $0x4000;
	s30 =	sor.u32 s18, s7;
	p2 =	seq.s32 s10, $0x0  }
0x4c: {  	[sflag:s28] =	ssyncset.done $0x0;
	s30 =	sshrl.u32 s30, $0x2;
	p3 =	sne.s32 @!p2 s31, $0x0  }
0x4d: {  	[sflag:s28] =	ssyncadd.s32 $0xFFFFC000;
	s30 =	sor.u32 $0x800, s30;
	p4 =	por p3, p2  }
0x4e: {  	[spmem:s1] =	stream.indirect.scatter.add.f32 [tilespmem:s22], [sflag:$0x3], $0x80, s30, s21, $0xb8;
	[tilespmem:$0x1CC00] =	vst v63  }
0x4f: {  	p4 =	sge.u32 @!p4 s0, s9  }
0x50: {  	p3 =	por @!p2 p4, p3  }
0x51: {  	s30 =	simm.s32 @!p2 $0x4;
	p3 =	por p3, p2  }
0x52: {  	_ =	swait.ge @!p2 [sflag:s30], $0x4000;
	s11 =	sadd.s32 @!p3 s14, s0  }
0x53: {  	[sflag:s30] =	ssyncset.done @!p2 $0x0;
	s11 =	sshll.u32 @!p3 s11, $0x7  }
0x54: {  	[sflag:s30] =	ssyncadd.s32 @!p2 $0xFFFFC000;
	s11 =	sand.u32 @!p3 $0x1FFFFF80, s11  }
0x55: {  	s30 =	sshll.u32 @!p3 s2, $0xA;
	s13 =	simm.s32 @!p3 $0x0;
	s12 =	sadd.s32 @!p3 s5, s11  }
0x56: {  	[tilespmem:s30], [sflag:$0x5] =	stream.linear.gather @!p3 [hbm4b:s12+s13], $0x400, $0x38;
	[tilespmem:$0x1CC00] =	vst v63  }
0x57: {  	s12 =	sor.u32 @!p3 $0x800, s30;
	s30 =	sor.u32 $0x1, s10  }
.Ltmp5:
0x58: {  	s11 =	sadd.s32 @!p3 s6, s11;
	p2 =	sge.u32 s30, s8;
	(pc) =	sbr.rel @p1 .LBB2_8-.Ltmp5, $4  }
0x59: {  	[tilespmem:s12], [sflag:$0x5] =	stream.linear.gather @!p3 [hbm4b:s11+s13], $0x400, $0x38;
	[tilespmem:$0x1CC00] =	vst v63  }
0x5a: {  	s11 =	sshll.u32 @!p2 s30, $0x7  }
0x5b: {  	s12 =	simm.s32 @!p2 $0x80;
	s13 =	simm.s32 @!p2 $0x5000;
	s11 =	sand.u32 @!p2 $0x780, s11  }
0x5c: {  	[tilespmem:s13], [sflag:$0x2] =	stream.indirect.gather @!p2 [hbm4b:s4+s12], $0x80, s11, s12, $0xb8;
	[tilespmem:$0x1CC00] =	vst v63  }
.LBB2_4:
0x5d: {  	p1 =	seq.s32 s10, $0x0  }
0x5e: {  	p2 =	sne.s32 @!p1 s31, $0x0  }
0x5f: {  	_ =	swait.ge [sflag:s23], $0x4000;
	p1 =	por p1, p2  }
0x60: {  	s7 =	sshrl.u32 s7, $0x2;
	s11 =	sshrl.u32 s18, $0x2;
	p2 =	sge.u32 @!p1 s0, s9  }
0x61: {  	[sflag:s23] =	ssyncset.done $0x0;
	s7 =	sadd.s32 s11, s7;
	p1 =	por p1, p2  }
.Ltmp6:
0x62: {  	[sflag:s23] =	ssyncadd.s32 $0xFFFFC000;
	s7 =	sadd.s32 $0x800, s7;
	(pc) =	sbr.rel @p1 .LBB2_6-.Ltmp6, $4  }
0x63: {  	[spmem:s1] =	stream.indirect.scatter.add.f32 [tilespmem:s24], [sflag:$0x4], $0x80, s7, s21, $0xb8;
	[tilespmem:$0x1CC00] =	vst v63  }
0x64: {  	_ =	swait.ge [sflag:s25], $0x4000  }
0x65: {  	[sflag:s25] =	ssyncset.done $0x0  }
0x66: {  	[sflag:s25] =	ssyncadd.s32 $0xFFFFC000  }
0x67: {  	s0 =	sadd.s32 s14, s0  }
0x68: {  	s0 =	sshll.u32 s0, $0x7  }
.Ltmp7:
0x69: {  	s0 =	sand.u32 $0x1FFFFF80, s0;
	(pc) =	sbr.rel .LBB2_7-.Ltmp7, $4  }
0x6a: {  	s2 =	sshll.u32 s2, $0xA;
	s7 =	sadd.s32 s5, s0  }
0x6b: {  	[tilespmem:s2], [sflag:$0x5] =	stream.linear.gather [hbm4b:s7+s3], $0x400, $0x38;
	[tilespmem:$0x1CC00] =	vst v63  }
0x6c: {  	s0 =	sadd.s32 s6, s0;
	s2 =	sor.u32 $0x800, s2  }
0x6d: {  	[tilespmem:s2], [sflag:$0x5] =	stream.linear.gather [hbm4b:s0+s3], $0x400, $0x38;
	[tilespmem:$0x1CC00] =	vst v63  }
.LBB2_10:
0x6e: {  	_ =	sfence.sel $0x180000  }
0x6f: {  	[bflag:$0x0] =	sbarrier.arrive $0xFFFF  }
0x70: {  	_ =	strace $0x9000004A  }
0x71: {  	s0 =	stileid.u32;
	[bflag:$0x2] =	sbarrier.arrive $0xFFFF  }
0x72: {  	p0 =	sne.s32 s0, $0x0;
	s0 =	rddreg [dreg:$0x2]  }
0x73: {  	s0 =	sadd.s32 @!p0 $0x100000, s0  }
0x74: {  	[sflag:s0] =	ssyncadd.tile.s32 @!p0 $0x1;
	_ =	shalt  }
.Lfunc_end2:
_tile_overlayer_lowered:
.L_overlay_start_2:
0x75: {  	(tag) =	ssettag $0x2  }
0x76: {  	s0 =	rddreg [dreg:$0x0];
	s2 =	stileid.u32  }
0x77: {  	s1 =	rddreg [dreg:$0x1];
	p0 =	sne.s32 s2, $0x0  }
0x78: {  	s3 =	rddreg [dreg:$0x2];
	[bflag:$0x3] =	sbarrier.arrive $0xFFFF;
	s2 =	simm.s32 @!p0 $0x1C06  }
0x79: {  	[timem:s3], [sflag:s2] =	dma.local @!p0 [hbm:s0], s1  }
0x7a: {  	s0 =	simm.s32 @!p0 $0x6  }
0x7b: {  	_ =	swait.ge @!p0 [sflag:s0], s1  }
0x7c: {  	s1 =	ssub.s32 @!p0 $0x0, s1;
	[sflag:s0] =	ssyncset.done @!p0 $0x0  }
0x7d: {  	[sflag:s0] =	ssyncadd.s32 @!p0 s1  }
0x7e: {  	[bflag:$0x3] =	sbarrier.arrive $0xFFFF  }
0x7f: {  	_ =	shalt  }

// kernel: kernel.14.cloned.1.call-start
scs
__scs_entry_jumppad:
0x0: {  	(pc) =	sbr.rel $0x88, $3  }
0x1: {  	(tag) =	ssettag $0x0;
	lr =	simm.s32 $0x1  }
0x2: {  	[smem:$0x3F98] =	sst lr;
	_ =	strace $0xD0000000  }
0x3: {  	_ = 	snop  }
0x4: {  	_ = 	snop  }
0x5: {  	_ = 	snop  }
0x6: {  	_ = 	snop  }
0x7: {  	_ = 	snop  }
__scs_overlays_trampoline_lowered:
0x8: {  	[smem:$0x3FA7] =	sst s0  }
0x9: {  	[smem:$0x3FA8] =	sst s1  }
0xa: {  	[smem:$0x3FA9] =	sst s2  }
0xb: {  	[smem:$0x3FAA] =	sst s3  }
0xc: {  	[smem:$0x3FAB] =	sst s4  }
0xd: {  	[smem:$0x3FAC] =	sst s5  }
0xe: {  	[smem:$0x3FAD] =	sst s6  }
0xf: {  	[smem:$0x3FAE] =	sst s7  }
0x10: {  	[smem:$0x3FAF] =	sst s8  }
0x11: {  	[smem:$0x3FB0] =	sst s9;
	s0 =	simm.s32 @!p0 $0x0  }
0x12: {  	s1 =	sld [smem:$0x3F96];
	s0 =	simm.s32 @p0 $0x1  }
0x13: {  	[smem:$0x3FB1] =	sst s0;
	s0 =	simm.s32 @!p1 $0x0  }
0x14: {  	s2 =	sld [smem:$0x3F95];
	s0 =	simm.s32 @p1 $0x1  }
0x15: {  	[smem:$0x3FB2] =	sst s0;
	s0 =	simm.s32 @!p2 $0x0  }
0x16: {  	s3 =	sld [smem:$0x3FDB];
	s0 =	simm.s32 @p2 $0x1  }
0x17: {  	s4 =	simm.s32 $0x1BF5;
	[smem:$0x3FB4] =	sst s0  }
0x18: {  	s0 =	sld [smem:$0x3F97];
	_ =	swait.ge [sflag:s4], $0x0  }
0x19: {  	s7 =	sld [smem:$0x3F98]  }
0x1a: {  	s8 =	sadd.s32 $0xFFFFE003, lr  }
0x1b: {  	s9 =	sadd.s32 $0xFFFFFEF7, lr;
	s5 =	simm.s32 $0xFFFFFFFF;
	p2 =	slt.u32 s8, $0xFFFFF086  }
0x1c: {  	p1 =	slt.u32 s9, $0xF7A;
	s5 =	simm.s32 @!p2 $0x0  }
0x1d: {  	s5 =	simm.s32 @p1 $0x1;
	p0 =	seq.s32 s7, s2  }
0x1e: {  	s7 =	smul.u32 @!p0 $0xF7A, s2;
	p2 =	seq.s32 @!p0 s5, $0x0  }
0x1f: {  	s9 =	smul.u32 $0xF7A, s1;
	s8 =	simm.s32 @!p0 $0x1BF5;
	p2 =	por !p2, p0  }
0x20: {  	[sflag:s8] =	ssyncset.s32 @!p0 $0xFFFFF086;
	s6 =	sadd.s32 @!p0 s3, s7;
	s7 =	simm.s32 @!p0 $0x108  }
0x21: {  	s3 =	sadd.s32 s3, s9;
	s6 =	sadd.s32 @!p0 $0x88, s6;
	s7 =	simm.s32 @p2 $0x1082  }
0x22: {  	[simem:s7], [sflag:s8] =	dma.local @!p0 [hbm:s6], $0xF7A  }
0x23: {  	s9 =	sor.u32 $0xD0000000, s2;
	s6 =	simm.s32 $0x108;
	_ =	swait.ge @!p0 [sflag:s8], $0x0  }
0x24: {  	s3 =	sadd.s32 $0x88, s3;
	s6 =	simm.s32 @!p1 $0x1082;
	[sflag:s4] =	ssyncset.s32 $0xFFFFF086  }
0x25: {  	[simem:s6], [sflag:s4] =	dma.local [hbm:s3], $0xF7A  }
0x26: {  	[smem:$0x3F98] =	sst s1;
	(tag) =	ssettag s2;
	_ =	strace s9  }
0x27: {  	s1 =	sld [smem:$0x3FA8]  }
0x28: {  	s2 =	sld [smem:$0x3FA9]  }
0x29: {  	s4 =	sld [smem:$0x3FAB]  }
0x2a: {  	p0 =	seq.s32 s5, $0x0;
	s5 =	sld [smem:$0x3FAC]  }
0x2b: {  	s6 =	sld [smem:$0x3FAD]  }
0x2c: {  	s7 =	sld [smem:$0x3FAE]  }
0x2d: {  	s3 =	simm.s32 $0x108;
	s8 =	sld [smem:$0x3FAF]  }
0x2e: {  	s3 =	simm.s32 @!p0 $0x1082;
	s9 =	sld [smem:$0x3FB0]  }
0x2f: {  	lr =	sadd.s32 s0, s3;
	s0 =	sld [smem:$0x3FA7]  }
0x30: {  	s3 =	sld [smem:$0x3FAA]  }
0x31: {  	[smem:$0x3FB3] =	sst s10  }
0x32: {  	s10 =	sld [smem:$0x3FB1];
	_ =	sdelay $0x3  }
0x33: {  	p0 =	seq.s32 s10, $0x1;
	s10 =	sld [smem:$0x3FB3];
	_ =	sdelay $0x3  }
0x34: {  	[smem:$0x3FB3] =	sst s10  }
0x35: {  	s10 =	sld [smem:$0x3FB2];
	_ =	sdelay $0x3  }
0x36: {  	p1 =	seq.s32 s10, $0x1;
	s10 =	sld [smem:$0x3FB3];
	_ =	sdelay $0x3  }
0x37: {  	[smem:$0x3FB3] =	sst s10  }
0x38: {  	s10 =	sld [smem:$0x3FB4]  }
0x39: {  	_ = 	snop;
	(pc) =	sbr.ind lr, $3  }
0x3a: {  	_ = 	snop  }
0x3b: {  	_ = 	snop  }
0x3c: {  	p2 =	seq.s32 s10, $0x1;
	s10 =	sld [smem:$0x3FB3]  }
0x3d: {  	_ =	shalt  }
0x3e: {  	_ =	shalt  }
0x3f: {  	_ =	shalt  }
0x40: {  	_ =	shalt  }
0x41: {  	_ =	shalt  }
0x42: {  	_ =	shalt  }
0x43: {  	_ =	shalt  }
0x44: {  	_ =	shalt  }
0x45: {  	_ =	shalt  }
0x46: {  	_ =	shalt  }
0x47: {  	_ =	shalt  }
0x48: {  	_ =	shalt  }
0x49: {  	_ =	shalt  }
0x4a: {  	_ =	shalt  }
0x4b: {  	_ =	shalt  }
0x4c: {  	_ =	shalt  }
0x4d: {  	_ =	shalt  }
0x4e: {  	_ =	shalt  }
0x4f: {  	_ =	shalt  }
0x50: {  	_ =	shalt  }
0x51: {  	_ =	shalt  }
0x52: {  	_ =	shalt  }
0x53: {  	_ =	shalt  }
0x54: {  	_ =	shalt  }
0x55: {  	_ =	shalt  }
0x56: {  	_ =	shalt  }
0x57: {  	_ =	shalt  }
0x58: {  	_ =	shalt  }
0x59: {  	_ =	shalt  }
0x5a: {  	_ =	shalt  }
0x5b: {  	_ =	shalt  }
0x5c: {  	_ =	shalt  }
0x5d: {  	_ =	shalt  }
0x5e: {  	_ =	shalt  }
0x5f: {  	_ =	shalt  }
0x60: {  	_ =	shalt  }
0x61: {  	_ =	shalt  }
0x62: {  	_ =	shalt  }
0x63: {  	_ =	shalt  }
0x64: {  	_ =	shalt  }
0x65: {  	_ =	shalt  }
0x66: {  	_ =	shalt  }
0x67: {  	_ =	shalt  }
0x68: {  	_ =	shalt  }
0x69: {  	_ =	shalt  }
0x6a: {  	_ =	shalt  }
0x6b: {  	_ =	shalt  }
0x6c: {  	_ =	shalt  }
0x6d: {  	_ =	shalt  }
0x6e: {  	_ =	shalt  }
0x6f: {  	_ =	shalt  }
0x70: {  	_ =	shalt  }
0x71: {  	_ =	shalt  }
0x72: {  	_ =	shalt  }
0x73: {  	_ =	shalt  }
0x74: {  	_ =	shalt  }
0x75: {  	_ =	shalt  }
0x76: {  	_ =	shalt  }
0x77: {  	_ =	shalt  }
0x78: {  	_ =	shalt  }
0x79: {  	_ =	shalt  }
0x7a: {  	_ =	shalt  }
0x7b: {  	_ =	shalt  }
0x7c: {  	_ =	shalt  }
0x7d: {  	_ =	shalt  }
0x7e: {  	_ =	shalt  }
0x7f: {  	_ =	shalt  }
0x80: {  	_ =	shalt  }
0x81: {  	_ =	shalt  }
0x82: {  	_ =	shalt  }
0x83: {  	_ =	shalt  }
0x84: {  	_ =	shalt  }
0x85: {  	_ =	shalt  }
0x86: {  	_ =	shalt  }
0x87: {  	_ =	shalt  }
.Lfunc_end0:
.L_simem_size_0:
called_computation.2_lowered:
.L_overlay_start_0:
0x88: {  	s2 =	sld [smem:$0x3FD9]  }
0x89: {  	s3 =	sld [smem:$0x3FFE];
	_ =	sdelay $0x1  }
0x8a: {  	s1 =	srdreg.scid  }
0x8b: {  	s0 =	sand.u32 $0x1, s1  }
0x8c: {  	s16 =	sshll.u32 s0, $0xA;
	s2 =	sadd.s32 s3, s2  }
0x8d: {  	s2 =	sadd.s32 s2, s16  }
0x8e: {  	[smem:$0x3FBF] =	sst s2  }
0x8f: {  	_ = 	snop  }
0x90: {  	(tm) =	ssettm $0x1  }
0x91: {  	s17 =	sld [smem:$0x3FFB];
	_ =	sdelay $0x3  }
0x92: {  	_ =	strace s17  }
0x93: {  	s2 =	sld [smem:$0x3FFC];
	_ =	sdelay $0x3  }
0x94: {  	_ =	strace s2  }
0x95: {  	s2 =	sld [smem:$0x3FFD];
	_ =	sdelay $0x3  }
0x96: {  	_ =	strace s2  }
0x97: {  	_ =	strace $0x8FFFFFFF  }
0x98: {  	s18 =	sld [smem:$0x3FDB];
	_ =	sdelay $0x1  }
0x99: {  	s19 =	simm.s32 $_scs_section_size  }
0x9a: {  	s4 =	simm.s32 $_size__tile_overlayer_lowered;
	s5 =	simm.s32 $_tile_overlayer_lowered  }
0x9b: {  	s22 =	simm.s32 $0x1BFF;
	s21 =	sshll.u32 s5, $0x1;
	s2 =	sadd.s32 s19, s18  }
0x9c: {  	s6 =	simm.s32 $0x0;
	s20 =	sshll.u32 s4, $0x1;
	s4 =	sadd.s32 s21, s2  }
0x9d: {  	[timem:s6], [sflag:s22] =	dma.local [hbm:s4], s20  }
0x9e: {  	_ =	swait.ge [sflag:s22], s20  }
0x9f: {  	s3 =	ssub.s32 $0x0, s20;
	[sflag:s22] =	ssyncset.done $0x0  }
0xa0: {  	[sflag:s22] =	ssyncadd.s32 s3;
	_ =	sdelay $0x1  }
0xa1: {  	s23 =	simm.s32 $0x1B8B  }
0xa2: {  	_ =	swait.ge [sflag:s23], $0x1  }
0xa3: {  	[sflag:s23] =	ssyncset.done $0x0  }
0xa4: {  	s25 =	simm.s32 $0x1B8E;
	s24 =	sld [smem:$0x3FFE];
	[sflag:s23] =	ssyncadd.s32 $0xFFFFFFFF  }
0xa5: {  	s26 =	simm.s32 $execute0_lowered;
	[smem:$0x3FD2] =	sst s25  }
0xa6: {  	s4 =	sshll.u32 s26, $0x1;
	_ =	strace $0x8000004C;
	[dreg:$0x1] =	wrdreg $0xFFFFFFFF  }
0xa7: {  	s28 =	simm.s32 $_size_execute0_lowered;
	s2 =	sadd.s32 s2, s4;
	[dreg:$0x0] =	wrdreg $0x0  }
0xa8: {  	s4 =	sshll.u32 s28, $0x1;
	[dreg:$0x2] =	wrdreg s2  }
0xa9: {  	[dreg:$0x3] =	wrdreg s4  }
0xaa: {  	[dreg:$0x4] =	wrdreg $0xC0  }
0xab: {  	_ =	task [dreg:s6], $0x5FFFF  }
0xac: {  	[dreg:$0x1] =	wrdreg $0xFFFFFFFF  }
0xad: {  	[dreg:$0x0] =	wrdreg $0x60  }
0xae: {  	[dreg:$0x2] =	wrdreg s24  }
0xaf: {  	[dreg:$0x3] =	wrdreg $0x90000  }
0xb0: {  	[dreg:$0x4] =	wrdreg $0x9  }
0xb1: {  	_ =	task.clear_ibuf [dreg:s6], $0x5FFFF;
	_ =	strace $0x9000004C  }
0xb2: {  	s29 =	simm.s32 $0x9;
	_ =	strace $0x8000004E  }
0xb3: {  	_ =	swait.ge [sflag:s29], $0x1  }
0xb4: {  	[sflag:s29] =	ssyncadd.s32 $0xFFFFFFFF  }
0xb5: {  	_ =	strace $0x9000004E  }
0xb6: {  	_ =	sfence  }
0xb7: {  	s30 =	sld [smem:$0x0];
	_ =	sdelay $0x2  }
0xb8: {  	s31 =	sshll.u32 s1, $0xD;
	s1 =	sshrl.u32 s1, $0x2  }
0xb9: {  	s3 =	sand.u32 $0x4000, s31;
	s1 =	sadd.s32 s1, s30  }
0xba: {  	s0 =	sor.u32 s3, s0;
	s1 =	sshll.u32 s1, $0x11  }
0xbb: {  	s0 =	sor.u32 s1, s0  }
0xbc: {  	s0 =	sadd.s32 $0x8F2B, s0  }
0xbd: {  	[sflag:s0] =	ssyncadd.remote.s32 $0x1  }
0xbe: {  	_ =	sfence.sel $0xFFFF  }
0xbf: {  	[dreg:$0x0] =	wrdreg $0xFFFFFFFF;
	(pc) =	sbr.abs _section_cstart, $3  }
0xc0: {  	[dreg:$0x1] =	wrdreg $0xFFFFFFFF  }
0xc1: {  	_ =	task.clear_ibuf [dreg:s6], $0x2FFFF;
	_ =	strace $0x9FFFFFFF  }
0xc2: {  	(tm) =	ssettm $0x7FFFFFFF  }
0xc3: {  	_ =	shalt  }
tec
execute0_lowered:
.L_overlay_start_1:
0x0: {  	(tag) =	ssettag $0x1  }
0x1: {  	s0 =	rddreg [dreg:$0x0]  }
0x2: {  	s1 =	rddreg [dreg:$0x1]  }
0x3: {  	s2 =	srdreg.scid;
	s3 =	simm.s32 $0x0;
	s13 =	stileid.u32  }
0x4: {  	s17 =	simm.s32 $0x6;
	s28 =	simm.s32 $0x1;
	s29 =	simm.s32 $0x0  }
0x5: {  	s2 =	sand.u32 $0x1, s2;
	[smem:$0x7FF] =	sst s3;
	s8 =	smul.u32 $0x13C00, s13  }
0x6: {  	s4 =	sadd.s32 $0x16800, s0;
	s5 =	sadd.s32 $0x2800, s0;
	s11 =	smul.u32 $0x4C00, s13  }
0x7: {  	s6 =	sadd.s32 $0xC800, s0;
	s9 =	sadd.s32 $0x3DA00, s0;
	s15 =	smul.u32 $0x4F000, s13  }
0x8: {  	s21 =	sshll.u32 s13, $0x3;
	s31 =	sshll.u32 s13, $0x6;
	s7 =	smul.u32 $0x13C000, s2  }
0x9: {  	_ =	strace $0x8000004D;
	[dreg:$0x3] =	wrdreg s9;
	s10 =	ssub.s32 $0x2, s2  }
0xa: {  	p0 =	seq.s32 s2, $0x0;
	s14 =	sor.u32 $0x980, s21;
	s9 =	simm.s32 $0x13  }
0xb: {  	s19 =	sor.u32 $0x1C06, s31;
	s21 =	simm.s32 $0x80;
	s22 =	sshrl.u32 s10, $0x1  }
0xc: {  	s9 =	simm.s32 @!p0 $0x1;
	s12 =	sshrl.u32 s11, $0x3;
	s7 =	sadd.s32 s8, s7  }
0xd: {  	s8 =	smul.u32 $0x98, s13;
	s25 =	sadd.s32 $0x80, s12;
	s7 =	sshrl.u32 s7, $0x3  }
0xe: {  	s30 =	sshrl.u32 s15, $0x2;
	s26 =	sadd.s32 s5, s25;
	s0 =	sadd.s32 s7, s0  }
0xf: {  	s14 =	smov.u32 @p0 s8;
	s8 =	simm.s32 $0x98;
	s7 =	ssub.s32 s10, s22  }
0x10: {  	[dreg:$0x6] =	wrdreg s26;
	s22 =	simm.s32 $0x1000;
	s26 =	simm.s32 $0x4  }
0x11: {  	s8 =	simm.s32 @!p0 $0x8;
	s23 =	sshll.u32 s14, $0x4;
	s14 =	sshrl.u32 s14, $0x3  }
.Ltmp0:
0x12: {  	s15 =	sadd.s32 $0x40200, s0;
	s24 =	sadd.s32 s5, s23;
	(pc) =	sbr.rel .LBB2_1-.Ltmp0, $4  }
0x13: {  	s16 =	smax.u32 s7, $0x1;
	s10 =	sadd.s32 s6, s23;
	[dreg:$0x4] =	wrdreg s24  }
0x14: {  	p0 =	sne.s32 s2, $0x0;
	[dreg:$0x5] =	wrdreg s10;
	s10 =	sadd.s32 s6, s25  }
0x15: {  	s23 =	simm.s32 $0x2;
	[dreg:$0x7] =	wrdreg s10;
	s10 =	sadd.s32 s30, s1  }
0x16: {  	s24 =	simm.s32 $0x5000;
	s25 =	simm.s32 $0x3;
	s20 =	sshrl.u32 s10, $0x3  }
.LBB2_9:
0x17: {  	_ =	swait.ge [sflag:s26], $0x4000  }
0x18: {  	s29 =	sadd.s32 $0x1, s29;
	[sflag:s26] =	ssyncset.done $0x0  }
0x19: {  	p1 =	sne.s32 s29, s16;
	[sflag:s26] =	ssyncadd.s32 $0xFFFFC000  }
.Ltmp1:
0x1a: {  	[bflag:$0x0] =	sbarrier.arrive $0xFFFF;
	(pc) =	sbr.rel @!p1 .LBB2_10-.Ltmp1, $4  }
0x1b: {  	[hbm:s15], [sflag:s19] =	dma.local [spmem:s20], $0x2780  }
0x1c: {  	_ =	swait.ge [sflag:s17], $0x2780  }
0x1d: {  	[sflag:s17] =	ssyncset.done $0x0  }
0x1e: {  	[sflag:s17] =	ssyncadd.s32 $0xFFFFD880  }
.LBB2_1:
0x1f: {  	s0 =	rddreg [dreg:$0x4]  }
0x20: {  	[tilespmem:s3], [sflag:$0x6] =	stream.linear.gather [hbm4b:s0+s3], $0x400, $0x38;
	[tilespmem:$0x1CC00] =	vst v63  }
0x21: {  	_ =	swait.ge [sflag:s17], $0x400  }
0x22: {  	[sflag:s17] =	ssyncset.done $0x0  }
0x23: {  	s2 =	simm.s32 $0x800;
	s30 =	rddreg [dreg:$0x5];
	[sflag:s17] =	ssyncadd.s32 $0xFFFFFC00  }
0x24: {  	[tilespmem:s2], [sflag:$0x6] =	stream.linear.gather [hbm4b:s30+s3], $0x400, $0x38;
	[tilespmem:$0x1CC00] =	vst v63  }
0x25: {  	_ =	swait.ge [sflag:s17], $0x400  }
0x26: {  	s0 =	simm.s32 @!p0 $0x0;
	[sflag:s17] =	ssyncset.done $0x0;
	s7 =	rddreg [dreg:$0x6]  }
0x27: {  	s2 =	simm.s32 @!p0 $0x400;
	s31 =	rddreg [dreg:$0x3];
	[sflag:s17] =	ssyncadd.s32 $0xFFFFFC00  }
0x28: {  	[tilespmem:s2], [sflag:$0x5] =	stream.linear.gather @!p0 [hbm4b:s7+s0], $0x400, $0x38;
	[tilespmem:$0x1CC00] =	vst v63  }
0x29: {  	s2 =	simm.s32 @!p0 $0xC00;
	s7 =	rddreg [dreg:$0x7]  }
0x2a: {  	[tilespmem:s2], [sflag:$0x5] =	stream.linear.gather @!p0 [hbm4b:s7+s0], $0x400, $0x38;
	[tilespmem:$0x1CC00] =	vst v63  }
0x2b: {  	[spmem:s20], [sflag:s19] =	dma.local [hbm:s31], $0x2780  }
.Ltmp2:
0x2c: {  	_ =	swait.ge [sflag:s17], $0x2780;
	(pc) =	sbr.rel .LBB2_2-.Ltmp2, $4  }
0x2d: {  	[sflag:s17] =	ssyncset.done $0x0  }
0x2e: {  	[sflag:s17] =	ssyncadd.s32 $0xFFFFD880  }
0x2f: {  	s10 =	simm.s32 $0x0;
	[bflag:$0x0] =	sbarrier.arrive $0xFFFF  }
0x30: {  	[tilespmem:s22], [sflag:$0x1] =	stream.indirect.gather [hbm4b:s4+s21], $0x80, s3, s21, $0xb8;
	[tilespmem:$0x1CC00] =	vst v63  }
.LBB2_6:
0x31: {  	p1 =	sne.s32 s31, $0x7  }
0x32: {  	p2 =	sge.u32 @!p1 s0, s9  }
0x33: {  	p1 =	por p2, p1  }
0x34: {  	s0 =	simm.s32 @!p1 $0x5  }
0x35: {  	_ =	swait.ge @!p1 [sflag:s0], $0x400  }
0x36: {  	[sflag:s0] =	ssyncset.done @!p1 $0x0  }
0x37: {  	[sflag:s0] =	ssyncadd.s32 @!p1 $0xFFFFFC00  }
0x38: {  	_ =	swait.ge @!p1 [sflag:s0], $0x400  }
0x39: {  	[sflag:s0] =	ssyncset.done @!p1 $0x0  }
0x3a: {  	[sflag:s0] =	ssyncadd.s32 @!p1 $0xFFFFFC00  }
.LBB2_7:
0x3b: {  	s30 =	sadd.s32 $0x1, s10  }
0x3c: {  	p1 =	sge.u32 s30, s8  }
0x3d: {  	s0 =	sshll.u32 @!p1 s30, $0x7  }
0x3e: {  	s2 =	simm.s32 @!p1 $0x80;
	s7 =	simm.s32 @!p1 $0x1000;
	s0 =	sand.u32 @!p1 $0x780, s0  }
0x3f: {  	[tilespmem:s7], [sflag:$0x1] =	stream.indirect.gather @!p1 [hbm4b:s4+s2], $0x80, s0, s2, $0xb8;
	[tilespmem:$0x1CC00] =	vst v63  }
.LBB2_8:
0x40: {  	p1 =	sne.s32 s30, s8  }
.Ltmp3:
0x41: {  	_ = 	snop;
	(pc) =	sbr.rel @!p1 .LBB2_9-.Ltmp3, $2  }
0x42: {  	_ =	sdelay $0x2  }
0x43: {  	s10 =	smov.u32 s30  }
.LBB2_2:
0x44: {  	s2 =	sand.u32 $0x1, s10  }
0x45: {  	p1 =	seq.s32 s2, $0x0  }
.Ltmp4:
0x46: {  	_ = 	snop;
	(pc) =	sbr.rel @!p1 .LBB2_4-.Ltmp4, $4  }
0x47: {  	_ = 	snop  }
0x48: {  	s0 =	sshrl.u32 s10, $0x3  }
0x49: {  	s31 =	sand.u32 $0x7, s10;
	s7 =	sand.u32 $0x1, s0;
	s0 =	sadd.s32 $0x1, s0  }
0x4a: {  	s18 =	sshll.u32 s31, $0x9;
	s2 =	sand.u32 $0x1, s0;
	s7 =	sshll.u32 s7, $0xC  }
0x4b: {  	_ =	swait.ge [sflag:s28], $0x4000;
	s30 =	sor.u32 s18, s7;
	p2 =	seq.s32 s10, $0x0  }
0x4c: {  	[sflag:s28] =	ssyncset.done $0x0;
	s30 =	sshrl.u32 s30, $0x2;
	p3 =	sne.s32 @!p2 s31, $0x0  }
0x4d: {  	[sflag:s28] =	ssyncadd.s32 $0xFFFFC000;
	s30 =	sor.u32 $0x800, s30;
	p4 =	por p3, p2  }
0x4e: {  	[spmem:s1] =	stream.indirect.scatter.add.f32 [tilespmem:s22], [sflag:$0x3], $0x80, s30, s21, $0xb8;
	[tilespmem:$0x1CC00] =	vst v63  }
0x4f: {  	p4 =	sge.u32 @!p4 s0, s9  }
0x50: {  	p3 =	por @!p2 p4, p3  }
0x51: {  	s30 =	simm.s32 @!p2 $0x4;
	p3 =	por p3, p2  }
0x52: {  	_ =	swait.ge @!p2 [sflag:s30], $0x4000;
	s11 =	sadd.s32 @!p3 s14, s0  }
0x53: {  	[sflag:s30] =	ssyncset.done @!p2 $0x0;
	s11 =	sshll.u32 @!p3 s11, $0x7  }
0x54: {  	[sflag:s30] =	ssyncadd.s32 @!p2 $0xFFFFC000;
	s11 =	sand.u32 @!p3 $0x1FFFFF80, s11  }
0x55: {  	s30 =	sshll.u32 @!p3 s2, $0xA;
	s13 =	simm.s32 @!p3 $0x0;
	s12 =	sadd.s32 @!p3 s5, s11  }
0x56: {  	[tilespmem:s30], [sflag:$0x5] =	stream.linear.gather @!p3 [hbm4b:s12+s13], $0x400, $0x38;
	[tilespmem:$0x1CC00] =	vst v63  }
0x57: {  	s12 =	sor.u32 @!p3 $0x800, s30;
	s30 =	sor.u32 $0x1, s10  }
.Ltmp5:
0x58: {  	s11 =	sadd.s32 @!p3 s6, s11;
	p2 =	sge.u32 s30, s8;
	(pc) =	sbr.rel @p1 .LBB2_8-.Ltmp5, $4  }
0x59: {  	[tilespmem:s12], [sflag:$0x5] =	stream.linear.gather @!p3 [hbm4b:s11+s13], $0x400, $0x38;
	[tilespmem:$0x1CC00] =	vst v63  }
0x5a: {  	s11 =	sshll.u32 @!p2 s30, $0x7  }
0x5b: {  	s12 =	simm.s32 @!p2 $0x80;
	s13 =	simm.s32 @!p2 $0x5000;
	s11 =	sand.u32 @!p2 $0x780, s11  }
0x5c: {  	[tilespmem:s13], [sflag:$0x2] =	stream.indirect.gather @!p2 [hbm4b:s4+s12], $0x80, s11, s12, $0xb8;
	[tilespmem:$0x1CC00] =	vst v63  }
.LBB2_4:
0x5d: {  	p1 =	seq.s32 s10, $0x0  }
0x5e: {  	p2 =	sne.s32 @!p1 s31, $0x0  }
0x5f: {  	_ =	swait.ge [sflag:s23], $0x4000;
	p1 =	por p1, p2  }
0x60: {  	s7 =	sshrl.u32 s7, $0x2;
	s11 =	sshrl.u32 s18, $0x2;
	p2 =	sge.u32 @!p1 s0, s9  }
0x61: {  	[sflag:s23] =	ssyncset.done $0x0;
	s7 =	sadd.s32 s11, s7;
	p1 =	por p1, p2  }
.Ltmp6:
0x62: {  	[sflag:s23] =	ssyncadd.s32 $0xFFFFC000;
	s7 =	sadd.s32 $0x800, s7;
	(pc) =	sbr.rel @p1 .LBB2_6-.Ltmp6, $4  }
0x63: {  	[spmem:s1] =	stream.indirect.scatter.add.f32 [tilespmem:s24], [sflag:$0x4], $0x80, s7, s21, $0xb8;
	[tilespmem:$0x1CC00] =	vst v63  }
0x64: {  	_ =	swait.ge [sflag:s25], $0x4000  }
0x65: {  	[sflag:s25] =	ssyncset.done $0x0  }
0x66: {  	[sflag:s25] =	ssyncadd.s32 $0xFFFFC000  }
0x67: {  	s0 =	sadd.s32 s14, s0  }
0x68: {  	s0 =	sshll.u32 s0, $0x7  }
.Ltmp7:
0x69: {  	s0 =	sand.u32 $0x1FFFFF80, s0;
	(pc) =	sbr.rel .LBB2_7-.Ltmp7, $4  }
0x6a: {  	s2 =	sshll.u32 s2, $0xA;
	s7 =	sadd.s32 s5, s0  }
0x6b: {  	[tilespmem:s2], [sflag:$0x5] =	stream.linear.gather [hbm4b:s7+s3], $0x400, $0x38;
	[tilespmem:$0x1CC00] =	vst v63  }
0x6c: {  	s0 =	sadd.s32 s6, s0;
	s2 =	sor.u32 $0x800, s2  }
0x6d: {  	[tilespmem:s2], [sflag:$0x5] =	stream.linear.gather [hbm4b:s0+s3], $0x400, $0x38;
	[tilespmem:$0x1CC00] =	vst v63  }
.LBB2_10:
0x6e: {  	_ =	sfence.sel $0x180000  }
0x6f: {  	[bflag:$0x0] =	sbarrier.arrive $0xFFFF  }
0x70: {  	_ =	strace $0x9000004D  }
0x71: {  	s0 =	stileid.u32;
	[bflag:$0x2] =	sbarrier.arrive $0xFFFF  }
0x72: {  	p0 =	sne.s32 s0, $0x0;
	s0 =	rddreg [dreg:$0x2]  }
0x73: {  	s0 =	sadd.s32 @!p0 $0x100000, s0  }
0x74: {  	[sflag:s0] =	ssyncadd.tile.s32 @!p0 $0x1;
	_ =	shalt  }
.Lfunc_end2:
_tile_overlayer_lowered:
.L_overlay_start_2:
0x75: {  	(tag) =	ssettag $0x2  }
0x76: {  	s0 =	rddreg [dreg:$0x0];
	s2 =	stileid.u32  }
0x77: {  	s1 =	rddreg [dreg:$0x1];
	p0 =	sne.s32 s2, $0x0  }
0x78: {  	s3 =	rddreg [dreg:$0x2];
	[bflag:$0x3] =	sbarrier.arrive $0xFFFF;
	s2 =	simm.s32 @!p0 $0x1C06  }
0x79: {  	[timem:s3], [sflag:s2] =	dma.local @!p0 [hbm:s0], s1  }
0x7a: {  	s0 =	simm.s32 @!p0 $0x6  }
0x7b: {  	_ =	swait.ge @!p0 [sflag:s0], s1  }
0x7c: {  	s1 =	ssub.s32 @!p0 $0x0, s1;
	[sflag:s0] =	ssyncset.done @!p0 $0x0  }
0x7d: {  	[sflag:s0] =	ssyncadd.s32 @!p0 s1  }
0x7e: {  	[bflag:$0x3] =	sbarrier.arrive $0xFFFF  }
0x7f: {  	_ =	shalt  }

// kernel: kernel.8.cloned.1.call-start
scs
__scs_entry_jumppad:
0x0: {  	(pc) =	sbr.rel $0x88, $3  }
0x1: {  	(tag) =	ssettag $0x0;
	lr =	simm.s32 $0x1  }
0x2: {  	[smem:$0x3F98] =	sst lr;
	_ =	strace $0xD0000000  }
0x3: {  	_ = 	snop  }
0x4: {  	_ = 	snop  }
0x5: {  	_ = 	snop  }
0x6: {  	_ = 	snop  }
0x7: {  	_ = 	snop  }
__scs_overlays_trampoline_lowered:
0x8: {  	[smem:$0x3FA7] =	sst s0  }
0x9: {  	[smem:$0x3FA8] =	sst s1  }
0xa: {  	[smem:$0x3FA9] =	sst s2  }
0xb: {  	[smem:$0x3FAA] =	sst s3  }
0xc: {  	[smem:$0x3FAB] =	sst s4  }
0xd: {  	[smem:$0x3FAC] =	sst s5  }
0xe: {  	[smem:$0x3FAD] =	sst s6  }
0xf: {  	[smem:$0x3FAE] =	sst s7  }
0x10: {  	[smem:$0x3FAF] =	sst s8  }
0x11: {  	[smem:$0x3FB0] =	sst s9;
	s0 =	simm.s32 @!p0 $0x0  }
0x12: {  	s1 =	sld [smem:$0x3F96];
	s0 =	simm.s32 @p0 $0x1  }
0x13: {  	[smem:$0x3FB1] =	sst s0;
	s0 =	simm.s32 @!p1 $0x0  }
0x14: {  	s2 =	sld [smem:$0x3F95];
	s0 =	simm.s32 @p1 $0x1  }
0x15: {  	[smem:$0x3FB2] =	sst s0;
	s0 =	simm.s32 @!p2 $0x0  }
0x16: {  	s3 =	sld [smem:$0x3FDB];
	s0 =	simm.s32 @p2 $0x1  }
0x17: {  	s4 =	simm.s32 $0x1BF5;
	[smem:$0x3FB4] =	sst s0  }
0x18: {  	s0 =	sld [smem:$0x3F97];
	_ =	swait.ge [sflag:s4], $0x0  }
0x19: {  	s7 =	sld [smem:$0x3F98]  }
0x1a: {  	s8 =	sadd.s32 $0xFFFFE003, lr  }
0x1b: {  	s9 =	sadd.s32 $0xFFFFFEF7, lr;
	s5 =	simm.s32 $0xFFFFFFFF;
	p2 =	slt.u32 s8, $0xFFFFF086  }
0x1c: {  	p1 =	slt.u32 s9, $0xF7A;
	s5 =	simm.s32 @!p2 $0x0  }
0x1d: {  	s5 =	simm.s32 @p1 $0x1;
	p0 =	seq.s32 s7, s2  }
0x1e: {  	s7 =	smul.u32 @!p0 $0xF7A, s2;
	p2 =	seq.s32 @!p0 s5, $0x0  }
0x1f: {  	s9 =	smul.u32 $0xF7A, s1;
	s8 =	simm.s32 @!p0 $0x1BF5;
	p2 =	por !p2, p0  }
0x20: {  	[sflag:s8] =	ssyncset.s32 @!p0 $0xFFFFF086;
	s6 =	sadd.s32 @!p0 s3, s7;
	s7 =	simm.s32 @!p0 $0x108  }
0x21: {  	s3 =	sadd.s32 s3, s9;
	s6 =	sadd.s32 @!p0 $0x88, s6;
	s7 =	simm.s32 @p2 $0x1082  }
0x22: {  	[simem:s7], [sflag:s8] =	dma.local @!p0 [hbm:s6], $0xF7A  }
0x23: {  	s9 =	sor.u32 $0xD0000000, s2;
	s6 =	simm.s32 $0x108;
	_ =	swait.ge @!p0 [sflag:s8], $0x0  }
0x24: {  	s3 =	sadd.s32 $0x88, s3;
	s6 =	simm.s32 @!p1 $0x1082;
	[sflag:s4] =	ssyncset.s32 $0xFFFFF086  }
0x25: {  	[simem:s6], [sflag:s4] =	dma.local [hbm:s3], $0xF7A  }
0x26: {  	[smem:$0x3F98] =	sst s1;
	(tag) =	ssettag s2;
	_ =	strace s9  }
0x27: {  	s1 =	sld [smem:$0x3FA8]  }
0x28: {  	s2 =	sld [smem:$0x3FA9]  }
0x29: {  	s4 =	sld [smem:$0x3FAB]  }
0x2a: {  	p0 =	seq.s32 s5, $0x0;
	s5 =	sld [smem:$0x3FAC]  }
0x2b: {  	s6 =	sld [smem:$0x3FAD]  }
0x2c: {  	s7 =	sld [smem:$0x3FAE]  }
0x2d: {  	s3 =	simm.s32 $0x108;
	s8 =	sld [smem:$0x3FAF]  }
0x2e: {  	s3 =	simm.s32 @!p0 $0x1082;
	s9 =	sld [smem:$0x3FB0]  }
0x2f: {  	lr =	sadd.s32 s0, s3;
	s0 =	sld [smem:$0x3FA7]  }
0x30: {  	s3 =	sld [smem:$0x3FAA]  }
0x31: {  	[smem:$0x3FB3] =	sst s10  }
0x32: {  	s10 =	sld [smem:$0x3FB1];
	_ =	sdelay $0x3  }
0x33: {  	p0 =	seq.s32 s10, $0x1;
	s10 =	sld [smem:$0x3FB3];
	_ =	sdelay $0x3  }
0x34: {  	[smem:$0x3FB3] =	sst s10  }
0x35: {  	s10 =	sld [smem:$0x3FB2];
	_ =	sdelay $0x3  }
0x36: {  	p1 =	seq.s32 s10, $0x1;
	s10 =	sld [smem:$0x3FB3];
	_ =	sdelay $0x3  }
0x37: {  	[smem:$0x3FB3] =	sst s10  }
0x38: {  	s10 =	sld [smem:$0x3FB4]  }
0x39: {  	_ = 	snop;
	(pc) =	sbr.ind lr, $3  }
0x3a: {  	_ = 	snop  }
0x3b: {  	_ = 	snop  }
0x3c: {  	p2 =	seq.s32 s10, $0x1;
	s10 =	sld [smem:$0x3FB3]  }
0x3d: {  	_ =	shalt  }
0x3e: {  	_ =	shalt  }
0x3f: {  	_ =	shalt  }
0x40: {  	_ =	shalt  }
0x41: {  	_ =	shalt  }
0x42: {  	_ =	shalt  }
0x43: {  	_ =	shalt  }
0x44: {  	_ =	shalt  }
0x45: {  	_ =	shalt  }
0x46: {  	_ =	shalt  }
0x47: {  	_ =	shalt  }
0x48: {  	_ =	shalt  }
0x49: {  	_ =	shalt  }
0x4a: {  	_ =	shalt  }
0x4b: {  	_ =	shalt  }
0x4c: {  	_ =	shalt  }
0x4d: {  	_ =	shalt  }
0x4e: {  	_ =	shalt  }
0x4f: {  	_ =	shalt  }
0x50: {  	_ =	shalt  }
0x51: {  	_ =	shalt  }
0x52: {  	_ =	shalt  }
0x53: {  	_ =	shalt  }
0x54: {  	_ =	shalt  }
0x55: {  	_ =	shalt  }
0x56: {  	_ =	shalt  }
0x57: {  	_ =	shalt  }
0x58: {  	_ =	shalt  }
0x59: {  	_ =	shalt  }
0x5a: {  	_ =	shalt  }
0x5b: {  	_ =	shalt  }
0x5c: {  	_ =	shalt  }
0x5d: {  	_ =	shalt  }
0x5e: {  	_ =	shalt  }
0x5f: {  	_ =	shalt  }
0x60: {  	_ =	shalt  }
0x61: {  	_ =	shalt  }
0x62: {  	_ =	shalt  }
0x63: {  	_ =	shalt  }
0x64: {  	_ =	shalt  }
0x65: {  	_ =	shalt  }
0x66: {  	_ =	shalt  }
0x67: {  	_ =	shalt  }
0x68: {  	_ =	shalt  }
0x69: {  	_ =	shalt  }
0x6a: {  	_ =	shalt  }
0x6b: {  	_ =	shalt  }
0x6c: {  	_ =	shalt  }
0x6d: {  	_ =	shalt  }
0x6e: {  	_ =	shalt  }
0x6f: {  	_ =	shalt  }
0x70: {  	_ =	shalt  }
0x71: {  	_ =	shalt  }
0x72: {  	_ =	shalt  }
0x73: {  	_ =	shalt  }
0x74: {  	_ =	shalt  }
0x75: {  	_ =	shalt  }
0x76: {  	_ =	shalt  }
0x77: {  	_ =	shalt  }
0x78: {  	_ =	shalt  }
0x79: {  	_ =	shalt  }
0x7a: {  	_ =	shalt  }
0x7b: {  	_ =	shalt  }
0x7c: {  	_ =	shalt  }
0x7d: {  	_ =	shalt  }
0x7e: {  	_ =	shalt  }
0x7f: {  	_ =	shalt  }
0x80: {  	_ =	shalt  }
0x81: {  	_ =	shalt  }
0x82: {  	_ =	shalt  }
0x83: {  	_ =	shalt  }
0x84: {  	_ =	shalt  }
0x85: {  	_ =	shalt  }
0x86: {  	_ =	shalt  }
0x87: {  	_ =	shalt  }
.Lfunc_end0:
.L_simem_size_0:
called_computation_lowered:
.L_overlay_start_0:
0x88: {  	s2 =	sld [smem:$0x3FD9]  }
0x89: {  	s3 =	sld [smem:$0x3FFE];
	_ =	sdelay $0x1  }
0x8a: {  	s1 =	srdreg.scid  }
0x8b: {  	s0 =	sand.u32 $0x1, s1  }
0x8c: {  	s16 =	sshll.u32 s0, $0xA;
	s2 =	sadd.s32 s3, s2  }
0x8d: {  	s2 =	sadd.s32 s2, s16  }
0x8e: {  	[smem:$0x3FBF] =	sst s2  }
0x8f: {  	_ = 	snop  }
0x90: {  	(tm) =	ssettm $0x1  }
0x91: {  	s17 =	sld [smem:$0x3FFB];
	_ =	sdelay $0x3  }
0x92: {  	_ =	strace s17  }
0x93: {  	s2 =	sld [smem:$0x3FFC];
	_ =	sdelay $0x3  }
0x94: {  	_ =	strace s2  }
0x95: {  	s2 =	sld [smem:$0x3FFD];
	_ =	sdelay $0x3  }
0x96: {  	_ =	strace s2  }
0x97: {  	_ =	strace $0x8FFFFFFF  }
0x98: {  	s18 =	sld [smem:$0x3FDB];
	_ =	sdelay $0x1  }
0x99: {  	s19 =	simm.s32 $_scs_section_size  }
0x9a: {  	s4 =	simm.s32 $_size__tile_overlayer_lowered;
	s5 =	simm.s32 $_tile_overlayer_lowered  }
0x9b: {  	s22 =	simm.s32 $0x1BFF;
	s21 =	sshll.u32 s5, $0x1;
	s2 =	sadd.s32 s19, s18  }
0x9c: {  	s6 =	simm.s32 $0x0;
	s20 =	sshll.u32 s4, $0x1;
	s4 =	sadd.s32 s21, s2  }
0x9d: {  	[timem:s6], [sflag:s22] =	dma.local [hbm:s4], s20  }
0x9e: {  	_ =	swait.ge [sflag:s22], s20  }
0x9f: {  	s3 =	ssub.s32 $0x0, s20;
	[sflag:s22] =	ssyncset.done $0x0  }
0xa0: {  	[sflag:s22] =	ssyncadd.s32 s3;
	_ =	sdelay $0x1  }
0xa1: {  	s23 =	simm.s32 $0x1B8B  }
0xa2: {  	_ =	swait.ge [sflag:s23], $0x1  }
0xa3: {  	[sflag:s23] =	ssyncset.done $0x0  }
0xa4: {  	s25 =	simm.s32 $0x1B8E;
	s24 =	sld [smem:$0x3FFE];
	[sflag:s23] =	ssyncadd.s32 $0xFFFFFFFF  }
0xa5: {  	s26 =	simm.s32 $execute0_lowered;
	[smem:$0x3FD2] =	sst s25  }
0xa6: {  	s4 =	sshll.u32 s26, $0x1;
	_ =	strace $0x80000046;
	[dreg:$0x1] =	wrdreg $0xFFFFFFFF  }
0xa7: {  	s28 =	simm.s32 $_size_execute0_lowered;
	s2 =	sadd.s32 s2, s4;
	[dreg:$0x0] =	wrdreg $0x0  }
0xa8: {  	s4 =	sshll.u32 s28, $0x1;
	[dreg:$0x2] =	wrdreg s2  }
0xa9: {  	[dreg:$0x3] =	wrdreg s4  }
0xaa: {  	[dreg:$0x4] =	wrdreg $0xC0  }
0xab: {  	_ =	task [dreg:s6], $0x5FFFF  }
0xac: {  	[dreg:$0x1] =	wrdreg $0xFFFFFFFF  }
0xad: {  	[dreg:$0x0] =	wrdreg $0x60  }
0xae: {  	[dreg:$0x2] =	wrdreg s24  }
0xaf: {  	[dreg:$0x3] =	wrdreg $0x9  }
0xb0: {  	_ =	task.clear_ibuf [dreg:s6], $0x4FFFF;
	_ =	strace $0x90000046  }
0xb1: {  	s29 =	simm.s32 $0x9;
	_ =	strace $0x80000048  }
0xb2: {  	_ =	swait.ge [sflag:s29], $0x1  }
0xb3: {  	[sflag:s29] =	ssyncadd.s32 $0xFFFFFFFF  }
0xb4: {  	_ =	strace $0x90000048  }
0xb5: {  	_ =	sfence  }
0xb6: {  	s30 =	sld [smem:$0x0];
	_ =	sdelay $0x2  }
0xb7: {  	s31 =	sshll.u32 s1, $0xD;
	s1 =	sshrl.u32 s1, $0x2  }
0xb8: {  	s3 =	sand.u32 $0x4000, s31;
	s1 =	sadd.s32 s1, s30  }
0xb9: {  	s0 =	sor.u32 s3, s0;
	s1 =	sshll.u32 s1, $0x11  }
0xba: {  	s0 =	sor.u32 s1, s0  }
0xbb: {  	s0 =	sadd.s32 $0x8F2B, s0  }
0xbc: {  	[sflag:s0] =	ssyncadd.remote.s32 $0x1  }
0xbd: {  	_ =	sfence.sel $0xFFFF  }
0xbe: {  	[dreg:$0x0] =	wrdreg $0xFFFFFFFF;
	(pc) =	sbr.abs _section_cstart, $3  }
0xbf: {  	[dreg:$0x1] =	wrdreg $0xFFFFFFFF  }
0xc0: {  	_ =	task.clear_ibuf [dreg:s6], $0x2FFFF;
	_ =	strace $0x9FFFFFFF  }
0xc1: {  	(tm) =	ssettm $0x7FFFFFFF  }
tec
execute0_lowered:
.L_overlay_start_1:
0x0: {  	(tag) =	ssettag $0x1  }
0x1: {  	s0 =	srdreg.scid  }
0x2: {  	s5 =	rddreg [dreg:$0x0];
	s3 =	sand.u32 $0x1, s0  }
0x3: {  	s2 =	simm.s32 $0x0;
	s0 =	stileid.u32;
	s1 =	sshll.u32 s3, $0x4  }
0x4: {  	s8 =	simm.s32 $0x80;
	s9 =	simm.s32 $0x400;
	s4 =	sor.u32 s0, s1  }
0x5: {  	s10 =	simm.s32 $0x0;
	[smem:$0x7FF] =	sst s2;
	s1 =	sshrl.u32 s4, $0x3  }
0x6: {  	s7 =	sshll.u32 s0, $0x7;
	s3 =	ssub.s32 $0x2, s3;
	s6 =	smul.u32 $0x13C00, s1  }
0x7: {  	s7 =	sand.u32 $0x380, s7;
	s31 =	sshrl.u32 s3, $0x1;
	s4 =	smul.u32 $0x500, s4  }
0x8: {  	s1 =	rddreg [dreg:$0x1];
	_ =	strace $0x80000047;
	s6 =	sor.u32 s7, s6  }
0x9: {  	s4 =	sadd.s32 s4, s5;
	s7 =	simm.s32 $0x2800;
	s6 =	sshrl.u32 s6, $0x3  }
0xa: {  	s5 =	sadd.s32 s6, s5;
	s6 =	ssub.s32 s3, s31;
	s3 =	sadd.s32 $0xC800, s4  }
0xb: {  	v0 =	vimm.f32 $0.0e+00;
	v1 =	vimm.f32 $1.000000000e+00;
	s4 =	sadd.s32 $0x16800, s5;
	s5 =	smax.u32 s6, $0x1;
	s6 =	simm.s32 $0x1  }
.LBB2_1:
0xc: {  	[tilespmem:s2], [sflag:$0x1] =	stream.linear.gather [hbm4b:s3+s2], $0x2800, $0x38;
	[tilespmem:$0x4F80] =	vst v63  }
0xd: {  	_ =	swait.ge [sflag:s6], $0x2800  }
0xe: {  	[sflag:s6] =	ssyncset.done $0x0  }
0xf: {  	s11 =	simm.s32 $0x0;
	[sflag:s6] =	ssyncadd.s32 $0xFFFFD800  }
.LBB2_2:
0x10: {  	p0 =	sne.s32 s11, $0x9DC0  }
.Ltmp0:
0x11: {  	_ = 	snop;
	(pc) =	sbr.rel @p0 .LBB2_2-.Ltmp0, $3  }
0x12: {  	_ =	sdelay $0x1  }
0x13: {  	s12 =	sshra.s32 s11, $0x2  }
0x14: {  	s11 =	sadd.s32 $0x40, s11;
	[tilespmem:s12+$0x2800] =	vst v0  }
0x15: {  	s11 =	simm.s32 $0x0  }
0x16: {  	s12 =	sand.u32 $0xFE00, s11  }
0x17: {  	s11 =	sand.u32 $0x70, s11;
	s12 =	sshrl.u32 s12, $0x2  }
0x18: {  	s11 =	sor.u32 s11, s12  }
0x19: {  	v2 =	vld [tilespmem:s11+$0x0];
	_ =	sdelay $0x4  }
0x1a: {  	s13 =	simm.s32 $0x40  }
0x1b: {  	s13 =	sand.u32 $0xFE00, s13;
	s12 =	simm.s32 $0x80;
	s11 =	simm.s32 $0x10  }
.LBB2_4:
0x1c: {  	p0 =	sne.s32 s12, $0x9FC0;
	s14 =	sand.u32 $0x70, s11;
	s13 =	sshrl.u32 s13, $0x2  }
0x1d: {  	s13 =	sor.u32 s14, s13;
	[tilespmem:v2+s7+$0x0] =	vst.idx.add.f32.msk $0xffff, v1  }
0x1e: {  	v2 =	vld [tilespmem:s13+$0x0];
	_ =	sdelay $0x1  }
.Ltmp1:
0x1f: {  	(pc) =	sbr.rel @p0 .LBB2_4-.Ltmp1, $2  }
0x20: {  	_ =	sdelay $0x2  }
0x21: {  	s11 =	sadd.s32 $0x10, s11;
	s13 =	sand.u32 $0xFE00, s12;
	s12 =	sadd.s32 $0x40, s12  }
0x22: {  	_ =	sdelay $0x2  }
0x23: {  	s11 =	sand.u32 $0x70, s11;
	s12 =	sshrl.u32 s13, $0x2  }
0x24: {  	[tilespmem:v2+s7+$0x0] =	vst.idx.add.f32.msk $0xffff, v1;
	s11 =	sor.u32 s11, s12  }
0x25: {  	v2 =	vld [tilespmem:s11+$0x0];
	_ =	sdelay $0x5  }
0x26: {  	s10 =	sadd.s32 $0x1, s10  }
0x27: {  	p0 =	sne.s32 s10, s5  }
.Ltmp2:
0x28: {  	[tilespmem:v2+s7+$0x0] =	vst.idx.add.f32.msk $0xffff, v1;
	(pc) =	sbr.rel @p0 .LBB2_1-.Ltmp2, $4  }
0x29: {  	[hbm4b:s4+s8] =	stream.strided.scatter [tilespmem:s7], [sflag:$0x1], $0x2780, s9, s8, $0x38;
	[tilespmem:$0x4F80] =	vst v63  }
0x2a: {  	_ =	swait.ge [sflag:s6], $0x2780  }
0x2b: {  	[sflag:s6] =	ssyncset.done $0x0  }
0x2c: {  	[sflag:s6] =	ssyncadd.s32 $0xFFFFD880  }
0x2d: {  	_ =	sfence.sel $0x180000  }
0x2e: {  	[bflag:$0x0] =	sbarrier.arrive $0xFFFF  }
0x2f: {  	p0 =	sne.s32 s0, $0x0;
	_ =	strace $0x90000047  }
0x30: {  	s0 =	sadd.s32 @!p0 $0x100000, s1;
	[bflag:$0x2] =	sbarrier.arrive $0xFFFF  }
0x31: {  	[sflag:s0] =	ssyncadd.tile.s32 @!p0 $0x1;
	_ =	shalt  }
.Lfunc_end2:
_tile_overlayer_lowered:
.L_overlay_start_2:
0x32: {  	(tag) =	ssettag $0x2  }
0x33: {  	s0 =	rddreg [dreg:$0x0];
	s2 =	stileid.u32  }
0x34: {  	s1 =	rddreg [dreg:$0x1];
	p0 =	sne.s32 s2, $0x0  }
0x35: {  	s3 =	rddreg [dreg:$0x2];
	[bflag:$0x3] =	sbarrier.arrive $0xFFFF;
	s2 =	simm.s32 @!p0 $0x1C01  }
0x36: {  	[timem:s3], [sflag:s2] =	dma.local @!p0 [hbm:s0], s1  }
0x37: {  	s0 =	simm.s32 @!p0 $0x1  }
0x38: {  	_ =	swait.ge @!p0 [sflag:s0], s1  }
0x39: {  	s1 =	ssub.s32 @!p0 $0x0, s1;
	[sflag:s0] =	ssyncset.done @!p0 $0x0  }
0x3a: {  	[sflag:s0] =	ssyncadd.s32 @!p0 s1  }
0x3b: {  	[bflag:$0x3] =	sbarrier.arrive $0xFFFF  }
0x3c: {  	_ =	shalt  }

</sc_bundles>
